<compile_context>
chip_gen: v7x
topology: tpu7x:2x2x1
jax: 0.10.2.dev20260603
libtpu: 0.0.44.dev20260713+nightly
codegen_flags: <defaults>
</compile_context>

<pallas_src>
import functools

import jax
import jax.numpy as jnp
from jax import lax
from jax.experimental import pallas as pl
from jax.experimental.pallas import tpu as pltpu
from jax.experimental.pallas import tpu_sc as plsc

_RES = 7
_NPIX = _RES * _RES
_SLOTS = _NPIX * 16
_CHUNK_PIX = 7
_CHUNK = _CHUNK_PIX * 16
_NCHUNK = _NPIX // _CHUNK_PIX
_SLOTS_PAD = 896
_C = 256
_NROI = 1024
_BR = 128

_WLS = (256, 128, 64, 32)
_BASES = (0, 2 * 256 * 256, 2 * 256 * 256 + 2 * 128 * 128,
          2 * 256 * 256 + 2 * 128 * 128 + 2 * 64 * 64)
_TROWS = _BASES[3] + 2 * 32 * 32
_SCALES = (0.25, 0.125, 0.0625, 0.03125)


def _prep_body(x1_ref, y1_ref, x2_ref, y2_ref, idx_ref, w_ref):
    i32 = jnp.int32
    f32 = jnp.float32
    pid = pl.program_id(0)
    x1 = x1_ref[...]
    y1 = y1_ref[...]
    x2 = x2_ref[...]
    y2 = y2_ref[...]

    area = (x2 - x1 + 1.0) * (y2 - y1 + 1.0)
    size = jnp.sqrt(area)
    lvlf = jnp.floor(4.0 + jnp.log2(size / 224.0 + 1e-6))
    lvl = jnp.clip(lvlf, 2.0, 5.0).astype(i32) - 2

    def sel(vals, dtype):
        return jnp.where(
            lvl == 0, jnp.asarray(vals[0], dtype),
            jnp.where(lvl == 1, jnp.asarray(vals[1], dtype),
                      jnp.where(lvl == 2, jnp.asarray(vals[2], dtype),
                                jnp.asarray(vals[3], dtype))))

    scale = sel(_SCALES, f32)
    wl = sel(_WLS, i32)
    base = sel(_BASES, i32)

    roi_row = pid * _BR + lax.broadcasted_iota(i32, (_BR, 1), 0)
    bimg = roi_row // 512
    base = base + bimg * (wl * wl)

    x1s = x1 * scale
    y1s = y1 * scale
    roi_w = jnp.maximum(x2 * scale - x1s, 1.0)
    roi_h = jnp.maximum(y2 * scale - y1s, 1.0)
    bin_w = roi_w / float(_RES)
    bin_h = roi_h / float(_RES)

    s = lax.broadcasted_iota(i32, (1, _SLOTS), 1)
    p = s >> 4
    l = s & 15
    dy = (l >> 3) & 1
    dx = (l >> 2) & 1
    a = (l >> 1) & 1
    b = l & 1
    py = p // _RES
    px = p % _RES
    ky = 2 * py + dy
    kx = 2 * px + dx
    ty = (ky.astype(f32) + 0.5) * 0.5
    tx = (kx.astype(f32) + 0.5) * 0.5

    ys = y1s + ty * bin_h
    xs = x1s + tx * bin_w
    lf = wl.astype(f32)

    def interp(c):
        valid = (c >= -1.0) & (c <= lf)
        cc = jnp.maximum(c, 0.0)
        lo = jnp.minimum(jnp.floor(cc).astype(i32), wl - 1)
        hi = jnp.minimum(lo + 1, wl - 1)
        cc = jnp.where(lo >= wl - 1, lo.astype(f32), cc)
        frac = cc - lo.astype(f32)
        return lo, hi, frac, valid

    ylo, yhi, fy, vy = interp(ys)
    xlo, xhi, fx, vx = interp(xs)

    yc = jnp.where(a == 1, yhi, ylo)
    wy = jnp.where(a == 1, fy, 1.0 - fy)
    xc = jnp.where(b == 1, xhi, xlo)
    wx = jnp.where(b == 1, fx, 1.0 - fx)

    w = 0.25 * wy * wx
    w = jnp.where(vy & vx, w, 0.0)
    idx = base + yc * wl + xc

    idx_ref[...] = idx
    w_ref[...] = w


_prep = pl.pallas_call(
    _prep_body,
    grid=(_NROI // _BR,),
    in_specs=[pl.BlockSpec((_BR, 1), lambda i: (i, 0))] * 4,
    out_specs=[pl.BlockSpec((_BR, _SLOTS), lambda i: (i, 0))] * 2,
    out_shape=[
        jax.ShapeDtypeStruct((_NROI, _SLOTS), jnp.int32),
        jax.ShapeDtypeStruct((_NROI, _SLOTS), jnp.float32),
    ],
)


def _make_sc_pool(num_workers, ncores):
    rpw = _NROI // num_workers
    mesh = plsc.VectorSubcoreMesh(core_axis_name="c", subcore_axis_name="s")

    @functools.partial(
        pl.kernel,
        mesh=mesh,
        out_type=jax.ShapeDtypeStruct((_NROI, _C * _NPIX), jnp.float32),
        scratch_types=[
            pltpu.VMEM((_SLOTS,), jnp.int32),
            pltpu.VMEM((_SLOTS,), jnp.int32),
            pltpu.VMEM((_SLOTS,), jnp.float32),
            pltpu.VMEM((_SLOTS,), jnp.float32),
            pltpu.VMEM((3, _CHUNK, _C // 2), jnp.int32),
            pltpu.VMEM((_C * _NPIX,), jnp.float32),
            pltpu.SemaphoreType.DMA,
            pltpu.SemaphoreType.DMA,
            pltpu.SemaphoreType.DMA,
            pltpu.SemaphoreType.DMA,
            pltpu.SemaphoreType.DMA,
        ],
    )
    def sc_pool(table, idx_all, w_all, out,
                idx_v0, idx_v1, w_v0, w_v1, buf, stage,
                sem0, sem1, sem2, isem0, isem1):
        wid = lax.axis_index("s") * ncores + lax.axis_index("c")
        sems = (sem0, sem1, sem2)
        isems = (isem0, isem1)
        idxs = (idx_v0, idx_v1)
        ws = (w_v0, w_v1)

        def start_chunk(il, c, slot):
            pltpu.async_copy(
                table.at[idxs[il].at[pl.ds(c * _CHUNK, _CHUNK)]],
                buf.at[slot], sems[slot])

        def chunk_desc(il, c, slot):
            return pltpu.make_async_copy(
                table.at[idxs[il].at[pl.ds(c * _CHUNK, _CHUNK)]],
                buf.at[slot], sems[slot])

        def start_meta(r, il):
            pltpu.async_copy(idx_all.at[r], idxs[il], isems[il])
            pltpu.async_copy(w_all.at[r], ws[il], isems[il])

        def wait_meta(r, il):
            pltpu.make_async_copy(idx_all.at[r], idxs[il], isems[il]).wait()
            pltpu.make_async_copy(w_all.at[r], ws[il], isems[il]).wait()

        def do_roi(i, r, il):
            def chunk_body(c, _c):
                s = lax.rem(i + c, 3)

                def issue_next(t):
                    @pl.when(c < _NCHUNK - 2)
                    def _():
                        start_chunk(il, c + 2, t)

                    @pl.when((c == _NCHUNK - 2) & (i + 1 < rpw))
                    def _():
                        wait_meta(r + 1, 1 - il)
                        start_chunk(1 - il, 0, t)

                    @pl.when((c == _NCHUNK - 1) & (i + 1 < rpw))
                    def _():
                        start_chunk(1 - il, 1, t)

                for scur in range(3):
                    @pl.when(s == scur)
                    def _(scur=scur):
                        chunk_desc(il, c, scur).wait()
                        issue_next((scur + 2) % 3)

                def pix_body(q, _q):
                    pglob = c * _CHUNK_PIX + q
                    wv = ws[il][pl.ds(pglob * 16, 16)]

                    def k_body(k, acc):
                        wk = lax.gather(
                            wv, jnp.full((16, 1), k, jnp.int32),
                            lax.GatherDimensionNumbers(
                                offset_dims=(), collapsed_slice_dims=(0,),
                                start_index_map=(0,)),
                            (1,),
                            mode=lax.GatherScatterMode.PROMISE_IN_BOUNDS)
                        row = q * 16 + k
                        lo_new = []
                        hi_new = []
                        for t in range(8):
                            packed = buf[s, row, pl.ds(t * 16, 16)]
                            va = lax.bitcast_convert_type(
                                packed << 16, jnp.float32)
                            vb = lax.bitcast_convert_type(
                                (packed >> 16) << 16, jnp.float32)
                            lo_new.append(acc[t] + wk * va)
                            hi_new.append(acc[8 + t] + wk * vb)
                        return tuple(lo_new + hi_new)

                    zero = jnp.zeros((16,), jnp.float32)
                    acc = lax.fori_loop(0, 16, k_body, (zero,) * 16)
                    for j in range(16):
                        stage[pl.ds(pglob * _C + j * 16, 16)] = acc[j]
                    return 0

                lax.fori_loop(0, _CHUNK_PIX, pix_body, 0)
                return 0

            lax.fori_loop(0, _NCHUNK, chunk_body, 0)
            @pl.when(i + 2 < rpw)
            def _():
                start_meta(r + 2, il)

        r0 = wid * rpw
        start_meta(r0, 0)
        wait_meta(r0, 0)
        start_chunk(0, 0, 0)
        start_chunk(0, 1, 1)
        start_meta(r0 + 1, 1)

        def roi_body(i, _):
            r = wid * rpw + i

            @pl.when((i & 1) == 0)
            def _():
                do_roi(i, r, 0)

            @pl.when((i & 1) == 1)
            def _():
                do_roi(i, r, 1)

            pltpu.sync_copy(stage, out.at[r])
            return 0

        lax.fori_loop(0, rpw, roi_body, 0)

    return sc_pool


def kernel(feat0, feat1, feat2, feat3, feat4, proposals0, proposals1):
    del feat4
    feats = (feat0, feat1, feat2, feat3)

    def pack_feat(f):
        u = lax.bitcast_convert_type(f, jnp.uint32)
        r = (u + 0x7FFF + ((u >> 16) & 1)) >> 16
        word = r[:, :_C // 2] | (r[:, _C // 2:] << 16)
        word = lax.bitcast_convert_type(word, jnp.int32)
        return jnp.transpose(word, (0, 2, 3, 1)).reshape(-1, _C // 2)

    table = jnp.concatenate([pack_feat(f) for f in feats], axis=0)

    props = jnp.concatenate([proposals0, proposals1], axis=0)
    cols = [props[:, k:k + 1] for k in range(4)]
    idx_all, w_all = _prep(*cols)

    info = plsc.get_sparse_core_info()
    nw = info.num_cores * info.num_subcores
    pooled = _make_sc_pool(nw, info.num_cores)(table, idx_all, w_all)
    pooled = pooled.reshape(_NROI, _NPIX, _C).transpose(0, 2, 1)
    return pooled.reshape(_NROI, _C, _RES, _RES)

# --- scband reference (transcript-rebuilt; emitter-appended) ---
"""Pipeline reference for scband-pool-80822694576323 (READ-ONLY COPY).

The authoritative reference and input builder live on the scoring server;
editing this copy changes nothing except your own understanding.
"""

import jax, jax.numpy as jnp
import numpy as np

RESOLUTION = 7
RATIOS = (0.25, 0.125, 0.0625, 0.03125)
SAMPLE_RATIO = 2
BASE_SIZE = 224.0
BASE_LEVEL = 4.0
EPS = 1e-6
LEVEL_MIN = 2
LEVEL_MAX = 5


def _make_boxes(k, n, img=1024.0):
    k1, k2 = jax.random.split(k, 2)
    xy = jax.random.uniform(k1, (n, 2), dtype=jnp.float32) * (img - 64.0)
    wh = 16.0 + jax.random.uniform(k2, (n, 2), dtype=jnp.float32) * 420.0
    x2y2 = jnp.minimum(xy + wh, img - 1.0)
    return jnp.concatenate([xy, x2y2], axis=1)


def setup_inputs(seed: int = 0):
    key = jax.random.key(seed)
    ks = jax.random.split(key, 7)
    shapes = [(2, 256, 256, 256), (2, 256, 128, 128), (2, 256, 64, 64), (2, 256, 32, 32), (2, 256, 16, 16)]
    inp = {}
    for i, s in enumerate(shapes):
        inp['feat%d' % i] = jax.random.normal(ks[i], s, dtype=jnp.float32)
    inp['proposals0'] = _make_boxes(ks[5], 512)
    inp['proposals1'] = _make_boxes(ks[6], 512)
    return inp


def _interp_coords(c, L):
    valid = (c >= -1.0) & (c <= float(L))
    cc = jnp.maximum(c, 0.0)
    lo = jnp.minimum(jnp.floor(cc).astype(jnp.int32), L - 1)
    hi = jnp.minimum(lo + 1, L - 1)
    cc = jnp.where(lo >= L - 1, lo.astype(cc.dtype), cc)
    frac = cc - lo.astype(cc.dtype)
    return lo, hi, frac, valid


def _roi_align(feature, rois, scale, res, grid):
    N, C, H, W = feature.shape
    b = rois[:, 0].astype(jnp.int32)
    x1 = rois[:, 1] * scale
    y1 = rois[:, 2] * scale
    x2 = rois[:, 3] * scale
    y2 = rois[:, 4] * scale
    roi_w = jnp.maximum(x2 - x1, 1.0)
    roi_h = jnp.maximum(y2 - y1, 1.0)
    bin_w = roi_w / res
    bin_h = roi_h / res
    t = (jnp.arange(res, dtype=jnp.float32)[:, None] + (jnp.arange(grid, dtype=jnp.float32)[None, :] + 0.5) / grid).reshape(-1)
    ys = y1[:, None] + t[None, :] * bin_h[:, None]
    xs = x1[:, None] + t[None, :] * bin_w[:, None]
    y_lo, y_hi, ly, vy = _interp_coords(ys, H)
    x_lo, x_hi, lx, vx = _interp_coords(xs, W)
    hy = 1.0 - ly
    hx = 1.0 - lx
    bb = b[:, None, None]

    def g(yi, xi):
        return feature[bb, :, yi[:, :, None], xi[:, None, :]]

    v = g(y_lo, x_lo) * (hy[:, :, None] * hx[:, None, :])[..., None]
    v = v + g(y_lo, x_hi) * (hy[:, :, None] * lx[:, None, :])[..., None]
    v = v + g(y_hi, x_lo) * (ly[:, :, None] * hx[:, None, :])[..., None]
    v = v + g(y_hi, x_hi) * (ly[:, :, None] * lx[:, None, :])[..., None]
    v = jnp.where((vy[:, :, None] & vx[:, None, :])[..., None], v, 0.0)
    v = jnp.transpose(v, (0, 3, 1, 2))
    R = v.shape[0]
    v = v.reshape(R, C, res, grid, res, grid).mean(axis=(3, 5))
    return v


def _forward(features, proposals):
    cat = jnp.concatenate(proposals, axis=0)
    inds = jnp.concatenate([jnp.full((p.shape[0], 1), i, dtype=cat.dtype) for i, p in enumerate(proposals)], axis=0)
    rois = jnp.concatenate([inds, cat], axis=1)
    areas = (rois[:, 3] - rois[:, 1] + 1.0) * (rois[:, 4] - rois[:, 2] + 1.0)
    sizes = jnp.sqrt(areas)
    levels = jnp.floor(BASE_LEVEL + jnp.log2(sizes / BASE_SIZE + EPS))
    levels = jnp.clip(levels, float(LEVEL_MIN), float(LEVEL_MAX)).astype(jnp.int32) - LEVEL_MIN
    results = jnp.zeros((rois.shape[0], features[0].shape[1], RESOLUTION, RESOLUTION), dtype=rois.dtype)
    for lid in range(len(features) - 1):
        pooled = _roi_align(features[lid], rois, RATIOS[lid], RESOLUTION, SAMPLE_RATIO)
        results = jnp.where((levels == lid)[:, None, None, None], pooled, results)
    return results


def reference(feat0, feat1, feat2, feat3, feat4, proposals0, proposals1):
    return _forward([feat0, feat1, feat2, feat3, feat4], [proposals0, proposals1])

if __name__ == "__main__":
    import jax
    _d = setup_inputs()
    print(jax.jit(kernel)(*tuple(_d.values())))

</pallas_src>

<mosaic_0001>
#map = affine_map<(d0, d1) -> (0, 0)>
module attributes {stable_mosaic.version = 14 : i64} {
  func.func @sc_pool(%arg0: i32, %arg1: i32, %arg2: memref<174080x128xi32, #tpu.memory_space<hbm>>, %arg3: memref<1024x784xi32, #tpu.memory_space<hbm>>, %arg4: memref<1024x784xf32, #tpu.memory_space<hbm>>, %arg5: memref<1024x12544xf32, #tpu.memory_space<hbm>>, %arg6: memref<784xi32, #tpu.memory_space<vmem>>, %arg7: memref<784xi32, #tpu.memory_space<vmem>>, %arg8: memref<784xf32, #tpu.memory_space<vmem>>, %arg9: memref<784xf32, #tpu.memory_space<vmem>>, %arg10: memref<3x112x128xi32, #tpu.memory_space<vmem>>, %arg11: memref<12544xf32, #tpu.memory_space<vmem>>, %arg12: memref<!tpu.dma_semaphore, #tpu.memory_space<semaphore_mem>>, %arg13: memref<!tpu.dma_semaphore, #tpu.memory_space<semaphore_mem>>, %arg14: memref<!tpu.dma_semaphore, #tpu.memory_space<semaphore_mem>>, %arg15: memref<!tpu.dma_semaphore, #tpu.memory_space<semaphore_mem>>, %arg16: memref<!tpu.dma_semaphore, #tpu.memory_space<semaphore_mem>>) attributes {dimension_semantics = [#tpu.dimension_semantics<core_parallel>, #tpu.dimension_semantics<subcore_parallel>], iteration_bounds = array<i64: 2, 16>, scalar_prefetch = 0 : i64, scratch_operands = 11 : i64, tpu.core_type = #tpu.core_type<sc_vector_subcore>, window_params = [{transform_indices = #map}, {transform_indices = #map}, {transform_indices = #map}, {transform_indices = #map}]} {
    %mul3A = arith.constant 2 : i32
    %mul3A_0 = arith.muli %arg1, %mul3A : i32
    %add3A = arith.addi %mul3A_0, %arg0 : i32
    %mul3A_1 = arith.constant 32 : i32
    %mul3A_2 = arith.muli %add3A, %mul3A_1 : i32
    %dma_start3A = arith.constant 0 : i32
    %dma_start3A_3 = tpu.memref_slice %arg3[%mul3A_2, %dma_start3A] : memref<1024x784xi32, #tpu.memory_space<hbm>> -> memref<1x784xi32, #tpu.memory_space<hbm>>
    %dma_start3A_4 = tpu.memref_squeeze %dma_start3A_3 : memref<1x784xi32, #tpu.memory_space<hbm>> -> memref<784xi32, #tpu.memory_space<hbm>>
    %dma_start3A_5 = arith.constant 0 : i32
    %dma_start3A_6 = tpu.memref_slice %arg3[%mul3A_2, %dma_start3A_5] : memref<1024x784xi32, #tpu.memory_space<hbm>> -> memref<1x784xi32, #tpu.memory_space<hbm>>
    %dma_start3A_7 = tpu.memref_squeeze %dma_start3A_6 : memref<1x784xi32, #tpu.memory_space<hbm>> -> memref<784xi32, #tpu.memory_space<hbm>>
    tpu.enqueue_dma source(%dma_start3A_7 : memref<784xi32, #tpu.memory_space<hbm>>) target(%arg6 : memref<784xi32, #tpu.memory_space<vmem>>) target_semaphore(%arg15 : memref<!tpu.dma_semaphore, #tpu.memory_space<semaphore_mem>>)
    %dma_start3A_8 = arith.constant 0 : i32
    %dma_start3A_9 = tpu.memref_slice %arg4[%mul3A_2, %dma_start3A_8] : memref<1024x784xf32, #tpu.memory_space<hbm>> -> memref<1x784xf32, #tpu.memory_space<hbm>>
    %dma_start3A_10 = tpu.memref_squeeze %dma_start3A_9 : memref<1x784xf32, #tpu.memory_space<hbm>> -> memref<784xf32, #tpu.memory_space<hbm>>
    %dma_start3A_11 = arith.constant 0 : i32
    %dma_start3A_12 = tpu.memref_slice %arg4[%mul3A_2, %dma_start3A_11] : memref<1024x784xf32, #tpu.memory_space<hbm>> -> memref<1x784xf32, #tpu.memory_space<hbm>>
    %dma_start3A_13 = tpu.memref_squeeze %dma_start3A_12 : memref<1x784xf32, #tpu.memory_space<hbm>> -> memref<784xf32, #tpu.memory_space<hbm>>
    tpu.enqueue_dma source(%dma_start3A_13 : memref<784xf32, #tpu.memory_space<hbm>>) target(%arg8 : memref<784xf32, #tpu.memory_space<vmem>>) target_semaphore(%arg15 : memref<!tpu.dma_semaphore, #tpu.memory_space<semaphore_mem>>)
    %dma_wait3A = arith.constant 0 : i32
    %dma_wait3A_14 = tpu.memref_slice %arg3[%mul3A_2, %dma_wait3A] : memref<1024x784xi32, #tpu.memory_space<hbm>> -> memref<1x784xi32, #tpu.memory_space<hbm>>
    %dma_wait3A_15 = tpu.memref_squeeze %dma_wait3A_14 : memref<1x784xi32, #tpu.memory_space<hbm>> -> memref<784xi32, #tpu.memory_space<hbm>>
    %dma_wait3A_16 = arith.constant 0 : i32
    %dma_wait3A_17 = tpu.memref_slice %arg3[%mul3A_2, %dma_wait3A_16] : memref<1024x784xi32, #tpu.memory_space<hbm>> -> memref<1x784xi32, #tpu.memory_space<hbm>>
    %dma_wait3A_18 = tpu.memref_squeeze %dma_wait3A_17 : memref<1x784xi32, #tpu.memory_space<hbm>> -> memref<784xi32, #tpu.memory_space<hbm>>
    tpu.wait_dma2 semaphore(%arg15 : memref<!tpu.dma_semaphore, #tpu.memory_space<semaphore_mem>>) src(%dma_wait3A_18 : memref<784xi32, #tpu.memory_space<hbm>>) dst(%arg6 : memref<784xi32, #tpu.memory_space<vmem>>)
    %dma_wait3A_19 = arith.constant 0 : i32
    %dma_wait3A_20 = tpu.memref_slice %arg4[%mul3A_2, %dma_wait3A_19] : memref<1024x784xf32, #tpu.memory_space<hbm>> -> memref<1x784xf32, #tpu.memory_space<hbm>>
    %dma_wait3A_21 = tpu.memref_squeeze %dma_wait3A_20 : memref<1x784xf32, #tpu.memory_space<hbm>> -> memref<784xf32, #tpu.memory_space<hbm>>
    %dma_wait3A_22 = arith.constant 0 : i32
    %dma_wait3A_23 = tpu.memref_slice %arg4[%mul3A_2, %dma_wait3A_22] : memref<1024x784xf32, #tpu.memory_space<hbm>> -> memref<1x784xf32, #tpu.memory_space<hbm>>
    %dma_wait3A_24 = tpu.memref_squeeze %dma_wait3A_23 : memref<1x784xf32, #tpu.memory_space<hbm>> -> memref<784xf32, #tpu.memory_space<hbm>>
    tpu.wait_dma2 semaphore(%arg15 : memref<!tpu.dma_semaphore, #tpu.memory_space<semaphore_mem>>) src(%dma_wait3A_24 : memref<784xf32, #tpu.memory_space<hbm>>) dst(%arg8 : memref<784xf32, #tpu.memory_space<vmem>>)
    %dma_start3A_25 = arith.constant 0 : i32
    %dma_start3A_26 = arith.constant 0 : i32
    %dma_start3A_27 = arith.constant 0 : i32
    %dma_start3A_28 = tpu.memref_slice %arg10[%dma_start3A_25, %dma_start3A_26, %dma_start3A_27] : memref<3x112x128xi32, #tpu.memory_space<vmem>> -> memref<1x112x128xi32, #tpu.memory_space<vmem>>
    %dma_start3A_29 = tpu.memref_squeeze %dma_start3A_28 : memref<1x112x128xi32, #tpu.memory_space<vmem>> -> memref<112x128xi32, #tpu.memory_space<vmem>>
    %dma_start3A_30 = arith.constant 0 : i32
    %dma_start3A_31 = tpu.memref_slice %arg6[%dma_start3A_30] : memref<784xi32, #tpu.memory_space<vmem>> -> memref<112xi32, #tpu.memory_space<vmem>>
    %dma_start3A_32 = arith.constant 0 : i32
    %dma_start3A_33 = arith.constant 0 : i32
    %dma_start3A_34 = tpu.memref_slice %arg2[%dma_start3A_32, %dma_start3A_33] : memref<174080x128xi32, #tpu.memory_space<hbm>> -> memref<174080x128xi32, #tpu.memory_space<hbm>>
    tpu.enqueue_indirect_dma source(%dma_start3A_34 : memref<174080x128xi32, #tpu.memory_space<hbm>>) target(%dma_start3A_29 : memref<112x128xi32, #tpu.memory_space<vmem>>) offsets(%dma_start3A_31 : memref<112xi32, #tpu.memory_space<vmem>>) semaphore(%arg12 : memref<!tpu.dma_semaphore, #tpu.memory_space<semaphore_mem>>)
    %dma_start3A_35 = arith.constant 1 : i32
    %dma_start3A_36 = arith.constant 0 : i32
    %dma_start3A_37 = arith.constant 0 : i32
    %dma_start3A_38 = tpu.memref_slice %arg10[%dma_start3A_35, %dma_start3A_36, %dma_start3A_37] : memref<3x112x128xi32, #tpu.memory_space<vmem>> -> memref<1x112x128xi32, #tpu.memory_space<vmem>>
    %dma_start3A_39 = tpu.memref_squeeze %dma_start3A_38 : memref<1x112x128xi32, #tpu.memory_space<vmem>> -> memref<112x128xi32, #tpu.memory_space<vmem>>
    %dma_start3A_40 = arith.constant 112 : i32
    %dma_start3A_41 = tpu.memref_slice %arg6[%dma_start3A_40] : memref<784xi32, #tpu.memory_space<vmem>> -> memref<112xi32, #tpu.memory_space<vmem>>
    %dma_start3A_42 = arith.constant 0 : i32
    %dma_start3A_43 = arith.constant 0 : i32
    %dma_start3A_44 = tpu.memref_slice %arg2[%dma_start3A_42, %dma_start3A_43] : memref<174080x128xi32, #tpu.memory_space<hbm>> -> memref<174080x128xi32, #tpu.memory_space<hbm>>
    tpu.enqueue_indirect_dma source(%dma_start3A_44 : memref<174080x128xi32, #tpu.memory_space<hbm>>) target(%dma_start3A_39 : memref<112x128xi32, #tpu.memory_space<vmem>>) offsets(%dma_start3A_41 : memref<112xi32, #tpu.memory_space<vmem>>) semaphore(%arg13 : memref<!tpu.dma_semaphore, #tpu.memory_space<semaphore_mem>>)
    %add3A_45 = arith.constant 1 : i32
    %add3A_46 = arith.addi %mul3A_2, %add3A_45 : i32
    %dma_start3A_47 = arith.constant 0 : i32
    %dma_start3A_48 = tpu.memref_slice %arg3[%add3A_46, %dma_start3A_47] : memref<1024x784xi32, #tpu.memory_space<hbm>> -> memref<1x784xi32, #tpu.memory_space<hbm>>
    %dma_start3A_49 = tpu.memref_squeeze %dma_start3A_48 : memref<1x784xi32, #tpu.memory_space<hbm>> -> memref<784xi32, #tpu.memory_space<hbm>>
    %dma_start3A_50 = arith.constant 0 : i32
    %dma_start3A_51 = tpu.memref_slice %arg3[%add3A_46, %dma_start3A_50] : memref<1024x784xi32, #tpu.memory_space<hbm>> -> memref<1x784xi32, #tpu.memory_space<hbm>>
    %dma_start3A_52 = tpu.memref_squeeze %dma_start3A_51 : memref<1x784xi32, #tpu.memory_space<hbm>> -> memref<784xi32, #tpu.memory_space<hbm>>
    tpu.enqueue_dma source(%dma_start3A_52 : memref<784xi32, #tpu.memory_space<hbm>>) target(%arg7 : memref<784xi32, #tpu.memory_space<vmem>>) target_semaphore(%arg16 : memref<!tpu.dma_semaphore, #tpu.memory_space<semaphore_mem>>)
    %dma_start3A_53 = arith.constant 0 : i32
    %dma_start3A_54 = tpu.memref_slice %arg4[%add3A_46, %dma_start3A_53] : memref<1024x784xf32, #tpu.memory_space<hbm>> -> memref<1x784xf32, #tpu.memory_space<hbm>>
    %dma_start3A_55 = tpu.memref_squeeze %dma_start3A_54 : memref<1x784xf32, #tpu.memory_space<hbm>> -> memref<784xf32, #tpu.memory_space<hbm>>
    %dma_start3A_56 = arith.constant 0 : i32
    %dma_start3A_57 = tpu.memref_slice %arg4[%add3A_46, %dma_start3A_56] : memref<1024x784xf32, #tpu.memory_space<hbm>> -> memref<1x784xf32, #tpu.memory_space<hbm>>
    %dma_start3A_58 = tpu.memref_squeeze %dma_start3A_57 : memref<1x784xf32, #tpu.memory_space<hbm>> -> memref<784xf32, #tpu.memory_space<hbm>>
    tpu.enqueue_dma source(%dma_start3A_58 : memref<784xf32, #tpu.memory_space<hbm>>) target(%arg9 : memref<784xf32, #tpu.memory_space<vmem>>) target_semaphore(%arg16 : memref<!tpu.dma_semaphore, #tpu.memory_space<semaphore_mem>>)
    %scan3A = arith.constant 0 : i32
    %scan3A_59 = arith.constant 0 : i32
    %scan3A_60 = arith.constant 32 : i32
    %scan3A_61 = arith.addi %scan3A_59, %scan3A_60 : i32
    %scan3A_62 = arith.constant 1 : i32
    %scan3A_63 = scf.for %scan3A_65 = %scan3A_59 to %scan3A_61 step %scan3A_62 iter_args(%scan3A_66 = %scan3A) -> (i32)  : i32 {
      %mul3A_67 = arith.constant 32 : i32
      %mul3A_68 = arith.muli %add3A, %mul3A_67 : i32
      %add3A_69 = arith.addi %mul3A_68, %scan3A_65 : i32
      %and3A = arith.constant 1 : i32
      %and3A_70 = arith.andi %scan3A_65, %and3A : i32
      %eq3A = arith.constant 0 : i32
      %eq3A_71 = arith.cmpi eq, %and3A_70, %eq3A : i32
      %convert_element_type3A = arith.extui %eq3A_71 : i1 to i32
      %cond3A = arith.constant 0 : i32
      %cond3A_72 = arith.cmpi ne, %convert_element_type3A, %cond3A : i32
      scf.if %cond3A_72 {
        %scan3A_81 = arith.constant 0 : i32
        %scan3A_82 = arith.constant 0 : i32
        %scan3A_83 = arith.constant 7 : i32
        %scan3A_84 = arith.addi %scan3A_82, %scan3A_83 : i32
        %scan3A_85 = arith.constant 1 : i32
        %scan3A_86 = scf.for %scan3A_94 = %scan3A_82 to %scan3A_84 step %scan3A_85 iter_args(%scan3A_95 = %scan3A_81) -> (i32)  : i32 {
          %add3A_96 = arith.addi %scan3A_65, %scan3A_94 : i32
          %rem3A = arith.constant 3 : i32
          %rem3A_97 = arith.remsi %add3A_96, %rem3A : i32
          %eq3A_98 = arith.constant 0 : i32
          %eq3A_99 = arith.cmpi eq, %rem3A_97, %eq3A_98 : i32
          %convert_element_type3A_100 = arith.extui %eq3A_99 : i1 to i32
          %cond3A_101 = arith.constant 0 : i32
          %cond3A_102 = arith.cmpi ne, %convert_element_type3A_100, %cond3A_101 : i32
          scf.if %cond3A_102 {
            %mul3A_121 = arith.constant 112 : i32
            %mul3A_122 = arith.muli %scan3A_94, %mul3A_121 : i32
            %dma_wait3A_123 = arith.constant 0 : i32
            %dma_wait3A_124 = arith.constant 0 : i32
            %dma_wait3A_125 = arith.constant 0 : i32
            %dma_wait3A_126 = tpu.memref_slice %arg10[%dma_wait3A_123, %dma_wait3A_124, %dma_wait3A_125] : memref<3x112x128xi32, #tpu.memory_space<vmem>> -> memref<1x112x128xi32, #tpu.memory_space<vmem>>
            %dma_wait3A_127 = tpu.memref_squeeze %dma_wait3A_126 : memref<1x112x128xi32, #tpu.memory_space<vmem>> -> memref<112x128xi32, #tpu.memory_space<vmem>>
            %dma_wait3A_128 = tpu.memref_slice %arg6[%mul3A_122] : memref<784xi32, #tpu.memory_space<vmem>> -> memref<112xi32, #tpu.memory_space<vmem>>
            %dma_wait3A_129 = arith.constant 0 : i32
            %dma_wait3A_130 = arith.constant 0 : i32
            %dma_wait3A_131 = tpu.memref_slice %arg2[%dma_wait3A_129, %dma_wait3A_130] : memref<174080x128xi32, #tpu.memory_space<hbm>> -> memref<174080x128xi32, #tpu.memory_space<hbm>>
            tpu.wait_indirect_dma semaphore(%arg12 : memref<!tpu.dma_semaphore, #tpu.memory_space<semaphore_mem>>) src(%dma_wait3A_131 : memref<174080x128xi32, #tpu.memory_space<hbm>>) dst(%dma_wait3A_127 : memref<112x128xi32, #tpu.memory_space<vmem>>)
            %lt3A_132 = arith.constant 5 : i32
            %lt3A_133 = arith.cmpi slt, %scan3A_94, %lt3A_132 : i32
            %convert_element_type3A_134 = arith.extui %lt3A_133 : i1 to i32
            %cond3A_135 = arith.constant 0 : i32
            %cond3A_136 = arith.cmpi ne, %convert_element_type3A_134, %cond3A_135 : i32
            scf.if %cond3A_136 {
              %add3A_157 = arith.constant 2 : i32
              %add3A_158 = arith.addi %scan3A_94, %add3A_157 : i32
              %mul3A_159 = arith.constant 112 : i32
              %mul3A_160 = arith.muli %add3A_158, %mul3A_159 : i32
              %dma_start3A_161 = arith.constant 2 : i32
              %dma_start3A_162 = arith.constant 0 : i32
              %dma_start3A_163 = arith.constant 0 : i32
              %dma_start3A_164 = tpu.memref_slice %arg10[%dma_start3A_161, %dma_start3A_162, %dma_start3A_163] : memref<3x112x128xi32, #tpu.memory_space<vmem>> -> memref<1x112x128xi32, #tpu.memory_space<vmem>>
              %dma_start3A_165 = tpu.memref_squeeze %dma_start3A_164 : memref<1x112x128xi32, #tpu.memory_space<vmem>> -> memref<112x128xi32, #tpu.memory_space<vmem>>
              %dma_start3A_166 = tpu.memref_slice %arg6[%mul3A_160] : memref<784xi32, #tpu.memory_space<vmem>> -> memref<112xi32, #tpu.memory_space<vmem>>
              %dma_start3A_167 = arith.constant 0 : i32
              %dma_start3A_168 = arith.constant 0 : i32
              %dma_start3A_169 = tpu.memref_slice %arg2[%dma_start3A_167, %dma_start3A_168] : memref<174080x128xi32, #tpu.memory_space<hbm>> -> memref<174080x128xi32, #tpu.memory_space<hbm>>
              tpu.enqueue_indirect_dma source(%dma_start3A_169 : memref<174080x128xi32, #tpu.memory_space<hbm>>) target(%dma_start3A_165 : memref<112x128xi32, #tpu.memory_space<vmem>>) offsets(%dma_start3A_166 : memref<112xi32, #tpu.memory_space<vmem>>) semaphore(%arg14 : memref<!tpu.dma_semaphore, #tpu.memory_space<semaphore_mem>>)
            } else {
            }
            %eq3A_137 = arith.constant 5 : i32
            %eq3A_138 = arith.cmpi eq, %scan3A_94, %eq3A_137 : i32
            %add3A_139 = arith.constant 1 : i32
            %add3A_140 = arith.addi %scan3A_65, %add3A_139 : i32
            %lt3A_141 = arith.constant 32 : i32
            %lt3A_142 = arith.cmpi slt, %add3A_140, %lt3A_141 : i32
            %and3A_143 = arith.andi %eq3A_138, %lt3A_142 : i1
            %convert_element_type3A_144 = arith.extui %and3A_143 : i1 to i32
            %cond3A_145 = arith.constant 0 : i32
            %cond3A_146 = arith.cmpi ne, %convert_element_type3A_144, %cond3A_145 : i32
            scf.if %cond3A_146 {
              %add3A_157 = arith.constant 1 : i32
              %add3A_158 = arith.addi %add3A_69, %add3A_157 : i32
              %dma_wait3A_159 = arith.constant 0 : i32
              %dma_wait3A_160 = tpu.memref_slice %arg3[%add3A_158, %dma_wait3A_159] : memref<1024x784xi32, #tpu.memory_space<hbm>> -> memref<1x784xi32, #tpu.memory_space<hbm>>
              %dma_wait3A_161 = tpu.memref_squeeze %dma_wait3A_160 : memref<1x784xi32, #tpu.memory_space<hbm>> -> memref<784xi32, #tpu.memory_space<hbm>>
              %dma_wait3A_162 = arith.constant 0 : i32
              %dma_wait3A_163 = tpu.memref_slice %arg3[%add3A_158, %dma_wait3A_162] : memref<1024x784xi32, #tpu.memory_space<hbm>> -> memref<1x784xi32, #tpu.memory_space<hbm>>
              %dma_wait3A_164 = tpu.memref_squeeze %dma_wait3A_163 : memref<1x784xi32, #tpu.memory_space<hbm>> -> memref<784xi32, #tpu.memory_space<hbm>>
              tpu.wait_dma2 semaphore(%arg16 : memref<!tpu.dma_semaphore, #tpu.memory_space<semaphore_mem>>) src(%dma_wait3A_164 : memref<784xi32, #tpu.memory_space<hbm>>) dst(%arg7 : memref<784xi32, #tpu.memory_space<vmem>>)
              %dma_wait3A_165 = arith.constant 0 : i32
              %dma_wait3A_166 = tpu.memref_slice %arg4[%add3A_158, %dma_wait3A_165] : memref<1024x784xf32, #tpu.memory_space<hbm>> -> memref<1x784xf32, #tpu.memory_space<hbm>>
              %dma_wait3A_167 = tpu.memref_squeeze %dma_wait3A_166 : memref<1x784xf32, #tpu.memory_space<hbm>> -> memref<784xf32, #tpu.memory_space<hbm>>
              %dma_wait3A_168 = arith.constant 0 : i32
              %dma_wait3A_169 = tpu.memref_slice %arg4[%add3A_158, %dma_wait3A_168] : memref<1024x784xf32, #tpu.memory_space<hbm>> -> memref<1x784xf32, #tpu.memory_space<hbm>>
              %dma_wait3A_170 = tpu.memref_squeeze %dma_wait3A_169 : memref<1x784xf32, #tpu.memory_space<hbm>> -> memref<784xf32, #tpu.memory_space<hbm>>
              tpu.wait_dma2 semaphore(%arg16 : memref<!tpu.dma_semaphore, #tpu.memory_space<semaphore_mem>>) src(%dma_wait3A_170 : memref<784xf32, #tpu.memory_space<hbm>>) dst(%arg9 : memref<784xf32, #tpu.memory_space<vmem>>)
              %dma_start3A_171 = arith.constant 2 : i32
              %dma_start3A_172 = arith.constant 0 : i32
              %dma_start3A_173 = arith.constant 0 : i32
              %dma_start3A_174 = tpu.memref_slice %arg10[%dma_start3A_171, %dma_start3A_172, %dma_start3A_173] : memref<3x112x128xi32, #tpu.memory_space<vmem>> -> memref<1x112x128xi32, #tpu.memory_space<vmem>>
              %dma_start3A_175 = tpu.memref_squeeze %dma_start3A_174 : memref<1x112x128xi32, #tpu.memory_space<vmem>> -> memref<112x128xi32, #tpu.memory_space<vmem>>
              %dma_start3A_176 = arith.constant 0 : i32
              %dma_start3A_177 = tpu.memref_slice %arg7[%dma_start3A_176] : memref<784xi32, #tpu.memory_space<vmem>> -> memref<112xi32, #tpu.memory_space<vmem>>
              %dma_start3A_178 = arith.constant 0 : i32
              %dma_start3A_179 = arith.constant 0 : i32
              %dma_start3A_180 = tpu.memref_slice %arg2[%dma_start3A_178, %dma_start3A_179] : memref<174080x128xi32, #tpu.memory_space<hbm>> -> memref<174080x128xi32, #tpu.memory_space<hbm>>
              tpu.enqueue_indirect_dma source(%dma_start3A_180 : memref<174080x128xi32, #tpu.memory_space<hbm>>) target(%dma_start3A_175 : memref<112x128xi32, #tpu.memory_space<vmem>>) offsets(%dma_start3A_177 : memref<112xi32, #tpu.memory_space<vmem>>) semaphore(%arg14 : memref<!tpu.dma_semaphore, #tpu.memory_space<semaphore_mem>>)
            } else {
            }
            %eq3A_147 = arith.constant 6 : i32
            %eq3A_148 = arith.cmpi eq, %scan3A_94, %eq3A_147 : i32
            %add3A_149 = arith.constant 1 : i32
            %add3A_150 = arith.addi %scan3A_65, %add3A_149 : i32
            %lt3A_151 = arith.constant 32 : i32
            %lt3A_152 = arith.cmpi slt, %add3A_150, %lt3A_151 : i32
            %and3A_153 = arith.andi %eq3A_148, %lt3A_152 : i1
            %convert_element_type3A_154 = arith.extui %and3A_153 : i1 to i32
            %cond3A_155 = arith.constant 0 : i32
            %cond3A_156 = arith.cmpi ne, %convert_element_type3A_154, %cond3A_155 : i32
            scf.if %cond3A_156 {
              %dma_start3A_157 = arith.constant 2 : i32
              %dma_start3A_158 = arith.constant 0 : i32
              %dma_start3A_159 = arith.constant 0 : i32
              %dma_start3A_160 = tpu.memref_slice %arg10[%dma_start3A_157, %dma_start3A_158, %dma_start3A_159] : memref<3x112x128xi32, #tpu.memory_space<vmem>> -> memref<1x112x128xi32, #tpu.memory_space<vmem>>
              %dma_start3A_161 = tpu.memref_squeeze %dma_start3A_160 : memref<1x112x128xi32, #tpu.memory_space<vmem>> -> memref<112x128xi32, #tpu.memory_space<vmem>>
              %dma_start3A_162 = arith.constant 112 : i32
              %dma_start3A_163 = tpu.memref_slice %arg7[%dma_start3A_162] : memref<784xi32, #tpu.memory_space<vmem>> -> memref<112xi32, #tpu.memory_space<vmem>>
              %dma_start3A_164 = arith.constant 0 : i32
              %dma_start3A_165 = arith.constant 0 : i32
              %dma_start3A_166 = tpu.memref_slice %arg2[%dma_start3A_164, %dma_start3A_165] : memref<174080x128xi32, #tpu.memory_space<hbm>> -> memref<174080x128xi32, #tpu.memory_space<hbm>>
              tpu.enqueue_indirect_dma source(%dma_start3A_166 : memref<174080x128xi32, #tpu.memory_space<hbm>>) target(%dma_start3A_161 : memref<112x128xi32, #tpu.memory_space<vmem>>) offsets(%dma_start3A_163 : memref<112xi32, #tpu.memory_space<vmem>>) semaphore(%arg14 : memref<!tpu.dma_semaphore, #tpu.memory_space<semaphore_mem>>)
            } else {
            }
          } else {
          }
          %eq3A_103 = arith.constant 1 : i32
          %eq3A_104 = arith.cmpi eq, %rem3A_97, %eq3A_103 : i32
          %convert_element_type3A_105 = arith.extui %eq3A_104 : i1 to i32
          %cond3A_106 = arith.constant 0 : i32
          %cond3A_107 = arith.cmpi ne, %convert_element_type3A_105, %cond3A_106 : i32
          scf.if %cond3A_107 {
            %mul3A_121 = arith.constant 112 : i32
            %mul3A_122 = arith.muli %scan3A_94, %mul3A_121 : i32
            %dma_wait3A_123 = arith.constant 1 : i32
            %dma_wait3A_124 = arith.constant 0 : i32
            %dma_wait3A_125 = arith.constant 0 : i32
            %dma_wait3A_126 = tpu.memref_slice %arg10[%dma_wait3A_123, %dma_wait3A_124, %dma_wait3A_125] : memref<3x112x128xi32, #tpu.memory_space<vmem>> -> memref<1x112x128xi32, #tpu.memory_space<vmem>>
            %dma_wait3A_127 = tpu.memref_squeeze %dma_wait3A_126 : memref<1x112x128xi32, #tpu.memory_space<vmem>> -> memref<112x128xi32, #tpu.memory_space<vmem>>
            %dma_wait3A_128 = tpu.memref_slice %arg6[%mul3A_122] : memref<784xi32, #tpu.memory_space<vmem>> -> memref<112xi32, #tpu.memory_space<vmem>>
            %dma_wait3A_129 = arith.constant 0 : i32
            %dma_wait3A_130 = arith.constant 0 : i32
            %dma_wait3A_131 = tpu.memref_slice %arg2[%dma_wait3A_129, %dma_wait3A_130] : memref<174080x128xi32, #tpu.memory_space<hbm>> -> memref<174080x128xi32, #tpu.memory_space<hbm>>
            tpu.wait_indirect_dma semaphore(%arg13 : memref<!tpu.dma_semaphore, #tpu.memory_space<semaphore_mem>>) src(%dma_wait3A_131 : memref<174080x128xi32, #tpu.memory_space<hbm>>) dst(%dma_wait3A_127 : memref<112x128xi32, #tpu.memory_space<vmem>>)
            %lt3A_132 = arith.constant 5 : i32
            %lt3A_133 = arith.cmpi slt, %scan3A_94, %lt3A_132 : i32
            %convert_element_type3A_134 = arith.extui %lt3A_133 : i1 to i32
            %cond3A_135 = arith.constant 0 : i32
            %cond3A_136 = arith.cmpi ne, %convert_element_type3A_134, %cond3A_135 : i32
            scf.if %cond3A_136 {
              %add3A_157 = arith.constant 2 : i32
              %add3A_158 = arith.addi %scan3A_94, %add3A_157 : i32
              %mul3A_159 = arith.constant 112 : i32
              %mul3A_160 = arith.muli %add3A_158, %mul3A_159 : i32
              %dma_start3A_161 = arith.constant 0 : i32
              %dma_start3A_162 = arith.constant 0 : i32
              %dma_start3A_163 = arith.constant 0 : i32
              %dma_start3A_164 = tpu.memref_slice %arg10[%dma_start3A_161, %dma_start3A_162, %dma_start3A_163] : memref<3x112x128xi32, #tpu.memory_space<vmem>> -> memref<1x112x128xi32, #tpu.memory_space<vmem>>
              %dma_start3A_165 = tpu.memref_squeeze %dma_start3A_164 : memref<1x112x128xi32, #tpu.memory_space<vmem>> -> memref<112x128xi32, #tpu.memory_space<vmem>>
              %dma_start3A_166 = tpu.memref_slice %arg6[%mul3A_160] : memref<784xi32, #tpu.memory_space<vmem>> -> memref<112xi32, #tpu.memory_space<vmem>>
              %dma_start3A_167 = arith.constant 0 : i32
              %dma_start3A_168 = arith.constant 0 : i32
              %dma_start3A_169 = tpu.memref_slice %arg2[%dma_start3A_167, %dma_start3A_168] : memref<174080x128xi32, #tpu.memory_space<hbm>> -> memref<174080x128xi32, #tpu.memory_space<hbm>>
              tpu.enqueue_indirect_dma source(%dma_start3A_169 : memref<174080x128xi32, #tpu.memory_space<hbm>>) target(%dma_start3A_165 : memref<112x128xi32, #tpu.memory_space<vmem>>) offsets(%dma_start3A_166 : memref<112xi32, #tpu.memory_space<vmem>>) semaphore(%arg12 : memref<!tpu.dma_semaphore, #tpu.memory_space<semaphore_mem>>)
            } else {
            }
            %eq3A_137 = arith.constant 5 : i32
            %eq3A_138 = arith.cmpi eq, %scan3A_94, %eq3A_137 : i32
            %add3A_139 = arith.constant 1 : i32
            %add3A_140 = arith.addi %scan3A_65, %add3A_139 : i32
            %lt3A_141 = arith.constant 32 : i32
            %lt3A_142 = arith.cmpi slt, %add3A_140, %lt3A_141 : i32
            %and3A_143 = arith.andi %eq3A_138, %lt3A_142 : i1
            %convert_element_type3A_144 = arith.extui %and3A_143 : i1 to i32
            %cond3A_145 = arith.constant 0 : i32
            %cond3A_146 = arith.cmpi ne, %convert_element_type3A_144, %cond3A_145 : i32
            scf.if %cond3A_146 {
              %add3A_157 = arith.constant 1 : i32
              %add3A_158 = arith.addi %add3A_69, %add3A_157 : i32
              %dma_wait3A_159 = arith.constant 0 : i32
              %dma_wait3A_160 = tpu.memref_slice %arg3[%add3A_158, %dma_wait3A_159] : memref<1024x784xi32, #tpu.memory_space<hbm>> -> memref<1x784xi32, #tpu.memory_space<hbm>>
              %dma_wait3A_161 = tpu.memref_squeeze %dma_wait3A_160 : memref<1x784xi32, #tpu.memory_space<hbm>> -> memref<784xi32, #tpu.memory_space<hbm>>
              %dma_wait3A_162 = arith.constant 0 : i32
              %dma_wait3A_163 = tpu.memref_slice %arg3[%add3A_158, %dma_wait3A_162] : memref<1024x784xi32, #tpu.memory_space<hbm>> -> memref<1x784xi32, #tpu.memory_space<hbm>>
              %dma_wait3A_164 = tpu.memref_squeeze %dma_wait3A_163 : memref<1x784xi32, #tpu.memory_space<hbm>> -> memref<784xi32, #tpu.memory_space<hbm>>
              tpu.wait_dma2 semaphore(%arg16 : memref<!tpu.dma_semaphore, #tpu.memory_space<semaphore_mem>>) src(%dma_wait3A_164 : memref<784xi32, #tpu.memory_space<hbm>>) dst(%arg7 : memref<784xi32, #tpu.memory_space<vmem>>)
              %dma_wait3A_165 = arith.constant 0 : i32
              %dma_wait3A_166 = tpu.memref_slice %arg4[%add3A_158, %dma_wait3A_165] : memref<1024x784xf32, #tpu.memory_space<hbm>> -> memref<1x784xf32, #tpu.memory_space<hbm>>
              %dma_wait3A_167 = tpu.memref_squeeze %dma_wait3A_166 : memref<1x784xf32, #tpu.memory_space<hbm>> -> memref<784xf32, #tpu.memory_space<hbm>>
              %dma_wait3A_168 = arith.constant 0 : i32
              %dma_wait3A_169 = tpu.memref_slice %arg4[%add3A_158, %dma_wait3A_168] : memref<1024x784xf32, #tpu.memory_space<hbm>> -> memref<1x784xf32, #tpu.memory_space<hbm>>
              %dma_wait3A_170 = tpu.memref_squeeze %dma_wait3A_169 : memref<1x784xf32, #tpu.memory_space<hbm>> -> memref<784xf32, #tpu.memory_space<hbm>>
              tpu.wait_dma2 semaphore(%arg16 : memref<!tpu.dma_semaphore, #tpu.memory_space<semaphore_mem>>) src(%dma_wait3A_170 : memref<784xf32, #tpu.memory_space<hbm>>) dst(%arg9 : memref<784xf32, #tpu.memory_space<vmem>>)
              %dma_start3A_171 = arith.constant 0 : i32
              %dma_start3A_172 = arith.constant 0 : i32
              %dma_start3A_173 = arith.constant 0 : i32
              %dma_start3A_174 = tpu.memref_slice %arg10[%dma_start3A_171, %dma_start3A_172, %dma_start3A_173] : memref<3x112x128xi32, #tpu.memory_space<vmem>> -> memref<1x112x128xi32, #tpu.memory_space<vmem>>
              %dma_start3A_175 = tpu.memref_squeeze %dma_start3A_174 : memref<1x112x128xi32, #tpu.memory_space<vmem>> -> memref<112x128xi32, #tpu.memory_space<vmem>>
              %dma_start3A_176 = arith.constant 0 : i32
              %dma_start3A_177 = tpu.memref_slice %arg7[%dma_start3A_176] : memref<784xi32, #tpu.memory_space<vmem>> -> memref<112xi32, #tpu.memory_space<vmem>>
              %dma_start3A_178 = arith.constant 0 : i32
              %dma_start3A_179 = arith.constant 0 : i32
              %dma_start3A_180 = tpu.memref_slice %arg2[%dma_start3A_178, %dma_start3A_179] : memref<174080x128xi32, #tpu.memory_space<hbm>> -> memref<174080x128xi32, #tpu.memory_space<hbm>>
              tpu.enqueue_indirect_dma source(%dma_start3A_180 : memref<174080x128xi32, #tpu.memory_space<hbm>>) target(%dma_start3A_175 : memref<112x128xi32, #tpu.memory_space<vmem>>) offsets(%dma_start3A_177 : memref<112xi32, #tpu.memory_space<vmem>>) semaphore(%arg12 : memref<!tpu.dma_semaphore, #tpu.memory_space<semaphore_mem>>)
            } else {
            }
            %eq3A_147 = arith.constant 6 : i32
            %eq3A_148 = arith.cmpi eq, %scan3A_94, %eq3A_147 : i32
            %add3A_149 = arith.constant 1 : i32
            %add3A_150 = arith.addi %scan3A_65, %add3A_149 : i32
            %lt3A_151 = arith.constant 32 : i32
            %lt3A_152 = arith.cmpi slt, %add3A_150, %lt3A_151 : i32
            %and3A_153 = arith.andi %eq3A_148, %lt3A_152 : i1
            %convert_element_type3A_154 = arith.extui %and3A_153 : i1 to i32
            %cond3A_155 = arith.constant 0 : i32
            %cond3A_156 = arith.cmpi ne, %convert_element_type3A_154, %cond3A_155 : i32
            scf.if %cond3A_156 {
              %dma_start3A_157 = arith.constant 0 : i32
              %dma_start3A_158 = arith.constant 0 : i32
              %dma_start3A_159 = arith.constant 0 : i32
              %dma_start3A_160 = tpu.memref_slice %arg10[%dma_start3A_157, %dma_start3A_158, %dma_start3A_159] : memref<3x112x128xi32, #tpu.memory_space<vmem>> -> memref<1x112x128xi32, #tpu.memory_space<vmem>>
              %dma_start3A_161 = tpu.memref_squeeze %dma_start3A_160 : memref<1x112x128xi32, #tpu.memory_space<vmem>> -> memref<112x128xi32, #tpu.memory_space<vmem>>
              %dma_start3A_162 = arith.constant 112 : i32
              %dma_start3A_163 = tpu.memref_slice %arg7[%dma_start3A_162] : memref<784xi32, #tpu.memory_space<vmem>> -> memref<112xi32, #tpu.memory_space<vmem>>
              %dma_start3A_164 = arith.constant 0 : i32
              %dma_start3A_165 = arith.constant 0 : i32
              %dma_start3A_166 = tpu.memref_slice %arg2[%dma_start3A_164, %dma_start3A_165] : memref<174080x128xi32, #tpu.memory_space<hbm>> -> memref<174080x128xi32, #tpu.memory_space<hbm>>
              tpu.enqueue_indirect_dma source(%dma_start3A_166 : memref<174080x128xi32, #tpu.memory_space<hbm>>) target(%dma_start3A_161 : memref<112x128xi32, #tpu.memory_space<vmem>>) offsets(%dma_start3A_163 : memref<112xi32, #tpu.memory_space<vmem>>) semaphore(%arg12 : memref<!tpu.dma_semaphore, #tpu.memory_space<semaphore_mem>>)
            } else {
            }
          } else {
          }
          %eq3A_108 = arith.constant 2 : i32
          %eq3A_109 = arith.cmpi eq, %rem3A_97, %eq3A_108 : i32
          %convert_element_type3A_110 = arith.extui %eq3A_109 : i1 to i32
          %cond3A_111 = arith.constant 0 : i32
          %cond3A_112 = arith.cmpi ne, %convert_element_type3A_110, %cond3A_111 : i32
          scf.if %cond3A_112 {
            %mul3A_121 = arith.constant 112 : i32
            %mul3A_122 = arith.muli %scan3A_94, %mul3A_121 : i32
            %dma_wait3A_123 = arith.constant 2 : i32
            %dma_wait3A_124 = arith.constant 0 : i32
            %dma_wait3A_125 = arith.constant 0 : i32
            %dma_wait3A_126 = tpu.memref_slice %arg10[%dma_wait3A_123, %dma_wait3A_124, %dma_wait3A_125] : memref<3x112x128xi32, #tpu.memory_space<vmem>> -> memref<1x112x128xi32, #tpu.memory_space<vmem>>
            %dma_wait3A_127 = tpu.memref_squeeze %dma_wait3A_126 : memref<1x112x128xi32, #tpu.memory_space<vmem>> -> memref<112x128xi32, #tpu.memory_space<vmem>>
            %dma_wait3A_128 = tpu.memref_slice %arg6[%mul3A_122] : memref<784xi32, #tpu.memory_space<vmem>> -> memref<112xi32, #tpu.memory_space<vmem>>
            %dma_wait3A_129 = arith.constant 0 : i32
            %dma_wait3A_130 = arith.constant 0 : i32
            %dma_wait3A_131 = tpu.memref_slice %arg2[%dma_wait3A_129, %dma_wait3A_130] : memref<174080x128xi32, #tpu.memory_space<hbm>> -> memref<174080x128xi32, #tpu.memory_space<hbm>>
            tpu.wait_indirect_dma semaphore(%arg14 : memref<!tpu.dma_semaphore, #tpu.memory_space<semaphore_mem>>) src(%dma_wait3A_131 : memref<174080x128xi32, #tpu.memory_space<hbm>>) dst(%dma_wait3A_127 : memref<112x128xi32, #tpu.memory_space<vmem>>)
            %lt3A_132 = arith.constant 5 : i32
            %lt3A_133 = arith.cmpi slt, %scan3A_94, %lt3A_132 : i32
            %convert_element_type3A_134 = arith.extui %lt3A_133 : i1 to i32
            %cond3A_135 = arith.constant 0 : i32
            %cond3A_136 = arith.cmpi ne, %convert_element_type3A_134, %cond3A_135 : i32
            scf.if %cond3A_136 {
              %add3A_157 = arith.constant 2 : i32
              %add3A_158 = arith.addi %scan3A_94, %add3A_157 : i32
              %mul3A_159 = arith.constant 112 : i32
              %mul3A_160 = arith.muli %add3A_158, %mul3A_159 : i32
              %dma_start3A_161 = arith.constant 1 : i32
              %dma_start3A_162 = arith.constant 0 : i32
              %dma_start3A_163 = arith.constant 0 : i32
              %dma_start3A_164 = tpu.memref_slice %arg10[%dma_start3A_161, %dma_start3A_162, %dma_start3A_163] : memref<3x112x128xi32, #tpu.memory_space<vmem>> -> memref<1x112x128xi32, #tpu.memory_space<vmem>>
              %dma_start3A_165 = tpu.memref_squeeze %dma_start3A_164 : memref<1x112x128xi32, #tpu.memory_space<vmem>> -> memref<112x128xi32, #tpu.memory_space<vmem>>
              %dma_start3A_166 = tpu.memref_slice %arg6[%mul3A_160] : memref<784xi32, #tpu.memory_space<vmem>> -> memref<112xi32, #tpu.memory_space<vmem>>
              %dma_start3A_167 = arith.constant 0 : i32
              %dma_start3A_168 = arith.constant 0 : i32
              %dma_start3A_169 = tpu.memref_slice %arg2[%dma_start3A_167, %dma_start3A_168] : memref<174080x128xi32, #tpu.memory_space<hbm>> -> memref<174080x128xi32, #tpu.memory_space<hbm>>
              tpu.enqueue_indirect_dma source(%dma_start3A_169 : memref<174080x128xi32, #tpu.memory_space<hbm>>) target(%dma_start3A_165 : memref<112x128xi32, #tpu.memory_space<vmem>>) offsets(%dma_start3A_166 : memref<112xi32, #tpu.memory_space<vmem>>) semaphore(%arg13 : memref<!tpu.dma_semaphore, #tpu.memory_space<semaphore_mem>>)
            } else {
            }
            %eq3A_137 = arith.constant 5 : i32
            %eq3A_138 = arith.cmpi eq, %scan3A_94, %eq3A_137 : i32
            %add3A_139 = arith.constant 1 : i32
            %add3A_140 = arith.addi %scan3A_65, %add3A_139 : i32
            %lt3A_141 = arith.constant 32 : i32
            %lt3A_142 = arith.cmpi slt, %add3A_140, %lt3A_141 : i32
            %and3A_143 = arith.andi %eq3A_138, %lt3A_142 : i1
            %convert_element_type3A_144 = arith.extui %and3A_143 : i1 to i32
            %cond3A_145 = arith.constant 0 : i32
            %cond3A_146 = arith.cmpi ne, %convert_element_type3A_144, %cond3A_145 : i32
            scf.if %cond3A_146 {
              %add3A_157 = arith.constant 1 : i32
              %add3A_158 = arith.addi %add3A_69, %add3A_157 : i32
              %dma_wait3A_159 = arith.constant 0 : i32
              %dma_wait3A_160 = tpu.memref_slice %arg3[%add3A_158, %dma_wait3A_159] : memref<1024x784xi32, #tpu.memory_space<hbm>> -> memref<1x784xi32, #tpu.memory_space<hbm>>
              %dma_wait3A_161 = tpu.memref_squeeze %dma_wait3A_160 : memref<1x784xi32, #tpu.memory_space<hbm>> -> memref<784xi32, #tpu.memory_space<hbm>>
              %dma_wait3A_162 = arith.constant 0 : i32
              %dma_wait3A_163 = tpu.memref_slice %arg3[%add3A_158, %dma_wait3A_162] : memref<1024x784xi32, #tpu.memory_space<hbm>> -> memref<1x784xi32, #tpu.memory_space<hbm>>
              %dma_wait3A_164 = tpu.memref_squeeze %dma_wait3A_163 : memref<1x784xi32, #tpu.memory_space<hbm>> -> memref<784xi32, #tpu.memory_space<hbm>>
              tpu.wait_dma2 semaphore(%arg16 : memref<!tpu.dma_semaphore, #tpu.memory_space<semaphore_mem>>) src(%dma_wait3A_164 : memref<784xi32, #tpu.memory_space<hbm>>) dst(%arg7 : memref<784xi32, #tpu.memory_space<vmem>>)
              %dma_wait3A_165 = arith.constant 0 : i32
              %dma_wait3A_166 = tpu.memref_slice %arg4[%add3A_158, %dma_wait3A_165] : memref<1024x784xf32, #tpu.memory_space<hbm>> -> memref<1x784xf32, #tpu.memory_space<hbm>>
              %dma_wait3A_167 = tpu.memref_squeeze %dma_wait3A_166 : memref<1x784xf32, #tpu.memory_space<hbm>> -> memref<784xf32, #tpu.memory_space<hbm>>
              %dma_wait3A_168 = arith.constant 0 : i32
              %dma_wait3A_169 = tpu.memref_slice %arg4[%add3A_158, %dma_wait3A_168] : memref<1024x784xf32, #tpu.memory_space<hbm>> -> memref<1x784xf32, #tpu.memory_space<hbm>>
              %dma_wait3A_170 = tpu.memref_squeeze %dma_wait3A_169 : memref<1x784xf32, #tpu.memory_space<hbm>> -> memref<784xf32, #tpu.memory_space<hbm>>
              tpu.wait_dma2 semaphore(%arg16 : memref<!tpu.dma_semaphore, #tpu.memory_space<semaphore_mem>>) src(%dma_wait3A_170 : memref<784xf32, #tpu.memory_space<hbm>>) dst(%arg9 : memref<784xf32, #tpu.memory_space<vmem>>)
              %dma_start3A_171 = arith.constant 1 : i32
              %dma_start3A_172 = arith.constant 0 : i32
              %dma_start3A_173 = arith.constant 0 : i32
              %dma_start3A_174 = tpu.memref_slice %arg10[%dma_start3A_171, %dma_start3A_172, %dma_start3A_173] : memref<3x112x128xi32, #tpu.memory_space<vmem>> -> memref<1x112x128xi32, #tpu.memory_space<vmem>>
              %dma_start3A_175 = tpu.memref_squeeze %dma_start3A_174 : memref<1x112x128xi32, #tpu.memory_space<vmem>> -> memref<112x128xi32, #tpu.memory_space<vmem>>
              %dma_start3A_176 = arith.constant 0 : i32
              %dma_start3A_177 = tpu.memref_slice %arg7[%dma_start3A_176] : memref<784xi32, #tpu.memory_space<vmem>> -> memref<112xi32, #tpu.memory_space<vmem>>
              %dma_start3A_178 = arith.constant 0 : i32
              %dma_start3A_179 = arith.constant 0 : i32
              %dma_start3A_180 = tpu.memref_slice %arg2[%dma_start3A_178, %dma_start3A_179] : memref<174080x128xi32, #tpu.memory_space<hbm>> -> memref<174080x128xi32, #tpu.memory_space<hbm>>
              tpu.enqueue_indirect_dma source(%dma_start3A_180 : memref<174080x128xi32, #tpu.memory_space<hbm>>) target(%dma_start3A_175 : memref<112x128xi32, #tpu.memory_space<vmem>>) offsets(%dma_start3A_177 : memref<112xi32, #tpu.memory_space<vmem>>) semaphore(%arg13 : memref<!tpu.dma_semaphore, #tpu.memory_space<semaphore_mem>>)
            } else {
            }
            %eq3A_147 = arith.constant 6 : i32
            %eq3A_148 = arith.cmpi eq, %scan3A_94, %eq3A_147 : i32
            %add3A_149 = arith.constant 1 : i32
            %add3A_150 = arith.addi %scan3A_65, %add3A_149 : i32
            %lt3A_151 = arith.constant 32 : i32
            %lt3A_152 = arith.cmpi slt, %add3A_150, %lt3A_151 : i32
            %and3A_153 = arith.andi %eq3A_148, %lt3A_152 : i1
            %convert_element_type3A_154 = arith.extui %and3A_153 : i1 to i32
            %cond3A_155 = arith.constant 0 : i32
            %cond3A_156 = arith.cmpi ne, %convert_element_type3A_154, %cond3A_155 : i32
            scf.if %cond3A_156 {
              %dma_start3A_157 = arith.constant 1 : i32
              %dma_start3A_158 = arith.constant 0 : i32
              %dma_start3A_159 = arith.constant 0 : i32
              %dma_start3A_160 = tpu.memref_slice %arg10[%dma_start3A_157, %dma_start3A_158, %dma_start3A_159] : memref<3x112x128xi32, #tpu.memory_space<vmem>> -> memref<1x112x128xi32, #tpu.memory_space<vmem>>
              %dma_start3A_161 = tpu.memref_squeeze %dma_start3A_160 : memref<1x112x128xi32, #tpu.memory_space<vmem>> -> memref<112x128xi32, #tpu.memory_space<vmem>>
              %dma_start3A_162 = arith.constant 112 : i32
              %dma_start3A_163 = tpu.memref_slice %arg7[%dma_start3A_162] : memref<784xi32, #tpu.memory_space<vmem>> -> memref<112xi32, #tpu.memory_space<vmem>>
              %dma_start3A_164 = arith.constant 0 : i32
              %dma_start3A_165 = arith.constant 0 : i32
              %dma_start3A_166 = tpu.memref_slice %arg2[%dma_start3A_164, %dma_start3A_165] : memref<174080x128xi32, #tpu.memory_space<hbm>> -> memref<174080x128xi32, #tpu.memory_space<hbm>>
              tpu.enqueue_indirect_dma source(%dma_start3A_166 : memref<174080x128xi32, #tpu.memory_space<hbm>>) target(%dma_start3A_161 : memref<112x128xi32, #tpu.memory_space<vmem>>) offsets(%dma_start3A_163 : memref<112xi32, #tpu.memory_space<vmem>>) semaphore(%arg13 : memref<!tpu.dma_semaphore, #tpu.memory_space<semaphore_mem>>)
            } else {
            }
          } else {
          }
          %scan3A_113 = arith.constant 0 : i32
          %scan3A_114 = arith.constant 0 : i32
          %scan3A_115 = arith.constant 7 : i32
          %scan3A_116 = arith.addi %scan3A_114, %scan3A_115 : i32
          %scan3A_117 = arith.constant 1 : i32
          %scan3A_118 = scf.for %scan3A_121 = %scan3A_114 to %scan3A_116 step %scan3A_117 iter_args(%scan3A_122 = %scan3A_113) -> (i32)  : i32 {
            %mul3A_123 = arith.constant 7 : i32
            %mul3A_124 = arith.muli %scan3A_94, %mul3A_123 : i32
            %add3A_125 = arith.addi %mul3A_124, %scan3A_121 : i32
            %mul3A_126 = arith.constant 16 : i32
            %mul3A_127 = arith.muli %add3A_125, %mul3A_126 : i32
            %get3A = arith.index_cast %mul3A_127 : i32 to index
            %get3A_128 = tpu.vector_load %arg8[%get3A] {strides = array<i32>} : memref<784xf32, #tpu.memory_space<vmem>>, vector<16xf32>,
            %get3A_129 = vector.shape_cast %get3A_128 : vector<16xf32> to vector<16xf32>
            %broadcast_in_dim3A = arith.constant 0.000000e+00 : f32
            %broadcast_in_dim3A_130 = vector.broadcast %broadcast_in_dim3A : f32 to vector<16xf32>
            %scan3A_131 = arith.constant 0 : i32
            %scan3A_132 = arith.constant 16 : i32
            %scan3A_133 = arith.addi %scan3A_131, %scan3A_132 : i32
            %scan3A_134 = arith.constant 1 : i32
            %scan3A_135:16 = scf.for %scan3A_265 = %scan3A_131 to %scan3A_133 step %scan3A_134 iter_args(%scan3A_266 = %broadcast_in_dim3A_130, %scan3A_267 = %broadcast_in_dim3A_130, %scan3A_268 = %broadcast_in_dim3A_130, %scan3A_269 = %broadcast_in_dim3A_130, %scan3A_270 = %broadcast_in_dim3A_130, %scan3A_271 = %broadcast_in_dim3A_130, %scan3A_272 = %broadcast_in_dim3A_130, %scan3A_273 = %broadcast_in_dim3A_130, %scan3A_274 = %broadcast_in_dim3A_130, %scan3A_275 = %broadcast_in_dim3A_130, %scan3A_276 = %broadcast_in_dim3A_130, %scan3A_277 = %broadcast_in_dim3A_130, %scan3A_278 = %broadcast_in_dim3A_130, %scan3A_279 = %broadcast_in_dim3A_130, %scan3A_280 = %broadcast_in_dim3A_130, %scan3A_281 = %broadcast_in_dim3A_130) -> (vector<16xf32>, vector<16xf32>, vector<16xf32>, vector<16xf32>, vector<16xf32>, vector<16xf32>, vector<16xf32>, vector<16xf32>, vector<16xf32>, vector<16xf32>, vector<16xf32>, vector<16xf32>, vector<16xf32>, vector<16xf32>, vector<16xf32>, vector<16xf32>)  : i32 {
              %broadcast_in_dim3A_282 = vector.broadcast %scan3A_265 : i32 to vector<16x1xi32>
              %gather3A = vector.shape_cast %broadcast_in_dim3A_282 : vector<16x1xi32> to vector<16xi32>
              %gather3A_283 = tpu.dynamic_gather %get3A_129[%gather3A] in [0] : vector<16xf32>, vector<16xi32> -> vector<16xf32>
              %mul3A_284 = arith.constant 16 : i32
              %mul3A_285 = arith.muli %scan3A_121, %mul3A_284 : i32
              %add3A_286 = arith.addi %mul3A_285, %scan3A_265 : i32
              %get3A_287 = arith.index_cast %rem3A_97 : i32 to index
              %get3A_288 = arith.index_cast %add3A_286 : i32 to index
              %get3A_289 = arith.constant 0 : index
              %get3A_290 = tpu.vector_load %arg10[%get3A_287, %get3A_288, %get3A_289] {strides = array<i32>} : memref<3x112x128xi32, #tpu.memory_space<vmem>>, vector<1x1x16xi32>,
              %get3A_291 = vector.shape_cast %get3A_290 : vector<1x1x16xi32> to vector<16xi32>
              %shift_left3A = arith.constant 16 : i32
              %shift_left3A_292 = vector.broadcast %shift_left3A : i32 to vector<16xi32>
              %shift_left3A_293 = arith.shli %get3A_291, %shift_left3A_292 : vector<16xi32>
              %bitcast_convert_type3A = tpu.bitcast %shift_left3A_293 : vector<16xi32> -> vector<16xf32>
              %shift_right_arithmetic3A = arith.constant 16 : i32
              %shift_right_arithmetic3A_294 = vector.broadcast %shift_right_arithmetic3A : i32 to vector<16xi32>
              %shift_right_arithmetic3A_295 = arith.shrsi %get3A_291, %shift_right_arithmetic3A_294 : vector<16xi32>
              %shift_left3A_296 = arith.constant 16 : i32
              %shift_left3A_297 = vector.broadcast %shift_left3A_296 : i32 to vector<16xi32>
              %shift_left3A_298 = arith.shli %shift_right_arithmetic3A_295, %shift_left3A_297 : vector<16xi32>
              %bitcast_convert_type3A_299 = tpu.bitcast %shift_left3A_298 : vector<16xi32> -> vector<16xf32>
              %mul3A_300 = arith.mulf %gather3A_283, %bitcast_convert_type3A : vector<16xf32>
              %add3A_301 = arith.addf %scan3A_266, %mul3A_300 : vector<16xf32>
              %mul3A_302 = arith.mulf %gather3A_283, %bitcast_convert_type3A_299 : vector<16xf32>
              %add3A_303 = arith.addf %scan3A_274, %mul3A_302 : vector<16xf32>
              %get3A_304 = arith.index_cast %rem3A_97 : i32 to index
              %get3A_305 = arith.index_cast %add3A_286 : i32 to index
              %get3A_306 = arith.constant 16 : index
              %get3A_307 = tpu.vector_load %arg10[%get3A_304, %get3A_305, %get3A_306] {strides = array<i32>} : memref<3x112x128xi32, #tpu.memory_space<vmem>>, vector<1x1x16xi32>,
              %get3A_308 = vector.shape_cast %get3A_307 : vector<1x1x16xi32> to vector<16xi32>
              %shift_left3A_309 = arith.constant 16 : i32
              %shift_left3A_310 = vector.broadcast %shift_left3A_309 : i32 to vector<16xi32>
              %shift_left3A_311 = arith.shli %get3A_308, %shift_left3A_310 : vector<16xi32>
              %bitcast_convert_type3A_312 = tpu.bitcast %shift_left3A_311 : vector<16xi32> -> vector<16xf32>
              %shift_right_arithmetic3A_313 = arith.constant 16 : i32
              %shift_right_arithmetic3A_314 = vector.broadcast %shift_right_arithmetic3A_313 : i32 to vector<16xi32>
              %shift_right_arithmetic3A_315 = arith.shrsi %get3A_308, %shift_right_arithmetic3A_314 : vector<16xi32>
              %shift_left3A_316 = arith.constant 16 : i32
              %shift_left3A_317 = vector.broadcast %shift_left3A_316 : i32 to vector<16xi32>
              %shift_left3A_318 = arith.shli %shift_right_arithmetic3A_315, %shift_left3A_317 : vector<16xi32>
              %bitcast_convert_type3A_319 = tpu.bitcast %shift_left3A_318 : vector<16xi32> -> vector<16xf32>
              %mul3A_320 = arith.mulf %gather3A_283, %bitcast_convert_type3A_312 : vector<16xf32>
              %add3A_321 = arith.addf %scan3A_267, %mul3A_320 : vector<16xf32>
              %mul3A_322 = arith.mulf %gather3A_283, %bitcast_convert_type3A_319 : vector<16xf32>
              %add3A_323 = arith.addf %scan3A_275, %mul3A_322 : vector<16xf32>
              %get3A_324 = arith.index_cast %rem3A_97 : i32 to index
              %get3A_325 = arith.index_cast %add3A_286 : i32 to index
              %get3A_326 = arith.constant 32 : index
              %get3A_327 = tpu.vector_load %arg10[%get3A_324, %get3A_325, %get3A_326] {strides = array<i32>} : memref<3x112x128xi32, #tpu.memory_space<vmem>>, vector<1x1x16xi32>,
              %get3A_328 = vector.shape_cast %get3A_327 : vector<1x1x16xi32> to vector<16xi32>
              %shift_left3A_329 = arith.constant 16 : i32
              %shift_left3A_330 = vector.broadcast %shift_left3A_329 : i32 to vector<16xi32>
              %shift_left3A_331 = arith.shli %get3A_328, %shift_left3A_330 : vector<16xi32>
              %bitcast_convert_type3A_332 = tpu.bitcast %shift_left3A_331 : vector<16xi32> -> vector<16xf32>
              %shift_right_arithmetic3A_333 = arith.constant 16 : i32
              %shift_right_arithmetic3A_334 = vector.broadcast %shift_right_arithmetic3A_333 : i32 to vector<16xi32>
              %shift_right_arithmetic3A_335 = arith.shrsi %get3A_328, %shift_right_arithmetic3A_334 : vector<16xi32>
              %shift_left3A_336 = arith.constant 16 : i32
              %shift_left3A_337 = vector.broadcast %shift_left3A_336 : i32 to vector<16xi32>
              %shift_left3A_338 = arith.shli %shift_right_arithmetic3A_335, %shift_left3A_337 : vector<16xi32>
              %bitcast_convert_type3A_339 = tpu.bitcast %shift_left3A_338 : vector<16xi32> -> vector<16xf32>
              %mul3A_340 = arith.mulf %gather3A_283, %bitcast_convert_type3A_332 : vector<16xf32>
              %add3A_341 = arith.addf %scan3A_268, %mul3A_340 : vector<16xf32>
              %mul3A_342 = arith.mulf %gather3A_283, %bitcast_convert_type3A_339 : vector<16xf32>
              %add3A_343 = arith.addf %scan3A_276, %mul3A_342 : vector<16xf32>
              %get3A_344 = arith.index_cast %rem3A_97 : i32 to index
              %get3A_345 = arith.index_cast %add3A_286 : i32 to index
              %get3A_346 = arith.constant 48 : index
              %get3A_347 = tpu.vector_load %arg10[%get3A_344, %get3A_345, %get3A_346] {strides = array<i32>} : memref<3x112x128xi32, #tpu.memory_space<vmem>>, vector<1x1x16xi32>,
              %get3A_348 = vector.shape_cast %get3A_347 : vector<1x1x16xi32> to vector<16xi32>
              %shift_left3A_349 = arith.constant 16 : i32
              %shift_left3A_350 = vector.broadcast %shift_left3A_349 : i32 to vector<16xi32>
              %shift_left3A_351 = arith.shli %get3A_348, %shift_left3A_350 : vector<16xi32>
              %bitcast_convert_type3A_352 = tpu.bitcast %shift_left3A_351 : vector<16xi32> -> vector<16xf32>
              %shift_right_arithmetic3A_353 = arith.constant 16 : i32
              %shift_right_arithmetic3A_354 = vector.broadcast %shift_right_arithmetic3A_353 : i32 to vector<16xi32>
              %shift_right_arithmetic3A_355 = arith.shrsi %get3A_348, %shift_right_arithmetic3A_354 : vector<16xi32>
              %shift_left3A_356 = arith.constant 16 : i32
              %shift_left3A_357 = vector.broadcast %shift_left3A_356 : i32 to vector<16xi32>
              %shift_left3A_358 = arith.shli %shift_right_arithmetic3A_355, %shift_left3A_357 : vector<16xi32>
              %bitcast_convert_type3A_359 = tpu.bitcast %shift_left3A_358 : vector<16xi32> -> vector<16xf32>
              %mul3A_360 = arith.mulf %gather3A_283, %bitcast_convert_type3A_352 : vector<16xf32>
              %add3A_361 = arith.addf %scan3A_269, %mul3A_360 : vector<16xf32>
              %mul3A_362 = arith.mulf %gather3A_283, %bitcast_convert_type3A_359 : vector<16xf32>
              %add3A_363 = arith.addf %scan3A_277, %mul3A_362 : vector<16xf32>
              %get3A_364 = arith.index_cast %rem3A_97 : i32 to index
              %get3A_365 = arith.index_cast %add3A_286 : i32 to index
              %get3A_366 = arith.constant 64 : index
              %get3A_367 = tpu.vector_load %arg10[%get3A_364, %get3A_365, %get3A_366] {strides = array<i32>} : memref<3x112x128xi32, #tpu.memory_space<vmem>>, vector<1x1x16xi32>,
              %get3A_368 = vector.shape_cast %get3A_367 : vector<1x1x16xi32> to vector<16xi32>
              %shift_left3A_369 = arith.constant 16 : i32
              %shift_left3A_370 = vector.broadcast %shift_left3A_369 : i32 to vector<16xi32>
              %shift_left3A_371 = arith.shli %get3A_368, %shift_left3A_370 : vector<16xi32>
              %bitcast_convert_type3A_372 = tpu.bitcast %shift_left3A_371 : vector<16xi32> -> vector<16xf32>
              %shift_right_arithmetic3A_373 = arith.constant 16 : i32
              %shift_right_arithmetic3A_374 = vector.broadcast %shift_right_arithmetic3A_373 : i32 to vector<16xi32>
              %shift_right_arithmetic3A_375 = arith.shrsi %get3A_368, %shift_right_arithmetic3A_374 : vector<16xi32>
              %shift_left3A_376 = arith.constant 16 : i32
              %shift_left3A_377 = vector.broadcast %shift_left3A_376 : i32 to vector<16xi32>
              %shift_left3A_378 = arith.shli %shift_right_arithmetic3A_375, %shift_left3A_377 : vector<16xi32>
              %bitcast_convert_type3A_379 = tpu.bitcast %shift_left3A_378 : vector<16xi32> -> vector<16xf32>
              %mul3A_380 = arith.mulf %gather3A_283, %bitcast_convert_type3A_372 : vector<16xf32>
              %add3A_381 = arith.addf %scan3A_270, %mul3A_380 : vector<16xf32>
              %mul3A_382 = arith.mulf %gather3A_283, %bitcast_convert_type3A_379 : vector<16xf32>
              %add3A_383 = arith.addf %scan3A_278, %mul3A_382 : vector<16xf32>
              %get3A_384 = arith.index_cast %rem3A_97 : i32 to index
              %get3A_385 = arith.index_cast %add3A_286 : i32 to index
              %get3A_386 = arith.constant 80 : index
              %get3A_387 = tpu.vector_load %arg10[%get3A_384, %get3A_385, %get3A_386] {strides = array<i32>} : memref<3x112x128xi32, #tpu.memory_space<vmem>>, vector<1x1x16xi32>,
              %get3A_388 = vector.shape_cast %get3A_387 : vector<1x1x16xi32> to vector<16xi32>
              %shift_left3A_389 = arith.constant 16 : i32
              %shift_left3A_390 = vector.broadcast %shift_left3A_389 : i32 to vector<16xi32>
              %shift_left3A_391 = arith.shli %get3A_388, %shift_left3A_390 : vector<16xi32>
              %bitcast_convert_type3A_392 = tpu.bitcast %shift_left3A_391 : vector<16xi32> -> vector<16xf32>
              %shift_right_arithmetic3A_393 = arith.constant 16 : i32
              %shift_right_arithmetic3A_394 = vector.broadcast %shift_right_arithmetic3A_393 : i32 to vector<16xi32>
              %shift_right_arithmetic3A_395 = arith.shrsi %get3A_388, %shift_right_arithmetic3A_394 : vector<16xi32>
              %shift_left3A_396 = arith.constant 16 : i32
              %shift_left3A_397 = vector.broadcast %shift_left3A_396 : i32 to vector<16xi32>
              %shift_left3A_398 = arith.shli %shift_right_arithmetic3A_395, %shift_left3A_397 : vector<16xi32>
              %bitcast_convert_type3A_399 = tpu.bitcast %shift_left3A_398 : vector<16xi32> -> vector<16xf32>
              %mul3A_400 = arith.mulf %gather3A_283, %bitcast_convert_type3A_392 : vector<16xf32>
              %add3A_401 = arith.addf %scan3A_271, %mul3A_400 : vector<16xf32>
              %mul3A_402 = arith.mulf %gather3A_283, %bitcast_convert_type3A_399 : vector<16xf32>
              %add3A_403 = arith.addf %scan3A_279, %mul3A_402 : vector<16xf32>
              %get3A_404 = arith.index_cast %rem3A_97 : i32 to index
              %get3A_405 = arith.index_cast %add3A_286 : i32 to index
              %get3A_406 = arith.constant 96 : index
              %get3A_407 = tpu.vector_load %arg10[%get3A_404, %get3A_405, %get3A_406] {strides = array<i32>} : memref<3x112x128xi32, #tpu.memory_space<vmem>>, vector<1x1x16xi32>,
              %get3A_408 = vector.shape_cast %get3A_407 : vector<1x1x16xi32> to vector<16xi32>
              %shift_left3A_409 = arith.constant 16 : i32
              %shift_left3A_410 = vector.broadcast %shift_left3A_409 : i32 to vector<16xi32>
              %shift_left3A_411 = arith.shli %get3A_408, %shift_left3A_410 : vector<16xi32>
              %bitcast_convert_type3A_412 = tpu.bitcast %shift_left3A_411 : vector<16xi32> -> vector<16xf32>
              %shift_right_arithmetic3A_413 = arith.constant 16 : i32
              %shift_right_arithmetic3A_414 = vector.broadcast %shift_right_arithmetic3A_413 : i32 to vector<16xi32>
              %shift_right_arithmetic3A_415 = arith.shrsi %get3A_408, %shift_right_arithmetic3A_414 : vector<16xi32>
              %shift_left3A_416 = arith.constant 16 : i32
              %shift_left3A_417 = vector.broadcast %shift_left3A_416 : i32 to vector<16xi32>
              %shift_left3A_418 = arith.shli %shift_right_arithmetic3A_415, %shift_left3A_417 : vector<16xi32>
              %bitcast_convert_type3A_419 = tpu.bitcast %shift_left3A_418 : vector<16xi32> -> vector<16xf32>
              %mul3A_420 = arith.mulf %gather3A_283, %bitcast_convert_type3A_412 : vector<16xf32>
              %add3A_421 = arith.addf %scan3A_272, %mul3A_420 : vector<16xf32>
              %mul3A_422 = arith.mulf %gather3A_283, %bitcast_convert_type3A_419 : vector<16xf32>
              %add3A_423 = arith.addf %scan3A_280, %mul3A_422 : vector<16xf32>
              %get3A_424 = arith.index_cast %rem3A_97 : i32 to index
              %get3A_425 = arith.index_cast %add3A_286 : i32 to index
              %get3A_426 = arith.constant 112 : index
              %get3A_427 = tpu.vector_load %arg10[%get3A_424, %get3A_425, %get3A_426] {strides = array<i32>} : memref<3x112x128xi32, #tpu.memory_space<vmem>>, vector<1x1x16xi32>,
              %get3A_428 = vector.shape_cast %get3A_427 : vector<1x1x16xi32> to vector<16xi32>
              %shift_left3A_429 = arith.constant 16 : i32
              %shift_left3A_430 = vector.broadcast %shift_left3A_429 : i32 to vector<16xi32>
              %shift_left3A_431 = arith.shli %get3A_428, %shift_left3A_430 : vector<16xi32>
              %bitcast_convert_type3A_432 = tpu.bitcast %shift_left3A_431 : vector<16xi32> -> vector<16xf32>
              %shift_right_arithmetic3A_433 = arith.constant 16 : i32
              %shift_right_arithmetic3A_434 = vector.broadcast %shift_right_arithmetic3A_433 : i32 to vector<16xi32>
              %shift_right_arithmetic3A_435 = arith.shrsi %get3A_428, %shift_right_arithmetic3A_434 : vector<16xi32>
              %shift_left3A_436 = arith.constant 16 : i32
              %shift_left3A_437 = vector.broadcast %shift_left3A_436 : i32 to vector<16xi32>
              %shift_left3A_438 = arith.shli %shift_right_arithmetic3A_435, %shift_left3A_437 : vector<16xi32>
              %bitcast_convert_type3A_439 = tpu.bitcast %shift_left3A_438 : vector<16xi32> -> vector<16xf32>
              %mul3A_440 = arith.mulf %gather3A_283, %bitcast_convert_type3A_432 : vector<16xf32>
              %add3A_441 = arith.addf %scan3A_273, %mul3A_440 : vector<16xf32>
              %mul3A_442 = arith.mulf %gather3A_283, %bitcast_convert_type3A_439 : vector<16xf32>
              %add3A_443 = arith.addf %scan3A_281, %mul3A_442 : vector<16xf32>
              scf.yield %add3A_301, %add3A_321, %add3A_341, %add3A_361, %add3A_381, %add3A_401, %add3A_421, %add3A_441, %add3A_303, %add3A_323, %add3A_343, %add3A_363, %add3A_383, %add3A_403, %add3A_423, %add3A_443 : vector<16xf32>, vector<16xf32>, vector<16xf32>, vector<16xf32>, vector<16xf32>, vector<16xf32>, vector<16xf32>, vector<16xf32>, vector<16xf32>, vector<16xf32>, vector<16xf32>, vector<16xf32>, vector<16xf32>, vector<16xf32>, vector<16xf32>, vector<16xf32>
            }
            %scan3A_136 = arith.constant 16 : i32
            %mul3A_137 = arith.constant 256 : i32
            %mul3A_138 = arith.muli %add3A_125, %mul3A_137 : i32
            %add3A_139 = arith.constant 0 : i32
            %add3A_140 = arith.addi %mul3A_138, %add3A_139 : i32
            %swap3A = arith.index_cast %add3A_140 : i32 to index
            %swap3A_141 = tpu.vector_load %arg11[%swap3A] {strides = array<i32>} : memref<12544xf32, #tpu.memory_space<vmem>>, vector<16xf32>,
            %swap3A_142 = vector.shape_cast %swap3A_141 : vector<16xf32> to vector<16xf32>
            %swap3A_143 = vector.shape_cast %scan3A_135#0 : vector<16xf32> to vector<16xf32>
            tpu.vector_store %arg11[%swap3A], %swap3A_143 {strides = array<i32>} : memref<12544xf32, #tpu.memory_space<vmem>>, vector<16xf32>,
            %mul3A_144 = arith.constant 256 : i32
            %mul3A_145 = arith.muli %add3A_125, %mul3A_144 : i32
            %add3A_146 = arith.constant 16 : i32
            %add3A_147 = arith.addi %mul3A_145, %add3A_146 : i32
            %swap3A_148 = arith.index_cast %add3A_147 : i32 to index
            %swap3A_149 = tpu.vector_load %arg11[%swap3A_148] {strides = array<i32>} : memref<12544xf32, #tpu.memory_space<vmem>>, vector<16xf32>,
            %swap3A_150 = vector.shape_cast %swap3A_149 : vector<16xf32> to vector<16xf32>
            %swap3A_151 = vector.shape_cast %scan3A_135#1 : vector<16xf32> to vector<16xf32>
            tpu.vector_store %arg11[%swap3A_148], %swap3A_151 {strides = array<i32>} : memref<12544xf32, #tpu.memory_space<vmem>>, vector<16xf32>,
            %mul3A_152 = arith.constant 256 : i32
            %mul3A_153 = arith.muli %add3A_125, %mul3A_152 : i32
            %add3A_154 = arith.constant 32 : i32
            %add3A_155 = arith.addi %mul3A_153, %add3A_154 : i32
            %swap3A_156 = arith.index_cast %add3A_155 : i32 to index
            %swap3A_157 = tpu.vector_load %arg11[%swap3A_156] {strides = array<i32>} : memref<12544xf32, #tpu.memory_space<vmem>>, vector<16xf32>,
            %swap3A_158 = vector.shape_cast %swap3A_157 : vector<16xf32> to vector<16xf32>
            %swap3A_159 = vector.shape_cast %scan3A_135#2 : vector<16xf32> to vector<16xf32>
            tpu.vector_store %arg11[%swap3A_156], %swap3A_159 {strides = array<i32>} : memref<12544xf32, #tpu.memory_space<vmem>>, vector<16xf32>,
            %mul3A_160 = arith.constant 256 : i32
            %mul3A_161 = arith.muli %add3A_125, %mul3A_160 : i32
            %add3A_162 = arith.constant 48 : i32
            %add3A_163 = arith.addi %mul3A_161, %add3A_162 : i32
            %swap3A_164 = arith.index_cast %add3A_163 : i32 to index
            %swap3A_165 = tpu.vector_load %arg11[%swap3A_164] {strides = array<i32>} : memref<12544xf32, #tpu.memory_space<vmem>>, vector<16xf32>,
            %swap3A_166 = vector.shape_cast %swap3A_165 : vector<16xf32> to vector<16xf32>
            %swap3A_167 = vector.shape_cast %scan3A_135#3 : vector<16xf32> to vector<16xf32>
            tpu.vector_store %arg11[%swap3A_164], %swap3A_167 {strides = array<i32>} : memref<12544xf32, #tpu.memory_space<vmem>>, vector<16xf32>,
            %mul3A_168 = arith.constant 256 : i32
            %mul3A_169 = arith.muli %add3A_125, %mul3A_168 : i32
            %add3A_170 = arith.constant 64 : i32
            %add3A_171 = arith.addi %mul3A_169, %add3A_170 : i32
            %swap3A_172 = arith.index_cast %add3A_171 : i32 to index
            %swap3A_173 = tpu.vector_load %arg11[%swap3A_172] {strides = array<i32>} : memref<12544xf32, #tpu.memory_space<vmem>>, vector<16xf32>,
            %swap3A_174 = vector.shape_cast %swap3A_173 : vector<16xf32> to vector<16xf32>
            %swap3A_175 = vector.shape_cast %scan3A_135#4 : vector<16xf32> to vector<16xf32>
            tpu.vector_store %arg11[%swap3A_172], %swap3A_175 {strides = array<i32>} : memref<12544xf32, #tpu.memory_space<vmem>>, vector<16xf32>,
            %mul3A_176 = arith.constant 256 : i32
            %mul3A_177 = arith.muli %add3A_125, %mul3A_176 : i32
            %add3A_178 = arith.constant 80 : i32
            %add3A_179 = arith.addi %mul3A_177, %add3A_178 : i32
            %swap3A_180 = arith.index_cast %add3A_179 : i32 to index
            %swap3A_181 = tpu.vector_load %arg11[%swap3A_180] {strides = array<i32>} : memref<12544xf32, #tpu.memory_space<vmem>>, vector<16xf32>,
            %swap3A_182 = vector.shape_cast %swap3A_181 : vector<16xf32> to vector<16xf32>
            %swap3A_183 = vector.shape_cast %scan3A_135#5 : vector<16xf32> to vector<16xf32>
            tpu.vector_store %arg11[%swap3A_180], %swap3A_183 {strides = array<i32>} : memref<12544xf32, #tpu.memory_space<vmem>>, vector<16xf32>,
            %mul3A_184 = arith.constant 256 : i32
            %mul3A_185 = arith.muli %add3A_125, %mul3A_184 : i32
            %add3A_186 = arith.constant 96 : i32
            %add3A_187 = arith.addi %mul3A_185, %add3A_186 : i32
            %swap3A_188 = arith.index_cast %add3A_187 : i32 to index
            %swap3A_189 = tpu.vector_load %arg11[%swap3A_188] {strides = array<i32>} : memref<12544xf32, #tpu.memory_space<vmem>>, vector<16xf32>,
            %swap3A_190 = vector.shape_cast %swap3A_189 : vector<16xf32> to vector<16xf32>
            %swap3A_191 = vector.shape_cast %scan3A_135#6 : vector<16xf32> to vector<16xf32>
            tpu.vector_store %arg11[%swap3A_188], %swap3A_191 {strides = array<i32>} : memref<12544xf32, #tpu.memory_space<vmem>>, vector<16xf32>,
            %mul3A_192 = arith.constant 256 : i32
            %mul3A_193 = arith.muli %add3A_125, %mul3A_192 : i32
            %add3A_194 = arith.constant 112 : i32
            %add3A_195 = arith.addi %mul3A_193, %add3A_194 : i32
            %swap3A_196 = arith.index_cast %add3A_195 : i32 to index
            %swap3A_197 = tpu.vector_load %arg11[%swap3A_196] {strides = array<i32>} : memref<12544xf32, #tpu.memory_space<vmem>>, vector<16xf32>,
            %swap3A_198 = vector.shape_cast %swap3A_197 : vector<16xf32> to vector<16xf32>
            %swap3A_199 = vector.shape_cast %scan3A_135#7 : vector<16xf32> to vector<16xf32>
            tpu.vector_store %arg11[%swap3A_196], %swap3A_199 {strides = array<i32>} : memref<12544xf32, #tpu.memory_space<vmem>>, vector<16xf32>,
            %mul3A_200 = arith.constant 256 : i32
            %mul3A_201 = arith.muli %add3A_125, %mul3A_200 : i32
            %add3A_202 = arith.constant 128 : i32
            %add3A_203 = arith.addi %mul3A_201, %add3A_202 : i32
            %swap3A_204 = arith.index_cast %add3A_203 : i32 to index
            %swap3A_205 = tpu.vector_load %arg11[%swap3A_204] {strides = array<i32>} : memref<12544xf32, #tpu.memory_space<vmem>>, vector<16xf32>,
            %swap3A_206 = vector.shape_cast %swap3A_205 : vector<16xf32> to vector<16xf32>
            %swap3A_207 = vector.shape_cast %scan3A_135#8 : vector<16xf32> to vector<16xf32>
            tpu.vector_store %arg11[%swap3A_204], %swap3A_207 {strides = array<i32>} : memref<12544xf32, #tpu.memory_space<vmem>>, vector<16xf32>,
            %mul3A_208 = arith.constant 256 : i32
            %mul3A_209 = arith.muli %add3A_125, %mul3A_208 : i32
            %add3A_210 = arith.constant 144 : i32
            %add3A_211 = arith.addi %mul3A_209, %add3A_210 : i32
            %swap3A_212 = arith.index_cast %add3A_211 : i32 to index
            %swap3A_213 = tpu.vector_load %arg11[%swap3A_212] {strides = array<i32>} : memref<12544xf32, #tpu.memory_space<vmem>>, vector<16xf32>,
            %swap3A_214 = vector.shape_cast %swap3A_213 : vector<16xf32> to vector<16xf32>
            %swap3A_215 = vector.shape_cast %scan3A_135#9 : vector<16xf32> to vector<16xf32>
            tpu.vector_store %arg11[%swap3A_212], %swap3A_215 {strides = array<i32>} : memref<12544xf32, #tpu.memory_space<vmem>>, vector<16xf32>,
            %mul3A_216 = arith.constant 256 : i32
            %mul3A_217 = arith.muli %add3A_125, %mul3A_216 : i32
            %add3A_218 = arith.constant 160 : i32
            %add3A_219 = arith.addi %mul3A_217, %add3A_218 : i32
            %swap3A_220 = arith.index_cast %add3A_219 : i32 to index
            %swap3A_221 = tpu.vector_load %arg11[%swap3A_220] {strides = array<i32>} : memref<12544xf32, #tpu.memory_space<vmem>>, vector<16xf32>,
            %swap3A_222 = vector.shape_cast %swap3A_221 : vector<16xf32> to vector<16xf32>
            %swap3A_223 = vector.shape_cast %scan3A_135#10 : vector<16xf32> to vector<16xf32>
            tpu.vector_store %arg11[%swap3A_220], %swap3A_223 {strides = array<i32>} : memref<12544xf32, #tpu.memory_space<vmem>>, vector<16xf32>,
            %mul3A_224 = arith.constant 256 : i32
            %mul3A_225 = arith.muli %add3A_125, %mul3A_224 : i32
            %add3A_226 = arith.constant 176 : i32
            %add3A_227 = arith.addi %mul3A_225, %add3A_226 : i32
            %swap3A_228 = arith.index_cast %add3A_227 : i32 to index
            %swap3A_229 = tpu.vector_load %arg11[%swap3A_228] {strides = array<i32>} : memref<12544xf32, #tpu.memory_space<vmem>>, vector<16xf32>,
            %swap3A_230 = vector.shape_cast %swap3A_229 : vector<16xf32> to vector<16xf32>
            %swap3A_231 = vector.shape_cast %scan3A_135#11 : vector<16xf32> to vector<16xf32>
            tpu.vector_store %arg11[%swap3A_228], %swap3A_231 {strides = array<i32>} : memref<12544xf32, #tpu.memory_space<vmem>>, vector<16xf32>,
            %mul3A_232 = arith.constant 256 : i32
            %mul3A_233 = arith.muli %add3A_125, %mul3A_232 : i32
            %add3A_234 = arith.constant 192 : i32
            %add3A_235 = arith.addi %mul3A_233, %add3A_234 : i32
            %swap3A_236 = arith.index_cast %add3A_235 : i32 to index
            %swap3A_237 = tpu.vector_load %arg11[%swap3A_236] {strides = array<i32>} : memref<12544xf32, #tpu.memory_space<vmem>>, vector<16xf32>,
            %swap3A_238 = vector.shape_cast %swap3A_237 : vector<16xf32> to vector<16xf32>
            %swap3A_239 = vector.shape_cast %scan3A_135#12 : vector<16xf32> to vector<16xf32>
            tpu.vector_store %arg11[%swap3A_236], %swap3A_239 {strides = array<i32>} : memref<12544xf32, #tpu.memory_space<vmem>>, vector<16xf32>,
            %mul3A_240 = arith.constant 256 : i32
            %mul3A_241 = arith.muli %add3A_125, %mul3A_240 : i32
            %add3A_242 = arith.constant 208 : i32
            %add3A_243 = arith.addi %mul3A_241, %add3A_242 : i32
            %swap3A_244 = arith.index_cast %add3A_243 : i32 to index
            %swap3A_245 = tpu.vector_load %arg11[%swap3A_244] {strides = array<i32>} : memref<12544xf32, #tpu.memory_space<vmem>>, vector<16xf32>,
            %swap3A_246 = vector.shape_cast %swap3A_245 : vector<16xf32> to vector<16xf32>
            %swap3A_247 = vector.shape_cast %scan3A_135#13 : vector<16xf32> to vector<16xf32>
            tpu.vector_store %arg11[%swap3A_244], %swap3A_247 {strides = array<i32>} : memref<12544xf32, #tpu.memory_space<vmem>>, vector<16xf32>,
            %mul3A_248 = arith.constant 256 : i32
            %mul3A_249 = arith.muli %add3A_125, %mul3A_248 : i32
            %add3A_250 = arith.constant 224 : i32
            %add3A_251 = arith.addi %mul3A_249, %add3A_250 : i32
            %swap3A_252 = arith.index_cast %add3A_251 : i32 to index
            %swap3A_253 = tpu.vector_load %arg11[%swap3A_252] {strides = array<i32>} : memref<12544xf32, #tpu.memory_space<vmem>>, vector<16xf32>,
            %swap3A_254 = vector.shape_cast %swap3A_253 : vector<16xf32> to vector<16xf32>
            %swap3A_255 = vector.shape_cast %scan3A_135#14 : vector<16xf32> to vector<16xf32>
            tpu.vector_store %arg11[%swap3A_252], %swap3A_255 {strides = array<i32>} : memref<12544xf32, #tpu.memory_space<vmem>>, vector<16xf32>,
            %mul3A_256 = arith.constant 256 : i32
            %mul3A_257 = arith.muli %add3A_125, %mul3A_256 : i32
            %add3A_258 = arith.constant 240 : i32
            %add3A_259 = arith.addi %mul3A_257, %add3A_258 : i32
            %swap3A_260 = arith.index_cast %add3A_259 : i32 to index
            %swap3A_261 = tpu.vector_load %arg11[%swap3A_260] {strides = array<i32>} : memref<12544xf32, #tpu.memory_space<vmem>>, vector<16xf32>,
            %swap3A_262 = vector.shape_cast %swap3A_261 : vector<16xf32> to vector<16xf32>
            %swap3A_263 = vector.shape_cast %scan3A_135#15 : vector<16xf32> to vector<16xf32>
            tpu.vector_store %arg11[%swap3A_260], %swap3A_263 {strides = array<i32>} : memref<12544xf32, #tpu.memory_space<vmem>>, vector<16xf32>,
            %scan3A_264 = arith.constant 0 : i32
            scf.yield %scan3A_264 : i32
          }
          %scan3A_119 = arith.constant 7 : i32
          %scan3A_120 = arith.constant 0 : i32
          scf.yield %scan3A_120 : i32
        }
        %scan3A_87 = arith.constant 7 : i32
        %add3A_88 = arith.constant 2 : i32
        %add3A_89 = arith.addi %scan3A_65, %add3A_88 : i32
        %lt3A = arith.constant 32 : i32
        %lt3A_90 = arith.cmpi slt, %add3A_89, %lt3A : i32
        %convert_element_type3A_91 = arith.extui %lt3A_90 : i1 to i32
        %cond3A_92 = arith.constant 0 : i32
        %cond3A_93 = arith.cmpi ne, %convert_element_type3A_91, %cond3A_92 : i32
        scf.if %cond3A_93 {
          %add3A_94 = arith.constant 2 : i32
          %add3A_95 = arith.addi %add3A_69, %add3A_94 : i32
          %dma_start3A_96 = arith.constant 0 : i32
          %dma_start3A_97 = tpu.memref_slice %arg3[%add3A_95, %dma_start3A_96] : memref<1024x784xi32, #tpu.memory_space<hbm>> -> memref<1x784xi32, #tpu.memory_space<hbm>>
          %dma_start3A_98 = tpu.memref_squeeze %dma_start3A_97 : memref<1x784xi32, #tpu.memory_space<hbm>> -> memref<784xi32, #tpu.memory_space<hbm>>
          %dma_start3A_99 = arith.constant 0 : i32
          %dma_start3A_100 = tpu.memref_slice %arg3[%add3A_95, %dma_start3A_99] : memref<1024x784xi32, #tpu.memory_space<hbm>> -> memref<1x784xi32, #tpu.memory_space<hbm>>
          %dma_start3A_101 = tpu.memref_squeeze %dma_start3A_100 : memref<1x784xi32, #tpu.memory_space<hbm>> -> memref<784xi32, #tpu.memory_space<hbm>>
          tpu.enqueue_dma source(%dma_start3A_101 : memref<784xi32, #tpu.memory_space<hbm>>) target(%arg6 : memref<784xi32, #tpu.memory_space<vmem>>) target_semaphore(%arg15 : memref<!tpu.dma_semaphore, #tpu.memory_space<semaphore_mem>>)
          %dma_start3A_102 = arith.constant 0 : i32
          %dma_start3A_103 = tpu.memref_slice %arg4[%add3A_95, %dma_start3A_102] : memref<1024x784xf32, #tpu.memory_space<hbm>> -> memref<1x784xf32, #tpu.memory_space<hbm>>
          %dma_start3A_104 = tpu.memref_squeeze %dma_start3A_103 : memref<1x784xf32, #tpu.memory_space<hbm>> -> memref<784xf32, #tpu.memory_space<hbm>>
          %dma_start3A_105 = arith.constant 0 : i32
          %dma_start3A_106 = tpu.memref_slice %arg4[%add3A_95, %dma_start3A_105] : memref<1024x784xf32, #tpu.memory_space<hbm>> -> memref<1x784xf32, #tpu.memory_space<hbm>>
          %dma_start3A_107 = tpu.memref_squeeze %dma_start3A_106 : memref<1x784xf32, #tpu.memory_space<hbm>> -> memref<784xf32, #tpu.memory_space<hbm>>
          tpu.enqueue_dma source(%dma_start3A_107 : memref<784xf32, #tpu.memory_space<hbm>>) target(%arg8 : memref<784xf32, #tpu.memory_space<vmem>>) target_semaphore(%arg15 : memref<!tpu.dma_semaphore, #tpu.memory_space<semaphore_mem>>)
        } else {
        }
      } else {
      }
      %and3A_73 = arith.constant 1 : i32
      %and3A_74 = arith.andi %scan3A_65, %and3A_73 : i32
      %eq3A_75 = arith.constant 1 : i32
      %eq3A_76 = arith.cmpi eq, %and3A_74, %eq3A_75 : i32
      %convert_element_type3A_77 = arith.extui %eq3A_76 : i1 to i32
      %cond3A_78 = arith.constant 0 : i32
      %cond3A_79 = arith.cmpi ne, %convert_element_type3A_77, %cond3A_78 : i32
      scf.if %cond3A_79 {
        %scan3A_81 = arith.constant 0 : i32
        %scan3A_82 = arith.constant 0 : i32
        %scan3A_83 = arith.constant 7 : i32
        %scan3A_84 = arith.addi %scan3A_82, %scan3A_83 : i32
        %scan3A_85 = arith.constant 1 : i32
        %scan3A_86 = scf.for %scan3A_94 = %scan3A_82 to %scan3A_84 step %scan3A_85 iter_args(%scan3A_95 = %scan3A_81) -> (i32)  : i32 {
          %add3A_96 = arith.addi %scan3A_65, %scan3A_94 : i32
          %rem3A = arith.constant 3 : i32
          %rem3A_97 = arith.remsi %add3A_96, %rem3A : i32
          %eq3A_98 = arith.constant 0 : i32
          %eq3A_99 = arith.cmpi eq, %rem3A_97, %eq3A_98 : i32
          %convert_element_type3A_100 = arith.extui %eq3A_99 : i1 to i32
          %cond3A_101 = arith.constant 0 : i32
          %cond3A_102 = arith.cmpi ne, %convert_element_type3A_100, %cond3A_101 : i32
          scf.if %cond3A_102 {
            %mul3A_121 = arith.constant 112 : i32
            %mul3A_122 = arith.muli %scan3A_94, %mul3A_121 : i32
            %dma_wait3A_123 = arith.constant 0 : i32
            %dma_wait3A_124 = arith.constant 0 : i32
            %dma_wait3A_125 = arith.constant 0 : i32
            %dma_wait3A_126 = tpu.memref_slice %arg10[%dma_wait3A_123, %dma_wait3A_124, %dma_wait3A_125] : memref<3x112x128xi32, #tpu.memory_space<vmem>> -> memref<1x112x128xi32, #tpu.memory_space<vmem>>
            %dma_wait3A_127 = tpu.memref_squeeze %dma_wait3A_126 : memref<1x112x128xi32, #tpu.memory_space<vmem>> -> memref<112x128xi32, #tpu.memory_space<vmem>>
            %dma_wait3A_128 = tpu.memref_slice %arg7[%mul3A_122] : memref<784xi32, #tpu.memory_space<vmem>> -> memref<112xi32, #tpu.memory_space<vmem>>
            %dma_wait3A_129 = arith.constant 0 : i32
            %dma_wait3A_130 = arith.constant 0 : i32
            %dma_wait3A_131 = tpu.memref_slice %arg2[%dma_wait3A_129, %dma_wait3A_130] : memref<174080x128xi32, #tpu.memory_space<hbm>> -> memref<174080x128xi32, #tpu.memory_space<hbm>>
            tpu.wait_indirect_dma semaphore(%arg12 : memref<!tpu.dma_semaphore, #tpu.memory_space<semaphore_mem>>) src(%dma_wait3A_131 : memref<174080x128xi32, #tpu.memory_space<hbm>>) dst(%dma_wait3A_127 : memref<112x128xi32, #tpu.memory_space<vmem>>)
            %lt3A_132 = arith.constant 5 : i32
            %lt3A_133 = arith.cmpi slt, %scan3A_94, %lt3A_132 : i32
            %convert_element_type3A_134 = arith.extui %lt3A_133 : i1 to i32
            %cond3A_135 = arith.constant 0 : i32
            %cond3A_136 = arith.cmpi ne, %convert_element_type3A_134, %cond3A_135 : i32
            scf.if %cond3A_136 {
              %add3A_157 = arith.constant 2 : i32
              %add3A_158 = arith.addi %scan3A_94, %add3A_157 : i32
              %mul3A_159 = arith.constant 112 : i32
              %mul3A_160 = arith.muli %add3A_158, %mul3A_159 : i32
              %dma_start3A_161 = arith.constant 2 : i32
              %dma_start3A_162 = arith.constant 0 : i32
              %dma_start3A_163 = arith.constant 0 : i32
              %dma_start3A_164 = tpu.memref_slice %arg10[%dma_start3A_161, %dma_start3A_162, %dma_start3A_163] : memref<3x112x128xi32, #tpu.memory_space<vmem>> -> memref<1x112x128xi32, #tpu.memory_space<vmem>>
              %dma_start3A_165 = tpu.memref_squeeze %dma_start3A_164 : memref<1x112x128xi32, #tpu.memory_space<vmem>> -> memref<112x128xi32, #tpu.memory_space<vmem>>
              %dma_start3A_166 = tpu.memref_slice %arg7[%mul3A_160] : memref<784xi32, #tpu.memory_space<vmem>> -> memref<112xi32, #tpu.memory_space<vmem>>
              %dma_start3A_167 = arith.constant 0 : i32
              %dma_start3A_168 = arith.constant 0 : i32
              %dma_start3A_169 = tpu.memref_slice %arg2[%dma_start3A_167, %dma_start3A_168] : memref<174080x128xi32, #tpu.memory_space<hbm>> -> memref<174080x128xi32, #tpu.memory_space<hbm>>
              tpu.enqueue_indirect_dma source(%dma_start3A_169 : memref<174080x128xi32, #tpu.memory_space<hbm>>) target(%dma_start3A_165 : memref<112x128xi32, #tpu.memory_space<vmem>>) offsets(%dma_start3A_166 : memref<112xi32, #tpu.memory_space<vmem>>) semaphore(%arg14 : memref<!tpu.dma_semaphore, #tpu.memory_space<semaphore_mem>>)
            } else {
            }
            %eq3A_137 = arith.constant 5 : i32
            %eq3A_138 = arith.cmpi eq, %scan3A_94, %eq3A_137 : i32
            %add3A_139 = arith.constant 1 : i32
            %add3A_140 = arith.addi %scan3A_65, %add3A_139 : i32
            %lt3A_141 = arith.constant 32 : i32
            %lt3A_142 = arith.cmpi slt, %add3A_140, %lt3A_141 : i32
            %and3A_143 = arith.andi %eq3A_138, %lt3A_142 : i1
            %convert_element_type3A_144 = arith.extui %and3A_143 : i1 to i32
            %cond3A_145 = arith.constant 0 : i32
            %cond3A_146 = arith.cmpi ne, %convert_element_type3A_144, %cond3A_145 : i32
            scf.if %cond3A_146 {
              %add3A_157 = arith.constant 1 : i32
              %add3A_158 = arith.addi %add3A_69, %add3A_157 : i32
              %dma_wait3A_159 = arith.constant 0 : i32
              %dma_wait3A_160 = tpu.memref_slice %arg3[%add3A_158, %dma_wait3A_159] : memref<1024x784xi32, #tpu.memory_space<hbm>> -> memref<1x784xi32, #tpu.memory_space<hbm>>
              %dma_wait3A_161 = tpu.memref_squeeze %dma_wait3A_160 : memref<1x784xi32, #tpu.memory_space<hbm>> -> memref<784xi32, #tpu.memory_space<hbm>>
              %dma_wait3A_162 = arith.constant 0 : i32
              %dma_wait3A_163 = tpu.memref_slice %arg3[%add3A_158, %dma_wait3A_162] : memref<1024x784xi32, #tpu.memory_space<hbm>> -> memref<1x784xi32, #tpu.memory_space<hbm>>
              %dma_wait3A_164 = tpu.memref_squeeze %dma_wait3A_163 : memref<1x784xi32, #tpu.memory_space<hbm>> -> memref<784xi32, #tpu.memory_space<hbm>>
              tpu.wait_dma2 semaphore(%arg15 : memref<!tpu.dma_semaphore, #tpu.memory_space<semaphore_mem>>) src(%dma_wait3A_164 : memref<784xi32, #tpu.memory_space<hbm>>) dst(%arg6 : memref<784xi32, #tpu.memory_space<vmem>>)
              %dma_wait3A_165 = arith.constant 0 : i32
              %dma_wait3A_166 = tpu.memref_slice %arg4[%add3A_158, %dma_wait3A_165] : memref<1024x784xf32, #tpu.memory_space<hbm>> -> memref<1x784xf32, #tpu.memory_space<hbm>>
              %dma_wait3A_167 = tpu.memref_squeeze %dma_wait3A_166 : memref<1x784xf32, #tpu.memory_space<hbm>> -> memref<784xf32, #tpu.memory_space<hbm>>
              %dma_wait3A_168 = arith.constant 0 : i32
              %dma_wait3A_169 = tpu.memref_slice %arg4[%add3A_158, %dma_wait3A_168] : memref<1024x784xf32, #tpu.memory_space<hbm>> -> memref<1x784xf32, #tpu.memory_space<hbm>>
              %dma_wait3A_170 = tpu.memref_squeeze %dma_wait3A_169 : memref<1x784xf32, #tpu.memory_space<hbm>> -> memref<784xf32, #tpu.memory_space<hbm>>
              tpu.wait_dma2 semaphore(%arg15 : memref<!tpu.dma_semaphore, #tpu.memory_space<semaphore_mem>>) src(%dma_wait3A_170 : memref<784xf32, #tpu.memory_space<hbm>>) dst(%arg8 : memref<784xf32, #tpu.memory_space<vmem>>)
              %dma_start3A_171 = arith.constant 2 : i32
              %dma_start3A_172 = arith.constant 0 : i32
              %dma_start3A_173 = arith.constant 0 : i32
              %dma_start3A_174 = tpu.memref_slice %arg10[%dma_start3A_171, %dma_start3A_172, %dma_start3A_173] : memref<3x112x128xi32, #tpu.memory_space<vmem>> -> memref<1x112x128xi32, #tpu.memory_space<vmem>>
              %dma_start3A_175 = tpu.memref_squeeze %dma_start3A_174 : memref<1x112x128xi32, #tpu.memory_space<vmem>> -> memref<112x128xi32, #tpu.memory_space<vmem>>
              %dma_start3A_176 = arith.constant 0 : i32
              %dma_start3A_177 = tpu.memref_slice %arg6[%dma_start3A_176] : memref<784xi32, #tpu.memory_space<vmem>> -> memref<112xi32, #tpu.memory_space<vmem>>
              %dma_start3A_178 = arith.constant 0 : i32
              %dma_start3A_179 = arith.constant 0 : i32
              %dma_start3A_180 = tpu.memref_slice %arg2[%dma_start3A_178, %dma_start3A_179] : memref<174080x128xi32, #tpu.memory_space<hbm>> -> memref<174080x128xi32, #tpu.memory_space<hbm>>
              tpu.enqueue_indirect_dma source(%dma_start3A_180 : memref<174080x128xi32, #tpu.memory_space<hbm>>) target(%dma_start3A_175 : memref<112x128xi32, #tpu.memory_space<vmem>>) offsets(%dma_start3A_177 : memref<112xi32, #tpu.memory_space<vmem>>) semaphore(%arg14 : memref<!tpu.dma_semaphore, #tpu.memory_space<semaphore_mem>>)
            } else {
            }
            %eq3A_147 = arith.constant 6 : i32
            %eq3A_148 = arith.cmpi eq, %scan3A_94, %eq3A_147 : i32
            %add3A_149 = arith.constant 1 : i32
            %add3A_150 = arith.addi %scan3A_65, %add3A_149 : i32
            %lt3A_151 = arith.constant 32 : i32
            %lt3A_152 = arith.cmpi slt, %add3A_150, %lt3A_151 : i32
            %and3A_153 = arith.andi %eq3A_148, %lt3A_152 : i1
            %convert_element_type3A_154 = arith.extui %and3A_153 : i1 to i32
            %cond3A_155 = arith.constant 0 : i32
            %cond3A_156 = arith.cmpi ne, %convert_element_type3A_154, %cond3A_155 : i32
            scf.if %cond3A_156 {
              %dma_start3A_157 = arith.constant 2 : i32
              %dma_start3A_158 = arith.constant 0 : i32
              %dma_start3A_159 = arith.constant 0 : i32
              %dma_start3A_160 = tpu.memref_slice %arg10[%dma_start3A_157, %dma_start3A_158, %dma_start3A_159] : memref<3x112x128xi32, #tpu.memory_space<vmem>> -> memref<1x112x128xi32, #tpu.memory_space<vmem>>
              %dma_start3A_161 = tpu.memref_squeeze %dma_start3A_160 : memref<1x112x128xi32, #tpu.memory_space<vmem>> -> memref<112x128xi32, #tpu.memory_space<vmem>>
              %dma_start3A_162 = arith.constant 112 : i32
              %dma_start3A_163 = tpu.memref_slice %arg6[%dma_start3A_162] : memref<784xi32, #tpu.memory_space<vmem>> -> memref<112xi32, #tpu.memory_space<vmem>>
              %dma_start3A_164 = arith.constant 0 : i32
              %dma_start3A_165 = arith.constant 0 : i32
              %dma_start3A_166 = tpu.memref_slice %arg2[%dma_start3A_164, %dma_start3A_165] : memref<174080x128xi32, #tpu.memory_space<hbm>> -> memref<174080x128xi32, #tpu.memory_space<hbm>>
              tpu.enqueue_indirect_dma source(%dma_start3A_166 : memref<174080x128xi32, #tpu.memory_space<hbm>>) target(%dma_start3A_161 : memref<112x128xi32, #tpu.memory_space<vmem>>) offsets(%dma_start3A_163 : memref<112xi32, #tpu.memory_space<vmem>>) semaphore(%arg14 : memref<!tpu.dma_semaphore, #tpu.memory_space<semaphore_mem>>)
            } else {
            }
          } else {
          }
          %eq3A_103 = arith.constant 1 : i32
          %eq3A_104 = arith.cmpi eq, %rem3A_97, %eq3A_103 : i32
          %convert_element_type3A_105 = arith.extui %eq3A_104 : i1 to i32
          %cond3A_106 = arith.constant 0 : i32
          %cond3A_107 = arith.cmpi ne, %convert_element_type3A_105, %cond3A_106 : i32
          scf.if %cond3A_107 {
            %mul3A_121 = arith.constant 112 : i32
            %mul3A_122 = arith.muli %scan3A_94, %mul3A_121 : i32
            %dma_wait3A_123 = arith.constant 1 : i32
            %dma_wait3A_124 = arith.constant 0 : i32
            %dma_wait3A_125 = arith.constant 0 : i32
            %dma_wait3A_126 = tpu.memref_slice %arg10[%dma_wait3A_123, %dma_wait3A_124, %dma_wait3A_125] : memref<3x112x128xi32, #tpu.memory_space<vmem>> -> memref<1x112x128xi32, #tpu.memory_space<vmem>>
            %dma_wait3A_127 = tpu.memref_squeeze %dma_wait3A_126 : memref<1x112x128xi32, #tpu.memory_space<vmem>> -> memref<112x128xi32, #tpu.memory_space<vmem>>
            %dma_wait3A_128 = tpu.memref_slice %arg7[%mul3A_122] : memref<784xi32, #tpu.memory_space<vmem>> -> memref<112xi32, #tpu.memory_space<vmem>>
            %dma_wait3A_129 = arith.constant 0 : i32
            %dma_wait3A_130 = arith.constant 0 : i32
            %dma_wait3A_131 = tpu.memref_slice %arg2[%dma_wait3A_129, %dma_wait3A_130] : memref<174080x128xi32, #tpu.memory_space<hbm>> -> memref<174080x128xi32, #tpu.memory_space<hbm>>
            tpu.wait_indirect_dma semaphore(%arg13 : memref<!tpu.dma_semaphore, #tpu.memory_space<semaphore_mem>>) src(%dma_wait3A_131 : memref<174080x128xi32, #tpu.memory_space<hbm>>) dst(%dma_wait3A_127 : memref<112x128xi32, #tpu.memory_space<vmem>>)
            %lt3A_132 = arith.constant 5 : i32
            %lt3A_133 = arith.cmpi slt, %scan3A_94, %lt3A_132 : i32
            %convert_element_type3A_134 = arith.extui %lt3A_133 : i1 to i32
            %cond3A_135 = arith.constant 0 : i32
            %cond3A_136 = arith.cmpi ne, %convert_element_type3A_134, %cond3A_135 : i32
            scf.if %cond3A_136 {
              %add3A_157 = arith.constant 2 : i32
              %add3A_158 = arith.addi %scan3A_94, %add3A_157 : i32
              %mul3A_159 = arith.constant 112 : i32
              %mul3A_160 = arith.muli %add3A_158, %mul3A_159 : i32
              %dma_start3A_161 = arith.constant 0 : i32
              %dma_start3A_162 = arith.constant 0 : i32
              %dma_start3A_163 = arith.constant 0 : i32
              %dma_start3A_164 = tpu.memref_slice %arg10[%dma_start3A_161, %dma_start3A_162, %dma_start3A_163] : memref<3x112x128xi32, #tpu.memory_space<vmem>> -> memref<1x112x128xi32, #tpu.memory_space<vmem>>
              %dma_start3A_165 = tpu.memref_squeeze %dma_start3A_164 : memref<1x112x128xi32, #tpu.memory_space<vmem>> -> memref<112x128xi32, #tpu.memory_space<vmem>>
              %dma_start3A_166 = tpu.memref_slice %arg7[%mul3A_160] : memref<784xi32, #tpu.memory_space<vmem>> -> memref<112xi32, #tpu.memory_space<vmem>>
              %dma_start3A_167 = arith.constant 0 : i32
              %dma_start3A_168 = arith.constant 0 : i32
              %dma_start3A_169 = tpu.memref_slice %arg2[%dma_start3A_167, %dma_start3A_168] : memref<174080x128xi32, #tpu.memory_space<hbm>> -> memref<174080x128xi32, #tpu.memory_space<hbm>>
              tpu.enqueue_indirect_dma source(%dma_start3A_169 : memref<174080x128xi32, #tpu.memory_space<hbm>>) target(%dma_start3A_165 : memref<112x128xi32, #tpu.memory_space<vmem>>) offsets(%dma_start3A_166 : memref<112xi32, #tpu.memory_space<vmem>>) semaphore(%arg12 : memref<!tpu.dma_semaphore, #tpu.memory_space<semaphore_mem>>)
            } else {
            }
            %eq3A_137 = arith.constant 5 : i32
            %eq3A_138 = arith.cmpi eq, %scan3A_94, %eq3A_137 : i32
            %add3A_139 = arith.constant 1 : i32
            %add3A_140 = arith.addi %scan3A_65, %add3A_139 : i32
            %lt3A_141 = arith.constant 32 : i32
            %lt3A_142 = arith.cmpi slt, %add3A_140, %lt3A_141 : i32
            %and3A_143 = arith.andi %eq3A_138, %lt3A_142 : i1
            %convert_element_type3A_144 = arith.extui %and3A_143 : i1 to i32
            %cond3A_145 = arith.constant 0 : i32
            %cond3A_146 = arith.cmpi ne, %convert_element_type3A_144, %cond3A_145 : i32
            scf.if %cond3A_146 {
              %add3A_157 = arith.constant 1 : i32
              %add3A_158 = arith.addi %add3A_69, %add3A_157 : i32
              %dma_wait3A_159 = arith.constant 0 : i32
              %dma_wait3A_160 = tpu.memref_slice %arg3[%add3A_158, %dma_wait3A_159] : memref<1024x784xi32, #tpu.memory_space<hbm>> -> memref<1x784xi32, #tpu.memory_space<hbm>>
              %dma_wait3A_161 = tpu.memref_squeeze %dma_wait3A_160 : memref<1x784xi32, #tpu.memory_space<hbm>> -> memref<784xi32, #tpu.memory_space<hbm>>
              %dma_wait3A_162 = arith.constant 0 : i32
              %dma_wait3A_163 = tpu.memref_slice %arg3[%add3A_158, %dma_wait3A_162] : memref<1024x784xi32, #tpu.memory_space<hbm>> -> memref<1x784xi32, #tpu.memory_space<hbm>>
              %dma_wait3A_164 = tpu.memref_squeeze %dma_wait3A_163 : memref<1x784xi32, #tpu.memory_space<hbm>> -> memref<784xi32, #tpu.memory_space<hbm>>
              tpu.wait_dma2 semaphore(%arg15 : memref<!tpu.dma_semaphore, #tpu.memory_space<semaphore_mem>>) src(%dma_wait3A_164 : memref<784xi32, #tpu.memory_space<hbm>>) dst(%arg6 : memref<784xi32, #tpu.memory_space<vmem>>)
              %dma_wait3A_165 = arith.constant 0 : i32
              %dma_wait3A_166 = tpu.memref_slice %arg4[%add3A_158, %dma_wait3A_165] : memref<1024x784xf32, #tpu.memory_space<hbm>> -> memref<1x784xf32, #tpu.memory_space<hbm>>
              %dma_wait3A_167 = tpu.memref_squeeze %dma_wait3A_166 : memref<1x784xf32, #tpu.memory_space<hbm>> -> memref<784xf32, #tpu.memory_space<hbm>>
              %dma_wait3A_168 = arith.constant 0 : i32
              %dma_wait3A_169 = tpu.memref_slice %arg4[%add3A_158, %dma_wait3A_168] : memref<1024x784xf32, #tpu.memory_space<hbm>> -> memref<1x784xf32, #tpu.memory_space<hbm>>
              %dma_wait3A_170 = tpu.memref_squeeze %dma_wait3A_169 : memref<1x784xf32, #tpu.memory_space<hbm>> -> memref<784xf32, #tpu.memory_space<hbm>>
              tpu.wait_dma2 semaphore(%arg15 : memref<!tpu.dma_semaphore, #tpu.memory_space<semaphore_mem>>) src(%dma_wait3A_170 : memref<784xf32, #tpu.memory_space<hbm>>) dst(%arg8 : memref<784xf32, #tpu.memory_space<vmem>>)
              %dma_start3A_171 = arith.constant 0 : i32
              %dma_start3A_172 = arith.constant 0 : i32
              %dma_start3A_173 = arith.constant 0 : i32
              %dma_start3A_174 = tpu.memref_slice %arg10[%dma_start3A_171, %dma_start3A_172, %dma_start3A_173] : memref<3x112x128xi32, #tpu.memory_space<vmem>> -> memref<1x112x128xi32, #tpu.memory_space<vmem>>
              %dma_start3A_175 = tpu.memref_squeeze %dma_start3A_174 : memref<1x112x128xi32, #tpu.memory_space<vmem>> -> memref<112x128xi32, #tpu.memory_space<vmem>>
              %dma_start3A_176 = arith.constant 0 : i32
              %dma_start3A_177 = tpu.memref_slice %arg6[%dma_start3A_176] : memref<784xi32, #tpu.memory_space<vmem>> -> memref<112xi32, #tpu.memory_space<vmem>>
              %dma_start3A_178 = arith.constant 0 : i32
              %dma_start3A_179 = arith.constant 0 : i32
              %dma_start3A_180 = tpu.memref_slice %arg2[%dma_start3A_178, %dma_start3A_179] : memref<174080x128xi32, #tpu.memory_space<hbm>> -> memref<174080x128xi32, #tpu.memory_space<hbm>>
              tpu.enqueue_indirect_dma source(%dma_start3A_180 : memref<174080x128xi32, #tpu.memory_space<hbm>>) target(%dma_start3A_175 : memref<112x128xi32, #tpu.memory_space<vmem>>) offsets(%dma_start3A_177 : memref<112xi32, #tpu.memory_space<vmem>>) semaphore(%arg12 : memref<!tpu.dma_semaphore, #tpu.memory_space<semaphore_mem>>)
            } else {
            }
            %eq3A_147 = arith.constant 6 : i32
            %eq3A_148 = arith.cmpi eq, %scan3A_94, %eq3A_147 : i32
            %add3A_149 = arith.constant 1 : i32
            %add3A_150 = arith.addi %scan3A_65, %add3A_149 : i32
            %lt3A_151 = arith.constant 32 : i32
            %lt3A_152 = arith.cmpi slt, %add3A_150, %lt3A_151 : i32
            %and3A_153 = arith.andi %eq3A_148, %lt3A_152 : i1
            %convert_element_type3A_154 = arith.extui %and3A_153 : i1 to i32
            %cond3A_155 = arith.constant 0 : i32
            %cond3A_156 = arith.cmpi ne, %convert_element_type3A_154, %cond3A_155 : i32
            scf.if %cond3A_156 {
              %dma_start3A_157 = arith.constant 0 : i32
              %dma_start3A_158 = arith.constant 0 : i32
              %dma_start3A_159 = arith.constant 0 : i32
              %dma_start3A_160 = tpu.memref_slice %arg10[%dma_start3A_157, %dma_start3A_158, %dma_start3A_159] : memref<3x112x128xi32, #tpu.memory_space<vmem>> -> memref<1x112x128xi32, #tpu.memory_space<vmem>>
              %dma_start3A_161 = tpu.memref_squeeze %dma_start3A_160 : memref<1x112x128xi32, #tpu.memory_space<vmem>> -> memref<112x128xi32, #tpu.memory_space<vmem>>
              %dma_start3A_162 = arith.constant 112 : i32
              %dma_start3A_163 = tpu.memref_slice %arg6[%dma_start3A_162] : memref<784xi32, #tpu.memory_space<vmem>> -> memref<112xi32, #tpu.memory_space<vmem>>
              %dma_start3A_164 = arith.constant 0 : i32
              %dma_start3A_165 = arith.constant 0 : i32
              %dma_start3A_166 = tpu.memref_slice %arg2[%dma_start3A_164, %dma_start3A_165] : memref<174080x128xi32, #tpu.memory_space<hbm>> -> memref<174080x128xi32, #tpu.memory_space<hbm>>
              tpu.enqueue_indirect_dma source(%dma_start3A_166 : memref<174080x128xi32, #tpu.memory_space<hbm>>) target(%dma_start3A_161 : memref<112x128xi32, #tpu.memory_space<vmem>>) offsets(%dma_start3A_163 : memref<112xi32, #tpu.memory_space<vmem>>) semaphore(%arg12 : memref<!tpu.dma_semaphore, #tpu.memory_space<semaphore_mem>>)
            } else {
            }
          } else {
          }
          %eq3A_108 = arith.constant 2 : i32
          %eq3A_109 = arith.cmpi eq, %rem3A_97, %eq3A_108 : i32
          %convert_element_type3A_110 = arith.extui %eq3A_109 : i1 to i32
          %cond3A_111 = arith.constant 0 : i32
          %cond3A_112 = arith.cmpi ne, %convert_element_type3A_110, %cond3A_111 : i32
          scf.if %cond3A_112 {
            %mul3A_121 = arith.constant 112 : i32
            %mul3A_122 = arith.muli %scan3A_94, %mul3A_121 : i32
            %dma_wait3A_123 = arith.constant 2 : i32
            %dma_wait3A_124 = arith.constant 0 : i32
            %dma_wait3A_125 = arith.constant 0 : i32
            %dma_wait3A_126 = tpu.memref_slice %arg10[%dma_wait3A_123, %dma_wait3A_124, %dma_wait3A_125] : memref<3x112x128xi32, #tpu.memory_space<vmem>> -> memref<1x112x128xi32, #tpu.memory_space<vmem>>
            %dma_wait3A_127 = tpu.memref_squeeze %dma_wait3A_126 : memref<1x112x128xi32, #tpu.memory_space<vmem>> -> memref<112x128xi32, #tpu.memory_space<vmem>>
            %dma_wait3A_128 = tpu.memref_slice %arg7[%mul3A_122] : memref<784xi32, #tpu.memory_space<vmem>> -> memref<112xi32, #tpu.memory_space<vmem>>
            %dma_wait3A_129 = arith.constant 0 : i32
            %dma_wait3A_130 = arith.constant 0 : i32
            %dma_wait3A_131 = tpu.memref_slice %arg2[%dma_wait3A_129, %dma_wait3A_130] : memref<174080x128xi32, #tpu.memory_space<hbm>> -> memref<174080x128xi32, #tpu.memory_space<hbm>>
            tpu.wait_indirect_dma semaphore(%arg14 : memref<!tpu.dma_semaphore, #tpu.memory_space<semaphore_mem>>) src(%dma_wait3A_131 : memref<174080x128xi32, #tpu.memory_space<hbm>>) dst(%dma_wait3A_127 : memref<112x128xi32, #tpu.memory_space<vmem>>)
            %lt3A_132 = arith.constant 5 : i32
            %lt3A_133 = arith.cmpi slt, %scan3A_94, %lt3A_132 : i32
            %convert_element_type3A_134 = arith.extui %lt3A_133 : i1 to i32
            %cond3A_135 = arith.constant 0 : i32
            %cond3A_136 = arith.cmpi ne, %convert_element_type3A_134, %cond3A_135 : i32
            scf.if %cond3A_136 {
              %add3A_157 = arith.constant 2 : i32
              %add3A_158 = arith.addi %scan3A_94, %add3A_157 : i32
              %mul3A_159 = arith.constant 112 : i32
              %mul3A_160 = arith.muli %add3A_158, %mul3A_159 : i32
              %dma_start3A_161 = arith.constant 1 : i32
              %dma_start3A_162 = arith.constant 0 : i32
              %dma_start3A_163 = arith.constant 0 : i32
              %dma_start3A_164 = tpu.memref_slice %arg10[%dma_start3A_161, %dma_start3A_162, %dma_start3A_163] : memref<3x112x128xi32, #tpu.memory_space<vmem>> -> memref<1x112x128xi32, #tpu.memory_space<vmem>>
              %dma_start3A_165 = tpu.memref_squeeze %dma_start3A_164 : memref<1x112x128xi32, #tpu.memory_space<vmem>> -> memref<112x128xi32, #tpu.memory_space<vmem>>
              %dma_start3A_166 = tpu.memref_slice %arg7[%mul3A_160] : memref<784xi32, #tpu.memory_space<vmem>> -> memref<112xi32, #tpu.memory_space<vmem>>
              %dma_start3A_167 = arith.constant 0 : i32
              %dma_start3A_168 = arith.constant 0 : i32
              %dma_start3A_169 = tpu.memref_slice %arg2[%dma_start3A_167, %dma_start3A_168] : memref<174080x128xi32, #tpu.memory_space<hbm>> -> memref<174080x128xi32, #tpu.memory_space<hbm>>
              tpu.enqueue_indirect_dma source(%dma_start3A_169 : memref<174080x128xi32, #tpu.memory_space<hbm>>) target(%dma_start3A_165 : memref<112x128xi32, #tpu.memory_space<vmem>>) offsets(%dma_start3A_166 : memref<112xi32, #tpu.memory_space<vmem>>) semaphore(%arg13 : memref<!tpu.dma_semaphore, #tpu.memory_space<semaphore_mem>>)
            } else {
            }
            %eq3A_137 = arith.constant 5 : i32
            %eq3A_138 = arith.cmpi eq, %scan3A_94, %eq3A_137 : i32
            %add3A_139 = arith.constant 1 : i32
            %add3A_140 = arith.addi %scan3A_65, %add3A_139 : i32
            %lt3A_141 = arith.constant 32 : i32
            %lt3A_142 = arith.cmpi slt, %add3A_140, %lt3A_141 : i32
            %and3A_143 = arith.andi %eq3A_138, %lt3A_142 : i1
            %convert_element_type3A_144 = arith.extui %and3A_143 : i1 to i32
            %cond3A_145 = arith.constant 0 : i32
            %cond3A_146 = arith.cmpi ne, %convert_element_type3A_144, %cond3A_145 : i32
            scf.if %cond3A_146 {
              %add3A_157 = arith.constant 1 : i32
              %add3A_158 = arith.addi %add3A_69, %add3A_157 : i32
              %dma_wait3A_159 = arith.constant 0 : i32
              %dma_wait3A_160 = tpu.memref_slice %arg3[%add3A_158, %dma_wait3A_159] : memref<1024x784xi32, #tpu.memory_space<hbm>> -> memref<1x784xi32, #tpu.memory_space<hbm>>
              %dma_wait3A_161 = tpu.memref_squeeze %dma_wait3A_160 : memref<1x784xi32, #tpu.memory_space<hbm>> -> memref<784xi32, #tpu.memory_space<hbm>>
              %dma_wait3A_162 = arith.constant 0 : i32
              %dma_wait3A_163 = tpu.memref_slice %arg3[%add3A_158, %dma_wait3A_162] : memref<1024x784xi32, #tpu.memory_space<hbm>> -> memref<1x784xi32, #tpu.memory_space<hbm>>
              %dma_wait3A_164 = tpu.memref_squeeze %dma_wait3A_163 : memref<1x784xi32, #tpu.memory_space<hbm>> -> memref<784xi32, #tpu.memory_space<hbm>>
              tpu.wait_dma2 semaphore(%arg15 : memref<!tpu.dma_semaphore, #tpu.memory_space<semaphore_mem>>) src(%dma_wait3A_164 : memref<784xi32, #tpu.memory_space<hbm>>) dst(%arg6 : memref<784xi32, #tpu.memory_space<vmem>>)
              %dma_wait3A_165 = arith.constant 0 : i32
              %dma_wait3A_166 = tpu.memref_slice %arg4[%add3A_158, %dma_wait3A_165] : memref<1024x784xf32, #tpu.memory_space<hbm>> -> memref<1x784xf32, #tpu.memory_space<hbm>>
              %dma_wait3A_167 = tpu.memref_squeeze %dma_wait3A_166 : memref<1x784xf32, #tpu.memory_space<hbm>> -> memref<784xf32, #tpu.memory_space<hbm>>
              %dma_wait3A_168 = arith.constant 0 : i32
              %dma_wait3A_169 = tpu.memref_slice %arg4[%add3A_158, %dma_wait3A_168] : memref<1024x784xf32, #tpu.memory_space<hbm>> -> memref<1x784xf32, #tpu.memory_space<hbm>>
              %dma_wait3A_170 = tpu.memref_squeeze %dma_wait3A_169 : memref<1x784xf32, #tpu.memory_space<hbm>> -> memref<784xf32, #tpu.memory_space<hbm>>
              tpu.wait_dma2 semaphore(%arg15 : memref<!tpu.dma_semaphore, #tpu.memory_space<semaphore_mem>>) src(%dma_wait3A_170 : memref<784xf32, #tpu.memory_space<hbm>>) dst(%arg8 : memref<784xf32, #tpu.memory_space<vmem>>)
              %dma_start3A_171 = arith.constant 1 : i32
              %dma_start3A_172 = arith.constant 0 : i32
              %dma_start3A_173 = arith.constant 0 : i32
              %dma_start3A_174 = tpu.memref_slice %arg10[%dma_start3A_171, %dma_start3A_172, %dma_start3A_173] : memref<3x112x128xi32, #tpu.memory_space<vmem>> -> memref<1x112x128xi32, #tpu.memory_space<vmem>>
              %dma_start3A_175 = tpu.memref_squeeze %dma_start3A_174 : memref<1x112x128xi32, #tpu.memory_space<vmem>> -> memref<112x128xi32, #tpu.memory_space<vmem>>
              %dma_start3A_176 = arith.constant 0 : i32
              %dma_start3A_177 = tpu.memref_slice %arg6[%dma_start3A_176] : memref<784xi32, #tpu.memory_space<vmem>> -> memref<112xi32, #tpu.memory_space<vmem>>
              %dma_start3A_178 = arith.constant 0 : i32
              %dma_start3A_179 = arith.constant 0 : i32
              %dma_start3A_180 = tpu.memref_slice %arg2[%dma_start3A_178, %dma_start3A_179] : memref<174080x128xi32, #tpu.memory_space<hbm>> -> memref<174080x128xi32, #tpu.memory_space<hbm>>
              tpu.enqueue_indirect_dma source(%dma_start3A_180 : memref<174080x128xi32, #tpu.memory_space<hbm>>) target(%dma_start3A_175 : memref<112x128xi32, #tpu.memory_space<vmem>>) offsets(%dma_start3A_177 : memref<112xi32, #tpu.memory_space<vmem>>) semaphore(%arg13 : memref<!tpu.dma_semaphore, #tpu.memory_space<semaphore_mem>>)
            } else {
            }
            %eq3A_147 = arith.constant 6 : i32
            %eq3A_148 = arith.cmpi eq, %scan3A_94, %eq3A_147 : i32
            %add3A_149 = arith.constant 1 : i32
            %add3A_150 = arith.addi %scan3A_65, %add3A_149 : i32
            %lt3A_151 = arith.constant 32 : i32
            %lt3A_152 = arith.cmpi slt, %add3A_150, %lt3A_151 : i32
            %and3A_153 = arith.andi %eq3A_148, %lt3A_152 : i1
            %convert_element_type3A_154 = arith.extui %and3A_153 : i1 to i32
            %cond3A_155 = arith.constant 0 : i32
            %cond3A_156 = arith.cmpi ne, %convert_element_type3A_154, %cond3A_155 : i32
            scf.if %cond3A_156 {
              %dma_start3A_157 = arith.constant 1 : i32
              %dma_start3A_158 = arith.constant 0 : i32
              %dma_start3A_159 = arith.constant 0 : i32
              %dma_start3A_160 = tpu.memref_slice %arg10[%dma_start3A_157, %dma_start3A_158, %dma_start3A_159] : memref<3x112x128xi32, #tpu.memory_space<vmem>> -> memref<1x112x128xi32, #tpu.memory_space<vmem>>
              %dma_start3A_161 = tpu.memref_squeeze %dma_start3A_160 : memref<1x112x128xi32, #tpu.memory_space<vmem>> -> memref<112x128xi32, #tpu.memory_space<vmem>>
              %dma_start3A_162 = arith.constant 112 : i32
              %dma_start3A_163 = tpu.memref_slice %arg6[%dma_start3A_162] : memref<784xi32, #tpu.memory_space<vmem>> -> memref<112xi32, #tpu.memory_space<vmem>>
              %dma_start3A_164 = arith.constant 0 : i32
              %dma_start3A_165 = arith.constant 0 : i32
              %dma_start3A_166 = tpu.memref_slice %arg2[%dma_start3A_164, %dma_start3A_165] : memref<174080x128xi32, #tpu.memory_space<hbm>> -> memref<174080x128xi32, #tpu.memory_space<hbm>>
              tpu.enqueue_indirect_dma source(%dma_start3A_166 : memref<174080x128xi32, #tpu.memory_space<hbm>>) target(%dma_start3A_161 : memref<112x128xi32, #tpu.memory_space<vmem>>) offsets(%dma_start3A_163 : memref<112xi32, #tpu.memory_space<vmem>>) semaphore(%arg13 : memref<!tpu.dma_semaphore, #tpu.memory_space<semaphore_mem>>)
            } else {
            }
          } else {
          }
          %scan3A_113 = arith.constant 0 : i32
          %scan3A_114 = arith.constant 0 : i32
          %scan3A_115 = arith.constant 7 : i32
          %scan3A_116 = arith.addi %scan3A_114, %scan3A_115 : i32
          %scan3A_117 = arith.constant 1 : i32
          %scan3A_118 = scf.for %scan3A_121 = %scan3A_114 to %scan3A_116 step %scan3A_117 iter_args(%scan3A_122 = %scan3A_113) -> (i32)  : i32 {
            %mul3A_123 = arith.constant 7 : i32
            %mul3A_124 = arith.muli %scan3A_94, %mul3A_123 : i32
            %add3A_125 = arith.addi %mul3A_124, %scan3A_121 : i32
            %mul3A_126 = arith.constant 16 : i32
            %mul3A_127 = arith.muli %add3A_125, %mul3A_126 : i32
            %get3A = arith.index_cast %mul3A_127 : i32 to index
            %get3A_128 = tpu.vector_load %arg9[%get3A] {strides = array<i32>} : memref<784xf32, #tpu.memory_space<vmem>>, vector<16xf32>,
            %get3A_129 = vector.shape_cast %get3A_128 : vector<16xf32> to vector<16xf32>
            %broadcast_in_dim3A = arith.constant 0.000000e+00 : f32
            %broadcast_in_dim3A_130 = vector.broadcast %broadcast_in_dim3A : f32 to vector<16xf32>
            %scan3A_131 = arith.constant 0 : i32
            %scan3A_132 = arith.constant 16 : i32
            %scan3A_133 = arith.addi %scan3A_131, %scan3A_132 : i32
            %scan3A_134 = arith.constant 1 : i32
            %scan3A_135:16 = scf.for %scan3A_265 = %scan3A_131 to %scan3A_133 step %scan3A_134 iter_args(%scan3A_266 = %broadcast_in_dim3A_130, %scan3A_267 = %broadcast_in_dim3A_130, %scan3A_268 = %broadcast_in_dim3A_130, %scan3A_269 = %broadcast_in_dim3A_130, %scan3A_270 = %broadcast_in_dim3A_130, %scan3A_271 = %broadcast_in_dim3A_130, %scan3A_272 = %broadcast_in_dim3A_130, %scan3A_273 = %broadcast_in_dim3A_130, %scan3A_274 = %broadcast_in_dim3A_130, %scan3A_275 = %broadcast_in_dim3A_130, %scan3A_276 = %broadcast_in_dim3A_130, %scan3A_277 = %broadcast_in_dim3A_130, %scan3A_278 = %broadcast_in_dim3A_130, %scan3A_279 = %broadcast_in_dim3A_130, %scan3A_280 = %broadcast_in_dim3A_130, %scan3A_281 = %broadcast_in_dim3A_130) -> (vector<16xf32>, vector<16xf32>, vector<16xf32>, vector<16xf32>, vector<16xf32>, vector<16xf32>, vector<16xf32>, vector<16xf32>, vector<16xf32>, vector<16xf32>, vector<16xf32>, vector<16xf32>, vector<16xf32>, vector<16xf32>, vector<16xf32>, vector<16xf32>)  : i32 {
              %broadcast_in_dim3A_282 = vector.broadcast %scan3A_265 : i32 to vector<16x1xi32>
              %gather3A = vector.shape_cast %broadcast_in_dim3A_282 : vector<16x1xi32> to vector<16xi32>
              %gather3A_283 = tpu.dynamic_gather %get3A_129[%gather3A] in [0] : vector<16xf32>, vector<16xi32> -> vector<16xf32>
              %mul3A_284 = arith.constant 16 : i32
              %mul3A_285 = arith.muli %scan3A_121, %mul3A_284 : i32
              %add3A_286 = arith.addi %mul3A_285, %scan3A_265 : i32
              %get3A_287 = arith.index_cast %rem3A_97 : i32 to index
              %get3A_288 = arith.index_cast %add3A_286 : i32 to index
              %get3A_289 = arith.constant 0 : index
              %get3A_290 = tpu.vector_load %arg10[%get3A_287, %get3A_288, %get3A_289] {strides = array<i32>} : memref<3x112x128xi32, #tpu.memory_space<vmem>>, vector<1x1x16xi32>,
              %get3A_291 = vector.shape_cast %get3A_290 : vector<1x1x16xi32> to vector<16xi32>
              %shift_left3A = arith.constant 16 : i32
              %shift_left3A_292 = vector.broadcast %shift_left3A : i32 to vector<16xi32>
              %shift_left3A_293 = arith.shli %get3A_291, %shift_left3A_292 : vector<16xi32>
              %bitcast_convert_type3A = tpu.bitcast %shift_left3A_293 : vector<16xi32> -> vector<16xf32>
              %shift_right_arithmetic3A = arith.constant 16 : i32
              %shift_right_arithmetic3A_294 = vector.broadcast %shift_right_arithmetic3A : i32 to vector<16xi32>
              %shift_right_arithmetic3A_295 = arith.shrsi %get3A_291, %shift_right_arithmetic3A_294 : vector<16xi32>
              %shift_left3A_296 = arith.constant 16 : i32
              %shift_left3A_297 = vector.broadcast %shift_left3A_296 : i32 to vector<16xi32>
              %shift_left3A_298 = arith.shli %shift_right_arithmetic3A_295, %shift_left3A_297 : vector<16xi32>
              %bitcast_convert_type3A_299 = tpu.bitcast %shift_left3A_298 : vector<16xi32> -> vector<16xf32>
              %mul3A_300 = arith.mulf %gather3A_283, %bitcast_convert_type3A : vector<16xf32>
              %add3A_301 = arith.addf %scan3A_266, %mul3A_300 : vector<16xf32>
              %mul3A_302 = arith.mulf %gather3A_283, %bitcast_convert_type3A_299 : vector<16xf32>
              %add3A_303 = arith.addf %scan3A_274, %mul3A_302 : vector<16xf32>
              %get3A_304 = arith.index_cast %rem3A_97 : i32 to index
              %get3A_305 = arith.index_cast %add3A_286 : i32 to index
              %get3A_306 = arith.constant 16 : index
              %get3A_307 = tpu.vector_load %arg10[%get3A_304, %get3A_305, %get3A_306] {strides = array<i32>} : memref<3x112x128xi32, #tpu.memory_space<vmem>>, vector<1x1x16xi32>,
              %get3A_308 = vector.shape_cast %get3A_307 : vector<1x1x16xi32> to vector<16xi32>
              %shift_left3A_309 = arith.constant 16 : i32
              %shift_left3A_310 = vector.broadcast %shift_left3A_309 : i32 to vector<16xi32>
              %shift_left3A_311 = arith.shli %get3A_308, %shift_left3A_310 : vector<16xi32>
              %bitcast_convert_type3A_312 = tpu.bitcast %shift_left3A_311 : vector<16xi32> -> vector<16xf32>
              %shift_right_arithmetic3A_313 = arith.constant 16 : i32
              %shift_right_arithmetic3A_314 = vector.broadcast %shift_right_arithmetic3A_313 : i32 to vector<16xi32>
              %shift_right_arithmetic3A_315 = arith.shrsi %get3A_308, %shift_right_arithmetic3A_314 : vector<16xi32>
              %shift_left3A_316 = arith.constant 16 : i32
              %shift_left3A_317 = vector.broadcast %shift_left3A_316 : i32 to vector<16xi32>
              %shift_left3A_318 = arith.shli %shift_right_arithmetic3A_315, %shift_left3A_317 : vector<16xi32>
              %bitcast_convert_type3A_319 = tpu.bitcast %shift_left3A_318 : vector<16xi32> -> vector<16xf32>
              %mul3A_320 = arith.mulf %gather3A_283, %bitcast_convert_type3A_312 : vector<16xf32>
              %add3A_321 = arith.addf %scan3A_267, %mul3A_320 : vector<16xf32>
              %mul3A_322 = arith.mulf %gather3A_283, %bitcast_convert_type3A_319 : vector<16xf32>
              %add3A_323 = arith.addf %scan3A_275, %mul3A_322 : vector<16xf32>
              %get3A_324 = arith.index_cast %rem3A_97 : i32 to index
              %get3A_325 = arith.index_cast %add3A_286 : i32 to index
              %get3A_326 = arith.constant 32 : index
              %get3A_327 = tpu.vector_load %arg10[%get3A_324, %get3A_325, %get3A_326] {strides = array<i32>} : memref<3x112x128xi32, #tpu.memory_space<vmem>>, vector<1x1x16xi32>,
              %get3A_328 = vector.shape_cast %get3A_327 : vector<1x1x16xi32> to vector<16xi32>
              %shift_left3A_329 = arith.constant 16 : i32
              %shift_left3A_330 = vector.broadcast %shift_left3A_329 : i32 to vector<16xi32>
              %shift_left3A_331 = arith.shli %get3A_328, %shift_left3A_330 : vector<16xi32>
              %bitcast_convert_type3A_332 = tpu.bitcast %shift_left3A_331 : vector<16xi32> -> vector<16xf32>
              %shift_right_arithmetic3A_333 = arith.constant 16 : i32
              %shift_right_arithmetic3A_334 = vector.broadcast %shift_right_arithmetic3A_333 : i32 to vector<16xi32>
              %shift_right_arithmetic3A_335 = arith.shrsi %get3A_328, %shift_right_arithmetic3A_334 : vector<16xi32>
              %shift_left3A_336 = arith.constant 16 : i32
              %shift_left3A_337 = vector.broadcast %shift_left3A_336 : i32 to vector<16xi32>
              %shift_left3A_338 = arith.shli %shift_right_arithmetic3A_335, %shift_left3A_337 : vector<16xi32>
              %bitcast_convert_type3A_339 = tpu.bitcast %shift_left3A_338 : vector<16xi32> -> vector<16xf32>
              %mul3A_340 = arith.mulf %gather3A_283, %bitcast_convert_type3A_332 : vector<16xf32>
              %add3A_341 = arith.addf %scan3A_268, %mul3A_340 : vector<16xf32>
              %mul3A_342 = arith.mulf %gather3A_283, %bitcast_convert_type3A_339 : vector<16xf32>
              %add3A_343 = arith.addf %scan3A_276, %mul3A_342 : vector<16xf32>
              %get3A_344 = arith.index_cast %rem3A_97 : i32 to index
              %get3A_345 = arith.index_cast %add3A_286 : i32 to index
              %get3A_346 = arith.constant 48 : index
              %get3A_347 = tpu.vector_load %arg10[%get3A_344, %get3A_345, %get3A_346] {strides = array<i32>} : memref<3x112x128xi32, #tpu.memory_space<vmem>>, vector<1x1x16xi32>,
              %get3A_348 = vector.shape_cast %get3A_347 : vector<1x1x16xi32> to vector<16xi32>
              %shift_left3A_349 = arith.constant 16 : i32
              %shift_left3A_350 = vector.broadcast %shift_left3A_349 : i32 to vector<16xi32>
              %shift_left3A_351 = arith.shli %get3A_348, %shift_left3A_350 : vector<16xi32>
              %bitcast_convert_type3A_352 = tpu.bitcast %shift_left3A_351 : vector<16xi32> -> vector<16xf32>
              %shift_right_arithmetic3A_353 = arith.constant 16 : i32
              %shift_right_arithmetic3A_354 = vector.broadcast %shift_right_arithmetic3A_353 : i32 to vector<16xi32>
              %shift_right_arithmetic3A_355 = arith.shrsi %get3A_348, %shift_right_arithmetic3A_354 : vector<16xi32>
              %shift_left3A_356 = arith.constant 16 : i32
              %shift_left3A_357 = vector.broadcast %shift_left3A_356 : i32 to vector<16xi32>
              %shift_left3A_358 = arith.shli %shift_right_arithmetic3A_355, %shift_left3A_357 : vector<16xi32>
              %bitcast_convert_type3A_359 = tpu.bitcast %shift_left3A_358 : vector<16xi32> -> vector<16xf32>
              %mul3A_360 = arith.mulf %gather3A_283, %bitcast_convert_type3A_352 : vector<16xf32>
              %add3A_361 = arith.addf %scan3A_269, %mul3A_360 : vector<16xf32>
              %mul3A_362 = arith.mulf %gather3A_283, %bitcast_convert_type3A_359 : vector<16xf32>
              %add3A_363 = arith.addf %scan3A_277, %mul3A_362 : vector<16xf32>
              %get3A_364 = arith.index_cast %rem3A_97 : i32 to index
              %get3A_365 = arith.index_cast %add3A_286 : i32 to index
              %get3A_366 = arith.constant 64 : index
              %get3A_367 = tpu.vector_load %arg10[%get3A_364, %get3A_365, %get3A_366] {strides = array<i32>} : memref<3x112x128xi32, #tpu.memory_space<vmem>>, vector<1x1x16xi32>,
              %get3A_368 = vector.shape_cast %get3A_367 : vector<1x1x16xi32> to vector<16xi32>
              %shift_left3A_369 = arith.constant 16 : i32
              %shift_left3A_370 = vector.broadcast %shift_left3A_369 : i32 to vector<16xi32>
              %shift_left3A_371 = arith.shli %get3A_368, %shift_left3A_370 : vector<16xi32>
              %bitcast_convert_type3A_372 = tpu.bitcast %shift_left3A_371 : vector<16xi32> -> vector<16xf32>
              %shift_right_arithmetic3A_373 = arith.constant 16 : i32
              %shift_right_arithmetic3A_374 = vector.broadcast %shift_right_arithmetic3A_373 : i32 to vector<16xi32>
              %shift_right_arithmetic3A_375 = arith.shrsi %get3A_368, %shift_right_arithmetic3A_374 : vector<16xi32>
              %shift_left3A_376 = arith.constant 16 : i32
              %shift_left3A_377 = vector.broadcast %shift_left3A_376 : i32 to vector<16xi32>
              %shift_left3A_378 = arith.shli %shift_right_arithmetic3A_375, %shift_left3A_377 : vector<16xi32>
              %bitcast_convert_type3A_379 = tpu.bitcast %shift_left3A_378 : vector<16xi32> -> vector<16xf32>
              %mul3A_380 = arith.mulf %gather3A_283, %bitcast_convert_type3A_372 : vector<16xf32>
              %add3A_381 = arith.addf %scan3A_270, %mul3A_380 : vector<16xf32>
              %mul3A_382 = arith.mulf %gather3A_283, %bitcast_convert_type3A_379 : vector<16xf32>
              %add3A_383 = arith.addf %scan3A_278, %mul3A_382 : vector<16xf32>
              %get3A_384 = arith.index_cast %rem3A_97 : i32 to index
              %get3A_385 = arith.index_cast %add3A_286 : i32 to index
              %get3A_386 = arith.constant 80 : index
              %get3A_387 = tpu.vector_load %arg10[%get3A_384, %get3A_385, %get3A_386] {strides = array<i32>} : memref<3x112x128xi32, #tpu.memory_space<vmem>>, vector<1x1x16xi32>,
              %get3A_388 = vector.shape_cast %get3A_387 : vector<1x1x16xi32> to vector<16xi32>
              %shift_left3A_389 = arith.constant 16 : i32
              %shift_left3A_390 = vector.broadcast %shift_left3A_389 : i32 to vector<16xi32>
              %shift_left3A_391 = arith.shli %get3A_388, %shift_left3A_390 : vector<16xi32>
              %bitcast_convert_type3A_392 = tpu.bitcast %shift_left3A_391 : vector<16xi32> -> vector<16xf32>
              %shift_right_arithmetic3A_393 = arith.constant 16 : i32
              %shift_right_arithmetic3A_394 = vector.broadcast %shift_right_arithmetic3A_393 : i32 to vector<16xi32>
              %shift_right_arithmetic3A_395 = arith.shrsi %get3A_388, %shift_right_arithmetic3A_394 : vector<16xi32>
              %shift_left3A_396 = arith.constant 16 : i32
              %shift_left3A_397 = vector.broadcast %shift_left3A_396 : i32 to vector<16xi32>
              %shift_left3A_398 = arith.shli %shift_right_arithmetic3A_395, %shift_left3A_397 : vector<16xi32>
              %bitcast_convert_type3A_399 = tpu.bitcast %shift_left3A_398 : vector<16xi32> -> vector<16xf32>
              %mul3A_400 = arith.mulf %gather3A_283, %bitcast_convert_type3A_392 : vector<16xf32>
              %add3A_401 = arith.addf %scan3A_271, %mul3A_400 : vector<16xf32>
              %mul3A_402 = arith.mulf %gather3A_283, %bitcast_convert_type3A_399 : vector<16xf32>
              %add3A_403 = arith.addf %scan3A_279, %mul3A_402 : vector<16xf32>
              %get3A_404 = arith.index_cast %rem3A_97 : i32 to index
              %get3A_405 = arith.index_cast %add3A_286 : i32 to index
              %get3A_406 = arith.constant 96 : index
              %get3A_407 = tpu.vector_load %arg10[%get3A_404, %get3A_405, %get3A_406] {strides = array<i32>} : memref<3x112x128xi32, #tpu.memory_space<vmem>>, vector<1x1x16xi32>,
              %get3A_408 = vector.shape_cast %get3A_407 : vector<1x1x16xi32> to vector<16xi32>
              %shift_left3A_409 = arith.constant 16 : i32
              %shift_left3A_410 = vector.broadcast %shift_left3A_409 : i32 to vector<16xi32>
              %shift_left3A_411 = arith.shli %get3A_408, %shift_left3A_410 : vector<16xi32>
              %bitcast_convert_type3A_412 = tpu.bitcast %shift_left3A_411 : vector<16xi32> -> vector<16xf32>
              %shift_right_arithmetic3A_413 = arith.constant 16 : i32
              %shift_right_arithmetic3A_414 = vector.broadcast %shift_right_arithmetic3A_413 : i32 to vector<16xi32>
              %shift_right_arithmetic3A_415 = arith.shrsi %get3A_408, %shift_right_arithmetic3A_414 : vector<16xi32>
              %shift_left3A_416 = arith.constant 16 : i32
              %shift_left3A_417 = vector.broadcast %shift_left3A_416 : i32 to vector<16xi32>
              %shift_left3A_418 = arith.shli %shift_right_arithmetic3A_415, %shift_left3A_417 : vector<16xi32>
              %bitcast_convert_type3A_419 = tpu.bitcast %shift_left3A_418 : vector<16xi32> -> vector<16xf32>
              %mul3A_420 = arith.mulf %gather3A_283, %bitcast_convert_type3A_412 : vector<16xf32>
              %add3A_421 = arith.addf %scan3A_272, %mul3A_420 : vector<16xf32>
              %mul3A_422 = arith.mulf %gather3A_283, %bitcast_convert_type3A_419 : vector<16xf32>
              %add3A_423 = arith.addf %scan3A_280, %mul3A_422 : vector<16xf32>
              %get3A_424 = arith.index_cast %rem3A_97 : i32 to index
              %get3A_425 = arith.index_cast %add3A_286 : i32 to index
              %get3A_426 = arith.constant 112 : index
              %get3A_427 = tpu.vector_load %arg10[%get3A_424, %get3A_425, %get3A_426] {strides = array<i32>} : memref<3x112x128xi32, #tpu.memory_space<vmem>>, vector<1x1x16xi32>,
              %get3A_428 = vector.shape_cast %get3A_427 : vector<1x1x16xi32> to vector<16xi32>
              %shift_left3A_429 = arith.constant 16 : i32
              %shift_left3A_430 = vector.broadcast %shift_left3A_429 : i32 to vector<16xi32>
              %shift_left3A_431 = arith.shli %get3A_428, %shift_left3A_430 : vector<16xi32>
              %bitcast_convert_type3A_432 = tpu.bitcast %shift_left3A_431 : vector<16xi32> -> vector<16xf32>
              %shift_right_arithmetic3A_433 = arith.constant 16 : i32
              %shift_right_arithmetic3A_434 = vector.broadcast %shift_right_arithmetic3A_433 : i32 to vector<16xi32>
              %shift_right_arithmetic3A_435 = arith.shrsi %get3A_428, %shift_right_arithmetic3A_434 : vector<16xi32>
              %shift_left3A_436 = arith.constant 16 : i32
              %shift_left3A_437 = vector.broadcast %shift_left3A_436 : i32 to vector<16xi32>
              %shift_left3A_438 = arith.shli %shift_right_arithmetic3A_435, %shift_left3A_437 : vector<16xi32>
              %bitcast_convert_type3A_439 = tpu.bitcast %shift_left3A_438 : vector<16xi32> -> vector<16xf32>
              %mul3A_440 = arith.mulf %gather3A_283, %bitcast_convert_type3A_432 : vector<16xf32>
              %add3A_441 = arith.addf %scan3A_273, %mul3A_440 : vector<16xf32>
              %mul3A_442 = arith.mulf %gather3A_283, %bitcast_convert_type3A_439 : vector<16xf32>
              %add3A_443 = arith.addf %scan3A_281, %mul3A_442 : vector<16xf32>
              scf.yield %add3A_301, %add3A_321, %add3A_341, %add3A_361, %add3A_381, %add3A_401, %add3A_421, %add3A_441, %add3A_303, %add3A_323, %add3A_343, %add3A_363, %add3A_383, %add3A_403, %add3A_423, %add3A_443 : vector<16xf32>, vector<16xf32>, vector<16xf32>, vector<16xf32>, vector<16xf32>, vector<16xf32>, vector<16xf32>, vector<16xf32>, vector<16xf32>, vector<16xf32>, vector<16xf32>, vector<16xf32>, vector<16xf32>, vector<16xf32>, vector<16xf32>, vector<16xf32>
            }
            %scan3A_136 = arith.constant 16 : i32
            %mul3A_137 = arith.constant 256 : i32
            %mul3A_138 = arith.muli %add3A_125, %mul3A_137 : i32
            %add3A_139 = arith.constant 0 : i32
            %add3A_140 = arith.addi %mul3A_138, %add3A_139 : i32
            %swap3A = arith.index_cast %add3A_140 : i32 to index
            %swap3A_141 = tpu.vector_load %arg11[%swap3A] {strides = array<i32>} : memref<12544xf32, #tpu.memory_space<vmem>>, vector<16xf32>,
            %swap3A_142 = vector.shape_cast %swap3A_141 : vector<16xf32> to vector<16xf32>
            %swap3A_143 = vector.shape_cast %scan3A_135#0 : vector<16xf32> to vector<16xf32>
            tpu.vector_store %arg11[%swap3A], %swap3A_143 {strides = array<i32>} : memref<12544xf32, #tpu.memory_space<vmem>>, vector<16xf32>,
            %mul3A_144 = arith.constant 256 : i32
            %mul3A_145 = arith.muli %add3A_125, %mul3A_144 : i32
            %add3A_146 = arith.constant 16 : i32
            %add3A_147 = arith.addi %mul3A_145, %add3A_146 : i32
            %swap3A_148 = arith.index_cast %add3A_147 : i32 to index
            %swap3A_149 = tpu.vector_load %arg11[%swap3A_148] {strides = array<i32>} : memref<12544xf32, #tpu.memory_space<vmem>>, vector<16xf32>,
            %swap3A_150 = vector.shape_cast %swap3A_149 : vector<16xf32> to vector<16xf32>
            %swap3A_151 = vector.shape_cast %scan3A_135#1 : vector<16xf32> to vector<16xf32>
            tpu.vector_store %arg11[%swap3A_148], %swap3A_151 {strides = array<i32>} : memref<12544xf32, #tpu.memory_space<vmem>>, vector<16xf32>,
            %mul3A_152 = arith.constant 256 : i32
            %mul3A_153 = arith.muli %add3A_125, %mul3A_152 : i32
            %add3A_154 = arith.constant 32 : i32
            %add3A_155 = arith.addi %mul3A_153, %add3A_154 : i32
            %swap3A_156 = arith.index_cast %add3A_155 : i32 to index
            %swap3A_157 = tpu.vector_load %arg11[%swap3A_156] {strides = array<i32>} : memref<12544xf32, #tpu.memory_space<vmem>>, vector<16xf32>,
            %swap3A_158 = vector.shape_cast %swap3A_157 : vector<16xf32> to vector<16xf32>
            %swap3A_159 = vector.shape_cast %scan3A_135#2 : vector<16xf32> to vector<16xf32>
            tpu.vector_store %arg11[%swap3A_156], %swap3A_159 {strides = array<i32>} : memref<12544xf32, #tpu.memory_space<vmem>>, vector<16xf32>,
            %mul3A_160 = arith.constant 256 : i32
            %mul3A_161 = arith.muli %add3A_125, %mul3A_160 : i32
            %add3A_162 = arith.constant 48 : i32
            %add3A_163 = arith.addi %mul3A_161, %add3A_162 : i32
            %swap3A_164 = arith.index_cast %add3A_163 : i32 to index
            %swap3A_165 = tpu.vector_load %arg11[%swap3A_164] {strides = array<i32>} : memref<12544xf32, #tpu.memory_space<vmem>>, vector<16xf32>,
            %swap3A_166 = vector.shape_cast %swap3A_165 : vector<16xf32> to vector<16xf32>
            %swap3A_167 = vector.shape_cast %scan3A_135#3 : vector<16xf32> to vector<16xf32>
            tpu.vector_store %arg11[%swap3A_164], %swap3A_167 {strides = array<i32>} : memref<12544xf32, #tpu.memory_space<vmem>>, vector<16xf32>,
            %mul3A_168 = arith.constant 256 : i32
            %mul3A_169 = arith.muli %add3A_125, %mul3A_168 : i32
            %add3A_170 = arith.constant 64 : i32
            %add3A_171 = arith.addi %mul3A_169, %add3A_170 : i32
            %swap3A_172 = arith.index_cast %add3A_171 : i32 to index
            %swap3A_173 = tpu.vector_load %arg11[%swap3A_172] {strides = array<i32>} : memref<12544xf32, #tpu.memory_space<vmem>>, vector<16xf32>,
            %swap3A_174 = vector.shape_cast %swap3A_173 : vector<16xf32> to vector<16xf32>
            %swap3A_175 = vector.shape_cast %scan3A_135#4 : vector<16xf32> to vector<16xf32>
            tpu.vector_store %arg11[%swap3A_172], %swap3A_175 {strides = array<i32>} : memref<12544xf32, #tpu.memory_space<vmem>>, vector<16xf32>,
            %mul3A_176 = arith.constant 256 : i32
            %mul3A_177 = arith.muli %add3A_125, %mul3A_176 : i32
            %add3A_178 = arith.constant 80 : i32
            %add3A_179 = arith.addi %mul3A_177, %add3A_178 : i32
            %swap3A_180 = arith.index_cast %add3A_179 : i32 to index
            %swap3A_181 = tpu.vector_load %arg11[%swap3A_180] {strides = array<i32>} : memref<12544xf32, #tpu.memory_space<vmem>>, vector<16xf32>,
            %swap3A_182 = vector.shape_cast %swap3A_181 : vector<16xf32> to vector<16xf32>
            %swap3A_183 = vector.shape_cast %scan3A_135#5 : vector<16xf32> to vector<16xf32>
            tpu.vector_store %arg11[%swap3A_180], %swap3A_183 {strides = array<i32>} : memref<12544xf32, #tpu.memory_space<vmem>>, vector<16xf32>,
            %mul3A_184 = arith.constant 256 : i32
            %mul3A_185 = arith.muli %add3A_125, %mul3A_184 : i32
            %add3A_186 = arith.constant 96 : i32
            %add3A_187 = arith.addi %mul3A_185, %add3A_186 : i32
            %swap3A_188 = arith.index_cast %add3A_187 : i32 to index
            %swap3A_189 = tpu.vector_load %arg11[%swap3A_188] {strides = array<i32>} : memref<12544xf32, #tpu.memory_space<vmem>>, vector<16xf32>,
            %swap3A_190 = vector.shape_cast %swap3A_189 : vector<16xf32> to vector<16xf32>
            %swap3A_191 = vector.shape_cast %scan3A_135#6 : vector<16xf32> to vector<16xf32>
            tpu.vector_store %arg11[%swap3A_188], %swap3A_191 {strides = array<i32>} : memref<12544xf32, #tpu.memory_space<vmem>>, vector<16xf32>,
            %mul3A_192 = arith.constant 256 : i32
            %mul3A_193 = arith.muli %add3A_125, %mul3A_192 : i32
            %add3A_194 = arith.constant 112 : i32
            %add3A_195 = arith.addi %mul3A_193, %add3A_194 : i32
            %swap3A_196 = arith.index_cast %add3A_195 : i32 to index
            %swap3A_197 = tpu.vector_load %arg11[%swap3A_196] {strides = array<i32>} : memref<12544xf32, #tpu.memory_space<vmem>>, vector<16xf32>,
            %swap3A_198 = vector.shape_cast %swap3A_197 : vector<16xf32> to vector<16xf32>
            %swap3A_199 = vector.shape_cast %scan3A_135#7 : vector<16xf32> to vector<16xf32>
            tpu.vector_store %arg11[%swap3A_196], %swap3A_199 {strides = array<i32>} : memref<12544xf32, #tpu.memory_space<vmem>>, vector<16xf32>,
            %mul3A_200 = arith.constant 256 : i32
            %mul3A_201 = arith.muli %add3A_125, %mul3A_200 : i32
            %add3A_202 = arith.constant 128 : i32
            %add3A_203 = arith.addi %mul3A_201, %add3A_202 : i32
            %swap3A_204 = arith.index_cast %add3A_203 : i32 to index
            %swap3A_205 = tpu.vector_load %arg11[%swap3A_204] {strides = array<i32>} : memref<12544xf32, #tpu.memory_space<vmem>>, vector<16xf32>,
            %swap3A_206 = vector.shape_cast %swap3A_205 : vector<16xf32> to vector<16xf32>
            %swap3A_207 = vector.shape_cast %scan3A_135#8 : vector<16xf32> to vector<16xf32>
            tpu.vector_store %arg11[%swap3A_204], %swap3A_207 {strides = array<i32>} : memref<12544xf32, #tpu.memory_space<vmem>>, vector<16xf32>,
            %mul3A_208 = arith.constant 256 : i32
            %mul3A_209 = arith.muli %add3A_125, %mul3A_208 : i32
            %add3A_210 = arith.constant 144 : i32
            %add3A_211 = arith.addi %mul3A_209, %add3A_210 : i32
            %swap3A_212 = arith.index_cast %add3A_211 : i32 to index
            %swap3A_213 = tpu.vector_load %arg11[%swap3A_212] {strides = array<i32>} : memref<12544xf32, #tpu.memory_space<vmem>>, vector<16xf32>,
            %swap3A_214 = vector.shape_cast %swap3A_213 : vector<16xf32> to vector<16xf32>
            %swap3A_215 = vector.shape_cast %scan3A_135#9 : vector<16xf32> to vector<16xf32>
            tpu.vector_store %arg11[%swap3A_212], %swap3A_215 {strides = array<i32>} : memref<12544xf32, #tpu.memory_space<vmem>>, vector<16xf32>,
            %mul3A_216 = arith.constant 256 : i32
            %mul3A_217 = arith.muli %add3A_125, %mul3A_216 : i32
            %add3A_218 = arith.constant 160 : i32
            %add3A_219 = arith.addi %mul3A_217, %add3A_218 : i32
            %swap3A_220 = arith.index_cast %add3A_219 : i32 to index
            %swap3A_221 = tpu.vector_load %arg11[%swap3A_220] {strides = array<i32>} : memref<12544xf32, #tpu.memory_space<vmem>>, vector<16xf32>,
            %swap3A_222 = vector.shape_cast %swap3A_221 : vector<16xf32> to vector<16xf32>
            %swap3A_223 = vector.shape_cast %scan3A_135#10 : vector<16xf32> to vector<16xf32>
            tpu.vector_store %arg11[%swap3A_220], %swap3A_223 {strides = array<i32>} : memref<12544xf32, #tpu.memory_space<vmem>>, vector<16xf32>,
            %mul3A_224 = arith.constant 256 : i32
            %mul3A_225 = arith.muli %add3A_125, %mul3A_224 : i32
            %add3A_226 = arith.constant 176 : i32
            %add3A_227 = arith.addi %mul3A_225, %add3A_226 : i32
            %swap3A_228 = arith.index_cast %add3A_227 : i32 to index
            %swap3A_229 = tpu.vector_load %arg11[%swap3A_228] {strides = array<i32>} : memref<12544xf32, #tpu.memory_space<vmem>>, vector<16xf32>,
            %swap3A_230 = vector.shape_cast %swap3A_229 : vector<16xf32> to vector<16xf32>
            %swap3A_231 = vector.shape_cast %scan3A_135#11 : vector<16xf32> to vector<16xf32>
            tpu.vector_store %arg11[%swap3A_228], %swap3A_231 {strides = array<i32>} : memref<12544xf32, #tpu.memory_space<vmem>>, vector<16xf32>,
            %mul3A_232 = arith.constant 256 : i32
            %mul3A_233 = arith.muli %add3A_125, %mul3A_232 : i32
            %add3A_234 = arith.constant 192 : i32
            %add3A_235 = arith.addi %mul3A_233, %add3A_234 : i32
            %swap3A_236 = arith.index_cast %add3A_235 : i32 to index
            %swap3A_237 = tpu.vector_load %arg11[%swap3A_236] {strides = array<i32>} : memref<12544xf32, #tpu.memory_space<vmem>>, vector<16xf32>,
            %swap3A_238 = vector.shape_cast %swap3A_237 : vector<16xf32> to vector<16xf32>
            %swap3A_239 = vector.shape_cast %scan3A_135#12 : vector<16xf32> to vector<16xf32>
            tpu.vector_store %arg11[%swap3A_236], %swap3A_239 {strides = array<i32>} : memref<12544xf32, #tpu.memory_space<vmem>>, vector<16xf32>,
            %mul3A_240 = arith.constant 256 : i32
            %mul3A_241 = arith.muli %add3A_125, %mul3A_240 : i32
            %add3A_242 = arith.constant 208 : i32
            %add3A_243 = arith.addi %mul3A_241, %add3A_242 : i32
            %swap3A_244 = arith.index_cast %add3A_243 : i32 to index
            %swap3A_245 = tpu.vector_load %arg11[%swap3A_244] {strides = array<i32>} : memref<12544xf32, #tpu.memory_space<vmem>>, vector<16xf32>,
            %swap3A_246 = vector.shape_cast %swap3A_245 : vector<16xf32> to vector<16xf32>
            %swap3A_247 = vector.shape_cast %scan3A_135#13 : vector<16xf32> to vector<16xf32>
            tpu.vector_store %arg11[%swap3A_244], %swap3A_247 {strides = array<i32>} : memref<12544xf32, #tpu.memory_space<vmem>>, vector<16xf32>,
            %mul3A_248 = arith.constant 256 : i32
            %mul3A_249 = arith.muli %add3A_125, %mul3A_248 : i32
            %add3A_250 = arith.constant 224 : i32
            %add3A_251 = arith.addi %mul3A_249, %add3A_250 : i32
            %swap3A_252 = arith.index_cast %add3A_251 : i32 to index
            %swap3A_253 = tpu.vector_load %arg11[%swap3A_252] {strides = array<i32>} : memref<12544xf32, #tpu.memory_space<vmem>>, vector<16xf32>,
            %swap3A_254 = vector.shape_cast %swap3A_253 : vector<16xf32> to vector<16xf32>
            %swap3A_255 = vector.shape_cast %scan3A_135#14 : vector<16xf32> to vector<16xf32>
            tpu.vector_store %arg11[%swap3A_252], %swap3A_255 {strides = array<i32>} : memref<12544xf32, #tpu.memory_space<vmem>>, vector<16xf32>,
            %mul3A_256 = arith.constant 256 : i32
            %mul3A_257 = arith.muli %add3A_125, %mul3A_256 : i32
            %add3A_258 = arith.constant 240 : i32
            %add3A_259 = arith.addi %mul3A_257, %add3A_258 : i32
            %swap3A_260 = arith.index_cast %add3A_259 : i32 to index
            %swap3A_261 = tpu.vector_load %arg11[%swap3A_260] {strides = array<i32>} : memref<12544xf32, #tpu.memory_space<vmem>>, vector<16xf32>,
            %swap3A_262 = vector.shape_cast %swap3A_261 : vector<16xf32> to vector<16xf32>
            %swap3A_263 = vector.shape_cast %scan3A_135#15 : vector<16xf32> to vector<16xf32>
            tpu.vector_store %arg11[%swap3A_260], %swap3A_263 {strides = array<i32>} : memref<12544xf32, #tpu.memory_space<vmem>>, vector<16xf32>,
            %scan3A_264 = arith.constant 0 : i32
            scf.yield %scan3A_264 : i32
          }
          %scan3A_119 = arith.constant 7 : i32
          %scan3A_120 = arith.constant 0 : i32
          scf.yield %scan3A_120 : i32
        }
        %scan3A_87 = arith.constant 7 : i32
        %add3A_88 = arith.constant 2 : i32
        %add3A_89 = arith.addi %scan3A_65, %add3A_88 : i32
        %lt3A = arith.constant 32 : i32
        %lt3A_90 = arith.cmpi slt, %add3A_89, %lt3A : i32
        %convert_element_type3A_91 = arith.extui %lt3A_90 : i1 to i32
        %cond3A_92 = arith.constant 0 : i32
        %cond3A_93 = arith.cmpi ne, %convert_element_type3A_91, %cond3A_92 : i32
        scf.if %cond3A_93 {
          %add3A_94 = arith.constant 2 : i32
          %add3A_95 = arith.addi %add3A_69, %add3A_94 : i32
          %dma_start3A_96 = arith.constant 0 : i32
          %dma_start3A_97 = tpu.memref_slice %arg3[%add3A_95, %dma_start3A_96] : memref<1024x784xi32, #tpu.memory_space<hbm>> -> memref<1x784xi32, #tpu.memory_space<hbm>>
          %dma_start3A_98 = tpu.memref_squeeze %dma_start3A_97 : memref<1x784xi32, #tpu.memory_space<hbm>> -> memref<784xi32, #tpu.memory_space<hbm>>
          %dma_start3A_99 = arith.constant 0 : i32
          %dma_start3A_100 = tpu.memref_slice %arg3[%add3A_95, %dma_start3A_99] : memref<1024x784xi32, #tpu.memory_space<hbm>> -> memref<1x784xi32, #tpu.memory_space<hbm>>
          %dma_start3A_101 = tpu.memref_squeeze %dma_start3A_100 : memref<1x784xi32, #tpu.memory_space<hbm>> -> memref<784xi32, #tpu.memory_space<hbm>>
          tpu.enqueue_dma source(%dma_start3A_101 : memref<784xi32, #tpu.memory_space<hbm>>) target(%arg7 : memref<784xi32, #tpu.memory_space<vmem>>) target_semaphore(%arg16 : memref<!tpu.dma_semaphore, #tpu.memory_space<semaphore_mem>>)
          %dma_start3A_102 = arith.constant 0 : i32
          %dma_start3A_103 = tpu.memref_slice %arg4[%add3A_95, %dma_start3A_102] : memref<1024x784xf32, #tpu.memory_space<hbm>> -> memref<1x784xf32, #tpu.memory_space<hbm>>
          %dma_start3A_104 = tpu.memref_squeeze %dma_start3A_103 : memref<1x784xf32, #tpu.memory_space<hbm>> -> memref<784xf32, #tpu.memory_space<hbm>>
          %dma_start3A_105 = arith.constant 0 : i32
          %dma_start3A_106 = tpu.memref_slice %arg4[%add3A_95, %dma_start3A_105] : memref<1024x784xf32, #tpu.memory_space<hbm>> -> memref<1x784xf32, #tpu.memory_space<hbm>>
          %dma_start3A_107 = tpu.memref_squeeze %dma_start3A_106 : memref<1x784xf32, #tpu.memory_space<hbm>> -> memref<784xf32, #tpu.memory_space<hbm>>
          tpu.enqueue_dma source(%dma_start3A_107 : memref<784xf32, #tpu.memory_space<hbm>>) target(%arg9 : memref<784xf32, #tpu.memory_space<vmem>>) target_semaphore(%arg16 : memref<!tpu.dma_semaphore, #tpu.memory_space<semaphore_mem>>)
        } else {
        }
      } else {
      }
      "tpu.region"() ({
        %run_scoped3A = tpu.sem_alloc : memref<!tpu.dma_semaphore, #tpu.memory_space<semaphore_mem>>
        %dma_start3A_81 = arith.constant 0 : i32
        %dma_start3A_82 = tpu.memref_slice %arg5[%add3A_69, %dma_start3A_81] : memref<1024x12544xf32, #tpu.memory_space<hbm>> -> memref<1x12544xf32, #tpu.memory_space<hbm>>
        %dma_start3A_83 = tpu.memref_squeeze %dma_start3A_82 : memref<1x12544xf32, #tpu.memory_space<hbm>> -> memref<12544xf32, #tpu.memory_space<hbm>>
        %dma_start3A_84 = arith.constant 0 : i32
        %dma_start3A_85 = tpu.memref_slice %arg5[%add3A_69, %dma_start3A_84] : memref<1024x12544xf32, #tpu.memory_space<hbm>> -> memref<1x12544xf32, #tpu.memory_space<hbm>>
        %dma_start3A_86 = tpu.memref_squeeze %dma_start3A_85 : memref<1x12544xf32, #tpu.memory_space<hbm>> -> memref<12544xf32, #tpu.memory_space<hbm>>
        tpu.enqueue_dma source(%arg11 : memref<12544xf32, #tpu.memory_space<vmem>>) target(%dma_start3A_86 : memref<12544xf32, #tpu.memory_space<hbm>>) target_semaphore(%run_scoped3A : memref<!tpu.dma_semaphore, #tpu.memory_space<semaphore_mem>>)
        %dma_wait3A_87 = arith.constant 0 : i32
        %dma_wait3A_88 = tpu.memref_slice %arg5[%add3A_69, %dma_wait3A_87] : memref<1024x12544xf32, #tpu.memory_space<hbm>> -> memref<1x12544xf32, #tpu.memory_space<hbm>>
        %dma_wait3A_89 = tpu.memref_squeeze %dma_wait3A_88 : memref<1x12544xf32, #tpu.memory_space<hbm>> -> memref<12544xf32, #tpu.memory_space<hbm>>
        %dma_wait3A_90 = arith.constant 0 : i32
        %dma_wait3A_91 = tpu.memref_slice %arg5[%add3A_69, %dma_wait3A_90] : memref<1024x12544xf32, #tpu.memory_space<hbm>> -> memref<1x12544xf32, #tpu.memory_space<hbm>>
        %dma_wait3A_92 = tpu.memref_squeeze %dma_wait3A_91 : memref<1x12544xf32, #tpu.memory_space<hbm>> -> memref<12544xf32, #tpu.memory_space<hbm>>
        tpu.wait_dma2 semaphore(%run_scoped3A : memref<!tpu.dma_semaphore, #tpu.memory_space<semaphore_mem>>) src(%arg11 : memref<12544xf32, #tpu.memory_space<vmem>>) dst(%dma_wait3A_92 : memref<12544xf32, #tpu.memory_space<hbm>>)
        tpu.yield
      }) : () -> ()
      %scan3A_80 = arith.constant 0 : i32
      scf.yield %scan3A_80 : i32
    }
    %scan3A_64 = arith.constant 32 : i32
    return
  }
}

module attributes {stable_mosaic.version = 14 : i64} {
  func.func @_prep_body(%arg0: i32, %arg1: memref<128x1xf32, #tpu.memory_space<vmem>>, %arg2: memref<128x1xf32, #tpu.memory_space<vmem>>, %arg3: memref<128x1xf32, #tpu.memory_space<vmem>>, %arg4: memref<128x1xf32, #tpu.memory_space<vmem>>, %arg5: memref<128x784xi32, #tpu.memory_space<vmem>>, %arg6: memref<128x784xf32, #tpu.memory_space<vmem>>) attributes {dimension_semantics = [#tpu.dimension_semantics<arbitrary>], iteration_bounds = array<i64: 8>, scalar_prefetch = 0 : i64, scratch_operands = 0 : i64, tpu.core_type = #tpu.core_type<tc>, window_params = [{transform_indices = @transform_0, window_bounds = array<i64: 128, 1>}, {transform_indices = @transform_1, window_bounds = array<i64: 128, 1>}, {transform_indices = @transform_2, window_bounds = array<i64: 128, 1>}, {transform_indices = @transform_3, window_bounds = array<i64: 128, 1>}, {transform_indices = @transform_4, window_bounds = array<i64: 128, 784>}, {transform_indices = @transform_5, window_bounds = array<i64: 128, 784>}]} {
    %get3A = arith.constant 0 : index
    %get3A_0 = arith.constant 0 : index
    %get3A_1 = vector.load %arg1[%get3A, %get3A_0] : memref<128x1xf32, #tpu.memory_space<vmem>>, vector<128x1xf32>
    %get3A_2 = arith.constant 0 : index
    %get3A_3 = arith.constant 0 : index
    %get3A_4 = vector.load %arg2[%get3A_2, %get3A_3] : memref<128x1xf32, #tpu.memory_space<vmem>>, vector<128x1xf32>
    %get3A_5 = arith.constant 0 : index
    %get3A_6 = arith.constant 0 : index
    %get3A_7 = vector.load %arg3[%get3A_5, %get3A_6] : memref<128x1xf32, #tpu.memory_space<vmem>>, vector<128x1xf32>
    %get3A_8 = arith.constant 0 : index
    %get3A_9 = arith.constant 0 : index
    %get3A_10 = vector.load %arg4[%get3A_8, %get3A_9] : memref<128x1xf32, #tpu.memory_space<vmem>>, vector<128x1xf32>
    %sub3A = arith.subf %get3A_7, %get3A_1 : vector<128x1xf32>
    %add3A = arith.constant 1.000000e+00 : f32
    %add3A_11 = vector.broadcast %add3A : f32 to vector<128x1xf32>
    %add3A_12 = arith.addf %sub3A, %add3A_11 : vector<128x1xf32>
    %sub3A_13 = arith.subf %get3A_10, %get3A_4 : vector<128x1xf32>
    %add3A_14 = arith.constant 1.000000e+00 : f32
    %add3A_15 = vector.broadcast %add3A_14 : f32 to vector<128x1xf32>
    %add3A_16 = arith.addf %sub3A_13, %add3A_15 : vector<128x1xf32>
    %mul3A = arith.mulf %add3A_12, %add3A_16 : vector<128x1xf32>
    %sqrt3A = math.sqrt %mul3A : vector<128x1xf32>
    %div3A = arith.constant 2.240000e+02 : f32
    %div3A_17 = vector.broadcast %div3A : f32 to vector<128x1xf32>
    %div3A_18 = arith.divf %sqrt3A, %div3A_17 : vector<128x1xf32>
    %add3A_19 = arith.constant 9.99999997E-7 : f32
    %add3A_20 = vector.broadcast %add3A_19 : f32 to vector<128x1xf32>
    %add3A_21 = arith.addf %div3A_18, %add3A_20 : vector<128x1xf32>
    %log3A = math.log %add3A_21 : vector<128x1xf32>
    %log3A_22 = arith.constant 2.000000e+00 : f32
    %log3A_23 = math.log %log3A_22 : f32
    %div3A_24 = vector.broadcast %log3A_23 : f32 to vector<128x1xf32>
    %div3A_25 = arith.divf %log3A, %div3A_24 : vector<128x1xf32>
    %add3A_26 = arith.constant 4.000000e+00 : f32
    %add3A_27 = vector.broadcast %add3A_26 : f32 to vector<128x1xf32>
    %add3A_28 = arith.addf %add3A_27, %div3A_25 : vector<128x1xf32>
    %floor3A = math.floor %add3A_28 : vector<128x1xf32>
    %jit3A = arith.constant 2.000000e+00 : f32
    %jit3A_29 = arith.constant 5.000000e+00 : f32
    %max3A = vector.broadcast %jit3A : f32 to vector<128x1xf32>
    %max3A_30 = arith.maximumf %max3A, %floor3A : vector<128x1xf32>
    %min3A = vector.broadcast %jit3A_29 : f32 to vector<128x1xf32>
    %min3A_31 = arith.minimumf %min3A, %max3A_30 : vector<128x1xf32>
    %convert_element_type3A = arith.fptosi %min3A_31 : vector<128x1xf32> to vector<128x1xi32>
    %sub3A_32 = arith.constant 2 : i32
    %sub3A_33 = vector.broadcast %sub3A_32 : i32 to vector<128x1xi32>
    %sub3A_34 = arith.subi %convert_element_type3A, %sub3A_33 : vector<128x1xi32>
    %eq3A = arith.constant 0 : i32
    %eq3A_35 = vector.broadcast %eq3A : i32 to vector<128x1xi32>
    %eq3A_36 = arith.cmpi eq, %sub3A_34, %eq3A_35 : vector<128x1xi32>
    %eq3A_37 = arith.constant 1 : i32
    %eq3A_38 = vector.broadcast %eq3A_37 : i32 to vector<128x1xi32>
    %eq3A_39 = arith.cmpi eq, %sub3A_34, %eq3A_38 : vector<128x1xi32>
    %eq3A_40 = arith.constant 2 : i32
    %eq3A_41 = vector.broadcast %eq3A_40 : i32 to vector<128x1xi32>
    %eq3A_42 = arith.cmpi eq, %sub3A_34, %eq3A_41 : vector<128x1xi32>
    %jit3A_43 = arith.constant 6.250000e-02 : f32
    %jit3A_44 = arith.constant 3.125000e-02 : f32
    %broadcast_in_dim3A = vector.broadcast %jit3A_43 : f32 to vector<128x1xf32>
    %broadcast_in_dim3A_45 = vector.broadcast %jit3A_44 : f32 to vector<128x1xf32>
    %select_n3A = arith.select %eq3A_42, %broadcast_in_dim3A, %broadcast_in_dim3A_45 : vector<128x1xi1>, vector<128x1xf32>
    %jit3A_46 = arith.constant 1.250000e-01 : f32
    %broadcast_in_dim3A_47 = vector.broadcast %jit3A_46 : f32 to vector<128x1xf32>
    %select_n3A_48 = arith.select %eq3A_39, %broadcast_in_dim3A_47, %select_n3A : vector<128x1xi1>, vector<128x1xf32>
    %jit3A_49 = arith.constant 2.500000e-01 : f32
    %broadcast_in_dim3A_50 = vector.broadcast %jit3A_49 : f32 to vector<128x1xf32>
    %select_n3A_51 = arith.select %eq3A_36, %broadcast_in_dim3A_50, %select_n3A_48 : vector<128x1xi1>, vector<128x1xf32>
    %eq3A_52 = arith.constant 0 : i32
    %eq3A_53 = vector.broadcast %eq3A_52 : i32 to vector<128x1xi32>
    %eq3A_54 = arith.cmpi eq, %sub3A_34, %eq3A_53 : vector<128x1xi32>
    %eq3A_55 = arith.constant 1 : i32
    %eq3A_56 = vector.broadcast %eq3A_55 : i32 to vector<128x1xi32>
    %eq3A_57 = arith.cmpi eq, %sub3A_34, %eq3A_56 : vector<128x1xi32>
    %eq3A_58 = arith.constant 2 : i32
    %eq3A_59 = vector.broadcast %eq3A_58 : i32 to vector<128x1xi32>
    %eq3A_60 = arith.cmpi eq, %sub3A_34, %eq3A_59 : vector<128x1xi32>
    %jit3A_61 = arith.constant 64 : i32
    %jit3A_62 = arith.constant 32 : i32
    %broadcast_in_dim3A_63 = vector.broadcast %jit3A_61 : i32 to vector<128x1xi32>
    %broadcast_in_dim3A_64 = vector.broadcast %jit3A_62 : i32 to vector<128x1xi32>
    %select_n3A_65 = arith.select %eq3A_60, %broadcast_in_dim3A_63, %broadcast_in_dim3A_64 : vector<128x1xi1>, vector<128x1xi32>
    %jit3A_66 = arith.constant 128 : i32
    %broadcast_in_dim3A_67 = vector.broadcast %jit3A_66 : i32 to vector<128x1xi32>
    %select_n3A_68 = arith.select %eq3A_57, %broadcast_in_dim3A_67, %select_n3A_65 : vector<128x1xi1>, vector<128x1xi32>
    %jit3A_69 = arith.constant 256 : i32
    %broadcast_in_dim3A_70 = vector.broadcast %jit3A_69 : i32 to vector<128x1xi32>
    %select_n3A_71 = arith.select %eq3A_54, %broadcast_in_dim3A_70, %select_n3A_68 : vector<128x1xi1>, vector<128x1xi32>
    %eq3A_72 = arith.constant 0 : i32
    %eq3A_73 = vector.broadcast %eq3A_72 : i32 to vector<128x1xi32>
    %eq3A_74 = arith.cmpi eq, %sub3A_34, %eq3A_73 : vector<128x1xi32>
    %eq3A_75 = arith.constant 1 : i32
    %eq3A_76 = vector.broadcast %eq3A_75 : i32 to vector<128x1xi32>
    %eq3A_77 = arith.cmpi eq, %sub3A_34, %eq3A_76 : vector<128x1xi32>
    %eq3A_78 = arith.constant 2 : i32
    %eq3A_79 = vector.broadcast %eq3A_78 : i32 to vector<128x1xi32>
    %eq3A_80 = arith.cmpi eq, %sub3A_34, %eq3A_79 : vector<128x1xi32>
    %jit3A_81 = arith.constant 163840 : i32
    %jit3A_82 = arith.constant 172032 : i32
    %broadcast_in_dim3A_83 = vector.broadcast %jit3A_81 : i32 to vector<128x1xi32>
    %broadcast_in_dim3A_84 = vector.broadcast %jit3A_82 : i32 to vector<128x1xi32>
    %select_n3A_85 = arith.select %eq3A_80, %broadcast_in_dim3A_83, %broadcast_in_dim3A_84 : vector<128x1xi1>, vector<128x1xi32>
    %jit3A_86 = arith.constant 131072 : i32
    %broadcast_in_dim3A_87 = vector.broadcast %jit3A_86 : i32 to vector<128x1xi32>
    %select_n3A_88 = arith.select %eq3A_77, %broadcast_in_dim3A_87, %select_n3A_85 : vector<128x1xi1>, vector<128x1xi32>
    %jit3A_89 = arith.constant 0 : i32
    %broadcast_in_dim3A_90 = vector.broadcast %jit3A_89 : i32 to vector<128x1xi32>
    %select_n3A_91 = arith.select %eq3A_74, %broadcast_in_dim3A_90, %select_n3A_88 : vector<128x1xi1>, vector<128x1xi32>
    %mul3A_92 = arith.constant 128 : i32
    %mul3A_93 = arith.muli %arg0, %mul3A_92 : i32
    %iota3A = tpu.iota {dimensions = array<i32: 0>} : vector<128x1xi32>
    %add3A_94 = vector.broadcast %mul3A_93 : i32 to vector<128x1xi32>
    %add3A_95 = arith.addi %add3A_94, %iota3A : vector<128x1xi32>
    %jit3A_96 = arith.constant 512 : i32
    %div3A_97 = vector.broadcast %jit3A_96 : i32 to vector<128x1xi32>
    %div3A_98 = arith.divsi %add3A_95, %div3A_97 : vector<128x1xi32>
    %sign3A = arith.constant 0 : i32
    %sign3A_99 = vector.broadcast %sign3A : i32 to vector<128x1xi32>
    %sign3A_100 = arith.cmpi sgt, %add3A_95, %sign3A_99 : vector<128x1xi32>
    %sign3A_101 = arith.extui %sign3A_100 : vector<128x1xi1> to vector<128x1xi32>
    %sign3A_102 = arith.constant 0 : i32
    %sign3A_103 = vector.broadcast %sign3A_102 : i32 to vector<128x1xi32>
    %sign3A_104 = arith.cmpi slt, %add3A_95, %sign3A_103 : vector<128x1xi32>
    %sign3A_105 = arith.extui %sign3A_104 : vector<128x1xi1> to vector<128x1xi32>
    %sign3A_106 = arith.subi %sign3A_101, %sign3A_105 : vector<128x1xi32>
    %sign3A_107 = arith.constant 0 : i32
    %sign3A_108 = arith.cmpi sgt, %jit3A_96, %sign3A_107 : i32
    %sign3A_109 = arith.extui %sign3A_108 : i1 to i32
    %sign3A_110 = arith.constant 0 : i32
    %sign3A_111 = arith.cmpi slt, %jit3A_96, %sign3A_110 : i32
    %sign3A_112 = arith.extui %sign3A_111 : i1 to i32
    %sign3A_113 = arith.subi %sign3A_109, %sign3A_112 : i32
    %ne3A = vector.broadcast %sign3A_113 : i32 to vector<128x1xi32>
    %ne3A_114 = arith.cmpi ne, %sign3A_106, %ne3A : vector<128x1xi32>
    %rem3A = vector.broadcast %jit3A_96 : i32 to vector<128x1xi32>
    %rem3A_115 = arith.remsi %add3A_95, %rem3A : vector<128x1xi32>
    %ne3A_116 = arith.constant 0 : i32
    %ne3A_117 = vector.broadcast %ne3A_116 : i32 to vector<128x1xi32>
    %ne3A_118 = arith.cmpi ne, %rem3A_115, %ne3A_117 : vector<128x1xi32>
    %and3A = arith.andi %ne3A_114, %ne3A_118 : vector<128x1xi1>
    %sub3A_119 = arith.constant 1 : i32
    %sub3A_120 = vector.broadcast %sub3A_119 : i32 to vector<128x1xi32>
    %sub3A_121 = arith.subi %div3A_98, %sub3A_120 : vector<128x1xi32>
    %select_n3A_122 = arith.select %and3A, %sub3A_121, %div3A_98 : vector<128x1xi1>, vector<128x1xi32>
    %mul3A_123 = arith.muli %select_n3A_71, %select_n3A_71 : vector<128x1xi32>
    %mul3A_124 = arith.muli %select_n3A_122, %mul3A_123 : vector<128x1xi32>
    %add3A_125 = arith.addi %select_n3A_91, %mul3A_124 : vector<128x1xi32>
    %mul3A_126 = arith.mulf %get3A_1, %select_n3A_51 : vector<128x1xf32>
    %mul3A_127 = arith.mulf %get3A_4, %select_n3A_51 : vector<128x1xf32>
    %mul3A_128 = arith.mulf %get3A_7, %select_n3A_51 : vector<128x1xf32>
    %sub3A_129 = arith.subf %mul3A_128, %mul3A_126 : vector<128x1xf32>
    %max3A_130 = arith.constant 1.000000e+00 : f32
    %max3A_131 = vector.broadcast %max3A_130 : f32 to vector<128x1xf32>
    %max3A_132 = arith.maximumf %sub3A_129, %max3A_131 : vector<128x1xf32>
    %mul3A_133 = arith.mulf %get3A_10, %select_n3A_51 : vector<128x1xf32>
    %sub3A_134 = arith.subf %mul3A_133, %mul3A_127 : vector<128x1xf32>
    %max3A_135 = arith.constant 1.000000e+00 : f32
    %max3A_136 = vector.broadcast %max3A_135 : f32 to vector<128x1xf32>
    %max3A_137 = arith.maximumf %sub3A_134, %max3A_136 : vector<128x1xf32>
    %div3A_138 = arith.constant 7.000000e+00 : f32
    %div3A_139 = vector.broadcast %div3A_138 : f32 to vector<128x1xf32>
    %div3A_140 = arith.divf %max3A_132, %div3A_139 : vector<128x1xf32>
    %div3A_141 = arith.constant 7.000000e+00 : f32
    %div3A_142 = vector.broadcast %div3A_141 : f32 to vector<128x1xf32>
    %div3A_143 = arith.divf %max3A_137, %div3A_142 : vector<128x1xf32>
    %iota3A_144 = tpu.iota {dimensions = array<i32: 1>} : vector<1x784xi32>
    %shift_right_arithmetic3A = arith.constant 4 : i32
    %shift_right_arithmetic3A_145 = vector.broadcast %shift_right_arithmetic3A : i32 to vector<1x784xi32>
    %shift_right_arithmetic3A_146 = arith.shrsi %iota3A_144, %shift_right_arithmetic3A_145 : vector<1x784xi32>
    %and3A_147 = arith.constant 15 : i32
    %and3A_148 = vector.broadcast %and3A_147 : i32 to vector<1x784xi32>
    %and3A_149 = arith.andi %iota3A_144, %and3A_148 : vector<1x784xi32>
    %shift_right_arithmetic3A_150 = arith.constant 3 : i32
    %shift_right_arithmetic3A_151 = vector.broadcast %shift_right_arithmetic3A_150 : i32 to vector<1x784xi32>
    %shift_right_arithmetic3A_152 = arith.shrsi %and3A_149, %shift_right_arithmetic3A_151 : vector<1x784xi32>
    %and3A_153 = arith.constant 1 : i32
    %and3A_154 = vector.broadcast %and3A_153 : i32 to vector<1x784xi32>
    %and3A_155 = arith.andi %shift_right_arithmetic3A_152, %and3A_154 : vector<1x784xi32>
    %shift_right_arithmetic3A_156 = arith.constant 2 : i32
    %shift_right_arithmetic3A_157 = vector.broadcast %shift_right_arithmetic3A_156 : i32 to vector<1x784xi32>
    %shift_right_arithmetic3A_158 = arith.shrsi %and3A_149, %shift_right_arithmetic3A_157 : vector<1x784xi32>
    %and3A_159 = arith.constant 1 : i32
    %and3A_160 = vector.broadcast %and3A_159 : i32 to vector<1x784xi32>
    %and3A_161 = arith.andi %shift_right_arithmetic3A_158, %and3A_160 : vector<1x784xi32>
    %shift_right_arithmetic3A_162 = arith.constant 1 : i32
    %shift_right_arithmetic3A_163 = vector.broadcast %shift_right_arithmetic3A_162 : i32 to vector<1x784xi32>
    %shift_right_arithmetic3A_164 = arith.shrsi %and3A_149, %shift_right_arithmetic3A_163 : vector<1x784xi32>
    %and3A_165 = arith.constant 1 : i32
    %and3A_166 = vector.broadcast %and3A_165 : i32 to vector<1x784xi32>
    %and3A_167 = arith.andi %shift_right_arithmetic3A_164, %and3A_166 : vector<1x784xi32>
    %and3A_168 = arith.constant 1 : i32
    %and3A_169 = vector.broadcast %and3A_168 : i32 to vector<1x784xi32>
    %and3A_170 = arith.andi %and3A_149, %and3A_169 : vector<1x784xi32>
    %jit3A_171 = arith.constant 7 : i32
    %div3A_172 = vector.broadcast %jit3A_171 : i32 to vector<1x784xi32>
    %div3A_173 = arith.divsi %shift_right_arithmetic3A_146, %div3A_172 : vector<1x784xi32>
    %sign3A_174 = arith.constant 0 : i32
    %sign3A_175 = vector.broadcast %sign3A_174 : i32 to vector<1x784xi32>
    %sign3A_176 = arith.cmpi sgt, %shift_right_arithmetic3A_146, %sign3A_175 : vector<1x784xi32>
    %sign3A_177 = arith.extui %sign3A_176 : vector<1x784xi1> to vector<1x784xi32>
    %sign3A_178 = arith.constant 0 : i32
    %sign3A_179 = vector.broadcast %sign3A_178 : i32 to vector<1x784xi32>
    %sign3A_180 = arith.cmpi slt, %shift_right_arithmetic3A_146, %sign3A_179 : vector<1x784xi32>
    %sign3A_181 = arith.extui %sign3A_180 : vector<1x784xi1> to vector<1x784xi32>
    %sign3A_182 = arith.subi %sign3A_177, %sign3A_181 : vector<1x784xi32>
    %sign3A_183 = arith.constant 0 : i32
    %sign3A_184 = arith.cmpi sgt, %jit3A_171, %sign3A_183 : i32
    %sign3A_185 = arith.extui %sign3A_184 : i1 to i32
    %sign3A_186 = arith.constant 0 : i32
    %sign3A_187 = arith.cmpi slt, %jit3A_171, %sign3A_186 : i32
    %sign3A_188 = arith.extui %sign3A_187 : i1 to i32
    %sign3A_189 = arith.subi %sign3A_185, %sign3A_188 : i32
    %ne3A_190 = vector.broadcast %sign3A_189 : i32 to vector<1x784xi32>
    %ne3A_191 = arith.cmpi ne, %sign3A_182, %ne3A_190 : vector<1x784xi32>
    %rem3A_192 = vector.broadcast %jit3A_171 : i32 to vector<1x784xi32>
    %rem3A_193 = arith.remsi %shift_right_arithmetic3A_146, %rem3A_192 : vector<1x784xi32>
    %ne3A_194 = arith.constant 0 : i32
    %ne3A_195 = vector.broadcast %ne3A_194 : i32 to vector<1x784xi32>
    %ne3A_196 = arith.cmpi ne, %rem3A_193, %ne3A_195 : vector<1x784xi32>
    %and3A_197 = arith.andi %ne3A_191, %ne3A_196 : vector<1x784xi1>
    %sub3A_198 = arith.constant 1 : i32
    %sub3A_199 = vector.broadcast %sub3A_198 : i32 to vector<1x784xi32>
    %sub3A_200 = arith.subi %div3A_173, %sub3A_199 : vector<1x784xi32>
    %select_n3A_201 = arith.select %and3A_197, %sub3A_200, %div3A_173 : vector<1x784xi1>, vector<1x784xi32>
    %jit3A_202 = arith.constant 7 : i32
    %eq3A_203 = arith.constant 0 : i32
    %eq3A_204 = arith.cmpi eq, %jit3A_202, %eq3A_203 : i32
    %jit3A_205 = arith.constant 1 : i32
    %select_n3A_206 = arith.select %eq3A_204, %jit3A_205, %jit3A_202 : i32
    %rem3A_207 = vector.broadcast %select_n3A_206 : i32 to vector<1x784xi32>
    %rem3A_208 = arith.remsi %shift_right_arithmetic3A_146, %rem3A_207 : vector<1x784xi32>
    %ne3A_209 = arith.constant 0 : i32
    %ne3A_210 = vector.broadcast %ne3A_209 : i32 to vector<1x784xi32>
    %ne3A_211 = arith.cmpi ne, %rem3A_208, %ne3A_210 : vector<1x784xi32>
    %lt3A = arith.constant 0 : i32
    %lt3A_212 = vector.broadcast %lt3A : i32 to vector<1x784xi32>
    %lt3A_213 = arith.cmpi slt, %rem3A_208, %lt3A_212 : vector<1x784xi32>
    %lt3A_214 = arith.constant 0 : i32
    %lt3A_215 = arith.cmpi slt, %select_n3A_206, %lt3A_214 : i32
    %ne3A_216 = vector.broadcast %lt3A_215 : i1 to vector<1x784xi1>
    %ne3A_217 = vector.broadcast %ne3A_216 : vector<1x784xi1> to vector<1x784xi1>
    %ne3A_218 = arith.xori %lt3A_213, %ne3A_217 : vector<1x784xi1>
    %and3A_219 = arith.andi %ne3A_218, %ne3A_211 : vector<1x784xi1>
    %add3A_220 = vector.broadcast %select_n3A_206 : i32 to vector<1x784xi32>
    %add3A_221 = arith.addi %rem3A_208, %add3A_220 : vector<1x784xi32>
    %select_n3A_222 = arith.select %and3A_219, %add3A_221, %rem3A_208 : vector<1x784xi1>, vector<1x784xi32>
    %mul3A_223 = arith.constant 2 : i32
    %mul3A_224 = vector.broadcast %mul3A_223 : i32 to vector<1x784xi32>
    %mul3A_225 = arith.muli %mul3A_224, %select_n3A_201 : vector<1x784xi32>
    %add3A_226 = arith.addi %mul3A_225, %and3A_155 : vector<1x784xi32>
    %mul3A_227 = arith.constant 2 : i32
    %mul3A_228 = vector.broadcast %mul3A_227 : i32 to vector<1x784xi32>
    %mul3A_229 = arith.muli %mul3A_228, %select_n3A_222 : vector<1x784xi32>
    %add3A_230 = arith.addi %mul3A_229, %and3A_161 : vector<1x784xi32>
    %convert_element_type3A_231 = arith.sitofp %add3A_226 : vector<1x784xi32> to vector<1x784xf32>
    %add3A_232 = arith.constant 5.000000e-01 : f32
    %add3A_233 = vector.broadcast %add3A_232 : f32 to vector<1x784xf32>
    %add3A_234 = arith.addf %convert_element_type3A_231, %add3A_233 : vector<1x784xf32>
    %mul3A_235 = arith.constant 5.000000e-01 : f32
    %mul3A_236 = vector.broadcast %mul3A_235 : f32 to vector<1x784xf32>
    %mul3A_237 = arith.mulf %add3A_234, %mul3A_236 : vector<1x784xf32>
    %convert_element_type3A_238 = arith.sitofp %add3A_230 : vector<1x784xi32> to vector<1x784xf32>
    %add3A_239 = arith.constant 5.000000e-01 : f32
    %add3A_240 = vector.broadcast %add3A_239 : f32 to vector<1x784xf32>
    %add3A_241 = arith.addf %convert_element_type3A_238, %add3A_240 : vector<1x784xf32>
    %mul3A_242 = arith.constant 5.000000e-01 : f32
    %mul3A_243 = vector.broadcast %mul3A_242 : f32 to vector<1x784xf32>
    %mul3A_244 = arith.mulf %add3A_241, %mul3A_243 : vector<1x784xf32>
    %mul3A_245 = vector.broadcast %mul3A_237 : vector<1x784xf32> to vector<128x784xf32>
    %mul3A_246 = vector.broadcast %div3A_143 : vector<128x1xf32> to vector<128x784xf32>
    %mul3A_247 = arith.mulf %mul3A_245, %mul3A_246 : vector<128x784xf32>
    %add3A_248 = vector.broadcast %mul3A_127 : vector<128x1xf32> to vector<128x784xf32>
    %add3A_249 = arith.addf %add3A_248, %mul3A_247 : vector<128x784xf32>
    %mul3A_250 = vector.broadcast %mul3A_244 : vector<1x784xf32> to vector<128x784xf32>
    %mul3A_251 = vector.broadcast %div3A_140 : vector<128x1xf32> to vector<128x784xf32>
    %mul3A_252 = arith.mulf %mul3A_250, %mul3A_251 : vector<128x784xf32>
    %add3A_253 = vector.broadcast %mul3A_126 : vector<128x1xf32> to vector<128x784xf32>
    %add3A_254 = arith.addf %add3A_253, %mul3A_252 : vector<128x784xf32>
    %convert_element_type3A_255 = arith.sitofp %select_n3A_71 : vector<128x1xi32> to vector<128x1xf32>
    %ge3A = arith.constant -1.000000e+00 : f32
    %ge3A_256 = vector.broadcast %ge3A : f32 to vector<128x784xf32>
    %ge3A_257 = arith.cmpf oge, %add3A_249, %ge3A_256 : vector<128x784xf32>
    %le3A = vector.broadcast %convert_element_type3A_255 : vector<128x1xf32> to vector<128x784xf32>
    %le3A_258 = arith.cmpf ole, %add3A_249, %le3A : vector<128x784xf32>
    %and3A_259 = arith.andi %ge3A_257, %le3A_258 : vector<128x784xi1>
    %max3A_260 = arith.constant 0.000000e+00 : f32
    %max3A_261 = vector.broadcast %max3A_260 : f32 to vector<128x784xf32>
    %max3A_262 = arith.maximumf %add3A_249, %max3A_261 : vector<128x784xf32>
    %floor3A_263 = math.floor %max3A_262 : vector<128x784xf32>
    %convert_element_type3A_264 = arith.fptosi %floor3A_263 : vector<128x784xf32> to vector<128x784xi32>
    %sub3A_265 = arith.constant 1 : i32
    %sub3A_266 = vector.broadcast %sub3A_265 : i32 to vector<128x1xi32>
    %sub3A_267 = arith.subi %select_n3A_71, %sub3A_266 : vector<128x1xi32>
    %min3A_268 = vector.broadcast %sub3A_267 : vector<128x1xi32> to vector<128x784xi32>
    %min3A_269 = arith.minsi %convert_element_type3A_264, %min3A_268 : vector<128x784xi32>
    %add3A_270 = arith.constant 1 : i32
    %add3A_271 = vector.broadcast %add3A_270 : i32 to vector<128x784xi32>
    %add3A_272 = arith.addi %min3A_269, %add3A_271 : vector<128x784xi32>
    %sub3A_273 = arith.constant 1 : i32
    %sub3A_274 = vector.broadcast %sub3A_273 : i32 to vector<128x1xi32>
    %sub3A_275 = arith.subi %select_n3A_71, %sub3A_274 : vector<128x1xi32>
    %min3A_276 = vector.broadcast %sub3A_275 : vector<128x1xi32> to vector<128x784xi32>
    %min3A_277 = arith.minsi %add3A_272, %min3A_276 : vector<128x784xi32>
    %sub3A_278 = arith.constant 1 : i32
    %sub3A_279 = vector.broadcast %sub3A_278 : i32 to vector<128x1xi32>
    %sub3A_280 = arith.subi %select_n3A_71, %sub3A_279 : vector<128x1xi32>
    %ge3A_281 = vector.broadcast %sub3A_280 : vector<128x1xi32> to vector<128x784xi32>
    %ge3A_282 = arith.cmpi sge, %min3A_269, %ge3A_281 : vector<128x784xi32>
    %convert_element_type3A_283 = arith.sitofp %min3A_269 : vector<128x784xi32> to vector<128x784xf32>
    %select_n3A_284 = arith.select %ge3A_282, %convert_element_type3A_283, %max3A_262 : vector<128x784xi1>, vector<128x784xf32>
    %convert_element_type3A_285 = arith.sitofp %min3A_269 : vector<128x784xi32> to vector<128x784xf32>
    %sub3A_286 = arith.subf %select_n3A_284, %convert_element_type3A_285 : vector<128x784xf32>
    %ge3A_287 = arith.constant -1.000000e+00 : f32
    %ge3A_288 = vector.broadcast %ge3A_287 : f32 to vector<128x784xf32>
    %ge3A_289 = arith.cmpf oge, %add3A_254, %ge3A_288 : vector<128x784xf32>
    %le3A_290 = vector.broadcast %convert_element_type3A_255 : vector<128x1xf32> to vector<128x784xf32>
    %le3A_291 = arith.cmpf ole, %add3A_254, %le3A_290 : vector<128x784xf32>
    %and3A_292 = arith.andi %ge3A_289, %le3A_291 : vector<128x784xi1>
    %max3A_293 = arith.constant 0.000000e+00 : f32
    %max3A_294 = vector.broadcast %max3A_293 : f32 to vector<128x784xf32>
    %max3A_295 = arith.maximumf %add3A_254, %max3A_294 : vector<128x784xf32>
    %floor3A_296 = math.floor %max3A_295 : vector<128x784xf32>
    %convert_element_type3A_297 = arith.fptosi %floor3A_296 : vector<128x784xf32> to vector<128x784xi32>
    %sub3A_298 = arith.constant 1 : i32
    %sub3A_299 = vector.broadcast %sub3A_298 : i32 to vector<128x1xi32>
    %sub3A_300 = arith.subi %select_n3A_71, %sub3A_299 : vector<128x1xi32>
    %min3A_301 = vector.broadcast %sub3A_300 : vector<128x1xi32> to vector<128x784xi32>
    %min3A_302 = arith.minsi %convert_element_type3A_297, %min3A_301 : vector<128x784xi32>
    %add3A_303 = arith.constant 1 : i32
    %add3A_304 = vector.broadcast %add3A_303 : i32 to vector<128x784xi32>
    %add3A_305 = arith.addi %min3A_302, %add3A_304 : vector<128x784xi32>
    %sub3A_306 = arith.constant 1 : i32
    %sub3A_307 = vector.broadcast %sub3A_306 : i32 to vector<128x1xi32>
    %sub3A_308 = arith.subi %select_n3A_71, %sub3A_307 : vector<128x1xi32>
    %min3A_309 = vector.broadcast %sub3A_308 : vector<128x1xi32> to vector<128x784xi32>
    %min3A_310 = arith.minsi %add3A_305, %min3A_309 : vector<128x784xi32>
    %sub3A_311 = arith.constant 1 : i32
    %sub3A_312 = vector.broadcast %sub3A_311 : i32 to vector<128x1xi32>
    %sub3A_313 = arith.subi %select_n3A_71, %sub3A_312 : vector<128x1xi32>
    %ge3A_314 = vector.broadcast %sub3A_313 : vector<128x1xi32> to vector<128x784xi32>
    %ge3A_315 = arith.cmpi sge, %min3A_302, %ge3A_314 : vector<128x784xi32>
    %convert_element_type3A_316 = arith.sitofp %min3A_302 : vector<128x784xi32> to vector<128x784xf32>
    %select_n3A_317 = arith.select %ge3A_315, %convert_element_type3A_316, %max3A_295 : vector<128x784xi1>, vector<128x784xf32>
    %convert_element_type3A_318 = arith.sitofp %min3A_302 : vector<128x784xi32> to vector<128x784xf32>
    %sub3A_319 = arith.subf %select_n3A_317, %convert_element_type3A_318 : vector<128x784xf32>
    %eq3A_320 = arith.constant 1 : i32
    %eq3A_321 = vector.broadcast %eq3A_320 : i32 to vector<1x784xi32>
    %eq3A_322 = arith.cmpi eq, %and3A_167, %eq3A_321 : vector<1x784xi32>
    %broadcast_in_dim3A_323 = vector.shape_cast %eq3A_322 : vector<1x784xi1> to vector<1x784xi1>
    %broadcast_in_dim3A_324 = vector.broadcast %broadcast_in_dim3A_323 : vector<1x784xi1> to vector<128x784xi1>
    %select_n3A_325 = arith.select %broadcast_in_dim3A_324, %min3A_277, %min3A_269 : vector<128x784xi1>, vector<128x784xi32>
    %eq3A_326 = arith.constant 1 : i32
    %eq3A_327 = vector.broadcast %eq3A_326 : i32 to vector<1x784xi32>
    %eq3A_328 = arith.cmpi eq, %and3A_167, %eq3A_327 : vector<1x784xi32>
    %sub3A_329 = arith.constant 1.000000e+00 : f32
    %sub3A_330 = vector.broadcast %sub3A_329 : f32 to vector<128x784xf32>
    %sub3A_331 = arith.subf %sub3A_330, %sub3A_286 : vector<128x784xf32>
    %broadcast_in_dim3A_332 = vector.shape_cast %eq3A_328 : vector<1x784xi1> to vector<1x784xi1>
    %broadcast_in_dim3A_333 = vector.broadcast %broadcast_in_dim3A_332 : vector<1x784xi1> to vector<128x784xi1>
    %select_n3A_334 = arith.select %broadcast_in_dim3A_333, %sub3A_286, %sub3A_331 : vector<128x784xi1>, vector<128x784xf32>
    %eq3A_335 = arith.constant 1 : i32
    %eq3A_336 = vector.broadcast %eq3A_335 : i32 to vector<1x784xi32>
    %eq3A_337 = arith.cmpi eq, %and3A_170, %eq3A_336 : vector<1x784xi32>
    %broadcast_in_dim3A_338 = vector.shape_cast %eq3A_337 : vector<1x784xi1> to vector<1x784xi1>
    %broadcast_in_dim3A_339 = vector.broadcast %broadcast_in_dim3A_338 : vector<1x784xi1> to vector<128x784xi1>
    %select_n3A_340 = arith.select %broadcast_in_dim3A_339, %min3A_310, %min3A_302 : vector<128x784xi1>, vector<128x784xi32>
    %eq3A_341 = arith.constant 1 : i32
    %eq3A_342 = vector.broadcast %eq3A_341 : i32 to vector<1x784xi32>
    %eq3A_343 = arith.cmpi eq, %and3A_170, %eq3A_342 : vector<1x784xi32>
    %sub3A_344 = arith.constant 1.000000e+00 : f32
    %sub3A_345 = vector.broadcast %sub3A_344 : f32 to vector<128x784xf32>
    %sub3A_346 = arith.subf %sub3A_345, %sub3A_319 : vector<128x784xf32>
    %broadcast_in_dim3A_347 = vector.shape_cast %eq3A_343 : vector<1x784xi1> to vector<1x784xi1>
    %broadcast_in_dim3A_348 = vector.broadcast %broadcast_in_dim3A_347 : vector<1x784xi1> to vector<128x784xi1>
    %select_n3A_349 = arith.select %broadcast_in_dim3A_348, %sub3A_319, %sub3A_346 : vector<128x784xi1>, vector<128x784xf32>
    %mul3A_350 = arith.constant 2.500000e-01 : f32
    %mul3A_351 = vector.broadcast %mul3A_350 : f32 to vector<128x784xf32>
    %mul3A_352 = arith.mulf %mul3A_351, %select_n3A_334 : vector<128x784xf32>
    %mul3A_353 = arith.mulf %mul3A_352, %select_n3A_349 : vector<128x784xf32>
    %and3A_354 = arith.andi %and3A_259, %and3A_292 : vector<128x784xi1>
    %jit3A_355 = arith.constant 0.000000e+00 : f32
    %broadcast_in_dim3A_356 = vector.broadcast %jit3A_355 : f32 to vector<128x784xf32>
    %select_n3A_357 = arith.select %and3A_354, %mul3A_353, %broadcast_in_dim3A_356 : vector<128x784xi1>, vector<128x784xf32>
    %mul3A_358 = vector.broadcast %select_n3A_71 : vector<128x1xi32> to vector<128x784xi32>
    %mul3A_359 = arith.muli %select_n3A_325, %mul3A_358 : vector<128x784xi32>
    %add3A_360 = vector.broadcast %add3A_125 : vector<128x1xi32> to vector<128x784xi32>
    %add3A_361 = arith.addi %add3A_360, %mul3A_359 : vector<128x784xi32>
    %add3A_362 = arith.addi %add3A_361, %select_n3A_340 : vector<128x784xi32>
    %swap3A = arith.constant 0 : index
    %swap3A_363 = arith.constant 0 : index
    %swap3A_364 = vector.load %arg5[%swap3A, %swap3A_363] : memref<128x784xi32, #tpu.memory_space<vmem>>, vector<128x784xi32>
    tpu.vector_store %arg5[%swap3A, %swap3A_363], %add3A_362 {strides = array<i32>} : memref<128x784xi32, #tpu.memory_space<vmem>>, vector<128x784xi32>,
    %swap3A_365 = arith.constant 0 : index
    %swap3A_366 = arith.constant 0 : index
    %swap3A_367 = vector.load %arg6[%swap3A_365, %swap3A_366] : memref<128x784xf32, #tpu.memory_space<vmem>>, vector<128x784xf32>
    tpu.vector_store %arg6[%swap3A_365, %swap3A_366], %select_n3A_357 {strides = array<i32>} : memref<128x784xf32, #tpu.memory_space<vmem>>, vector<128x784xf32>,
    return
  }
  func.func @transform_0(%arg0: i32) -> (i32, i32) {
    %c0_i32 = arith.constant 0 : i32
    %c0_i32_0 = arith.constant 0 : i32
    return %arg0, %c0_i32 : i32, i32
  }
  func.func @transform_1(%arg0: i32) -> (i32, i32) {
    %c0_i32 = arith.constant 0 : i32
    %c0_i32_0 = arith.constant 0 : i32
    return %arg0, %c0_i32 : i32, i32
  }
  func.func @transform_2(%arg0: i32) -> (i32, i32) {
    %c0_i32 = arith.constant 0 : i32
    %c0_i32_0 = arith.constant 0 : i32
    return %arg0, %c0_i32 : i32, i32
  }
  func.func @transform_3(%arg0: i32) -> (i32, i32) {
    %c0_i32 = arith.constant 0 : i32
    %c0_i32_0 = arith.constant 0 : i32
    return %arg0, %c0_i32 : i32, i32
  }
  func.func @transform_4(%arg0: i32) -> (i32, i32) {
    %c0_i32 = arith.constant 0 : i32
    %c0_i32_0 = arith.constant 0 : i32
    return %arg0, %c0_i32 : i32, i32
  }
  func.func @transform_5(%arg0: i32) -> (i32, i32) {
    %c0_i32 = arith.constant 0 : i32
    %c0_i32_0 = arith.constant 0 : i32
    return %arg0, %c0_i32 : i32, i32
  }
}

</mosaic_0001>

<sc_bundles>
// kernel: kernel.4.cloned.1.call-start
scs
__scs_entry_jumppad:
0x0: {  	(pc) =	sbr.rel $0x88, $3  }
0x1: {  	(tag) =	ssettag $0x0;
	lr =	simm.s32 $0x1  }
0x2: {  	[smem:$0x3F9B] =	sst lr;
	_ =	strace $0xD0000000  }
0x3: {  	_ = 	snop  }
0x4: {  	_ = 	snop  }
0x5: {  	_ = 	snop  }
0x6: {  	_ = 	snop  }
0x7: {  	_ = 	snop  }
__scs_overlays_trampoline_lowered:
0x8: {  	[smem:$0x3FAA] =	sst s0  }
0x9: {  	[smem:$0x3FAB] =	sst s1  }
0xa: {  	[smem:$0x3FAC] =	sst s2  }
0xb: {  	[smem:$0x3FAD] =	sst s3  }
0xc: {  	[smem:$0x3FAE] =	sst s4  }
0xd: {  	[smem:$0x3FAF] =	sst s5  }
0xe: {  	[smem:$0x3FB0] =	sst s6  }
0xf: {  	[smem:$0x3FB1] =	sst s7  }
0x10: {  	[smem:$0x3FB2] =	sst s8  }
0x11: {  	[smem:$0x3FB3] =	sst s9;
	s0 =	simm.s32 @!p0 $0x0  }
0x12: {  	s1 =	sld [smem:$0x3F99];
	s0 =	simm.s32 @p0 $0x1  }
0x13: {  	[smem:$0x3FB4] =	sst s0;
	s0 =	simm.s32 @!p1 $0x0  }
0x14: {  	s2 =	sld [smem:$0x3F98];
	s0 =	simm.s32 @p1 $0x1  }
0x15: {  	[smem:$0x3FB5] =	sst s0;
	s0 =	simm.s32 @!p2 $0x0  }
0x16: {  	s3 =	sld [smem:$0x3FDB];
	s0 =	simm.s32 @p2 $0x1  }
0x17: {  	s4 =	simm.s32 $0x1BF5;
	[smem:$0x3FB7] =	sst s0  }
0x18: {  	s0 =	sld [smem:$0x3F9A];
	_ =	swait.ge [sflag:s4], $0x0  }
0x19: {  	s7 =	sld [smem:$0x3F9B]  }
0x1a: {  	s8 =	sadd.s32 $0xFFFFE003, lr  }
0x1b: {  	s9 =	sadd.s32 $0xFFFFFEF7, lr;
	s5 =	simm.s32 $0xFFFFFFFF;
	p2 =	slt.u32 s8, $0xFFFFF086  }
0x1c: {  	p1 =	slt.u32 s9, $0xF7A;
	s5 =	simm.s32 @!p2 $0x0  }
0x1d: {  	s5 =	simm.s32 @p1 $0x1;
	p0 =	seq.s32 s7, s2  }
0x1e: {  	s7 =	smul.u32 @!p0 $0xF7A, s2;
	p2 =	seq.s32 @!p0 s5, $0x0  }
0x1f: {  	s9 =	smul.u32 $0xF7A, s1;
	s8 =	simm.s32 @!p0 $0x1BF5;
	p2 =	por !p2, p0  }
0x20: {  	[sflag:s8] =	ssyncset.s32 @!p0 $0xFFFFF086;
	s6 =	sadd.s32 @!p0 s3, s7;
	s7 =	simm.s32 @!p0 $0x108  }
0x21: {  	s3 =	sadd.s32 s3, s9;
	s6 =	sadd.s32 @!p0 $0x88, s6;
	s7 =	simm.s32 @p2 $0x1082  }
0x22: {  	[simem:s7], [sflag:s8] =	dma.local @!p0 [hbm:s6], $0xF7A  }
0x23: {  	s9 =	sor.u32 $0xD0000000, s2;
	s6 =	simm.s32 $0x108;
	_ =	swait.ge @!p0 [sflag:s8], $0x0  }
0x24: {  	s3 =	sadd.s32 $0x88, s3;
	s6 =	simm.s32 @!p1 $0x1082;
	[sflag:s4] =	ssyncset.s32 $0xFFFFF086  }
0x25: {  	[simem:s6], [sflag:s4] =	dma.local [hbm:s3], $0xF7A  }
0x26: {  	[smem:$0x3F9B] =	sst s1;
	(tag) =	ssettag s2;
	_ =	strace s9  }
0x27: {  	s1 =	sld [smem:$0x3FAB]  }
0x28: {  	s2 =	sld [smem:$0x3FAC]  }
0x29: {  	s4 =	sld [smem:$0x3FAE]  }
0x2a: {  	p0 =	seq.s32 s5, $0x0;
	s5 =	sld [smem:$0x3FAF]  }
0x2b: {  	s6 =	sld [smem:$0x3FB0]  }
0x2c: {  	s7 =	sld [smem:$0x3FB1]  }
0x2d: {  	s3 =	simm.s32 $0x108;
	s8 =	sld [smem:$0x3FB2]  }
0x2e: {  	s3 =	simm.s32 @!p0 $0x1082;
	s9 =	sld [smem:$0x3FB3]  }
0x2f: {  	lr =	sadd.s32 s0, s3;
	s0 =	sld [smem:$0x3FAA]  }
0x30: {  	s3 =	sld [smem:$0x3FAD]  }
0x31: {  	[smem:$0x3FB6] =	sst s10  }
0x32: {  	s10 =	sld [smem:$0x3FB4];
	_ =	sdelay $0x3  }
0x33: {  	p0 =	seq.s32 s10, $0x1;
	s10 =	sld [smem:$0x3FB6];
	_ =	sdelay $0x3  }
0x34: {  	[smem:$0x3FB6] =	sst s10  }
0x35: {  	s10 =	sld [smem:$0x3FB5];
	_ =	sdelay $0x3  }
0x36: {  	p1 =	seq.s32 s10, $0x1;
	s10 =	sld [smem:$0x3FB6];
	_ =	sdelay $0x3  }
0x37: {  	[smem:$0x3FB6] =	sst s10  }
0x38: {  	s10 =	sld [smem:$0x3FB7]  }
0x39: {  	_ = 	snop;
	(pc) =	sbr.ind lr, $3  }
0x3a: {  	_ = 	snop  }
0x3b: {  	_ = 	snop  }
0x3c: {  	p2 =	seq.s32 s10, $0x1;
	s10 =	sld [smem:$0x3FB6]  }
0x3d: {  	_ =	shalt  }
0x3e: {  	_ =	shalt  }
0x3f: {  	_ =	shalt  }
0x40: {  	_ =	shalt  }
0x41: {  	_ =	shalt  }
0x42: {  	_ =	shalt  }
0x43: {  	_ =	shalt  }
0x44: {  	_ =	shalt  }
0x45: {  	_ =	shalt  }
0x46: {  	_ =	shalt  }
0x47: {  	_ =	shalt  }
0x48: {  	_ =	shalt  }
0x49: {  	_ =	shalt  }
0x4a: {  	_ =	shalt  }
0x4b: {  	_ =	shalt  }
0x4c: {  	_ =	shalt  }
0x4d: {  	_ =	shalt  }
0x4e: {  	_ =	shalt  }
0x4f: {  	_ =	shalt  }
0x50: {  	_ =	shalt  }
0x51: {  	_ =	shalt  }
0x52: {  	_ =	shalt  }
0x53: {  	_ =	shalt  }
0x54: {  	_ =	shalt  }
0x55: {  	_ =	shalt  }
0x56: {  	_ =	shalt  }
0x57: {  	_ =	shalt  }
0x58: {  	_ =	shalt  }
0x59: {  	_ =	shalt  }
0x5a: {  	_ =	shalt  }
0x5b: {  	_ =	shalt  }
0x5c: {  	_ =	shalt  }
0x5d: {  	_ =	shalt  }
0x5e: {  	_ =	shalt  }
0x5f: {  	_ =	shalt  }
0x60: {  	_ =	shalt  }
0x61: {  	_ =	shalt  }
0x62: {  	_ =	shalt  }
0x63: {  	_ =	shalt  }
0x64: {  	_ =	shalt  }
0x65: {  	_ =	shalt  }
0x66: {  	_ =	shalt  }
0x67: {  	_ =	shalt  }
0x68: {  	_ =	shalt  }
0x69: {  	_ =	shalt  }
0x6a: {  	_ =	shalt  }
0x6b: {  	_ =	shalt  }
0x6c: {  	_ =	shalt  }
0x6d: {  	_ =	shalt  }
0x6e: {  	_ =	shalt  }
0x6f: {  	_ =	shalt  }
0x70: {  	_ =	shalt  }
0x71: {  	_ =	shalt  }
0x72: {  	_ =	shalt  }
0x73: {  	_ =	shalt  }
0x74: {  	_ =	shalt  }
0x75: {  	_ =	shalt  }
0x76: {  	_ =	shalt  }
0x77: {  	_ =	shalt  }
0x78: {  	_ =	shalt  }
0x79: {  	_ =	shalt  }
0x7a: {  	_ =	shalt  }
0x7b: {  	_ =	shalt  }
0x7c: {  	_ =	shalt  }
0x7d: {  	_ =	shalt  }
0x7e: {  	_ =	shalt  }
0x7f: {  	_ =	shalt  }
0x80: {  	_ =	shalt  }
0x81: {  	_ =	shalt  }
0x82: {  	_ =	shalt  }
0x83: {  	_ =	shalt  }
0x84: {  	_ =	shalt  }
0x85: {  	_ =	shalt  }
0x86: {  	_ =	shalt  }
0x87: {  	_ =	shalt  }
.Lfunc_end0:
.L_simem_size_0:
called_computation.2_lowered:
.L_overlay_start_0:
0x88: {  	s2 =	sld [smem:$0x3FD9]  }
0x89: {  	s3 =	sld [smem:$0x3FFE];
	_ =	sdelay $0x1  }
0x8a: {  	s1 =	srdreg.scid  }
0x8b: {  	s0 =	sand.u32 $0x1, s1  }
0x8c: {  	s17 =	sshll.u32 s0, $0xA;
	s2 =	sadd.s32 s3, s2  }
0x8d: {  	s2 =	sadd.s32 s2, s17  }
0x8e: {  	[smem:$0x3FC2] =	sst s2  }
0x8f: {  	_ = 	snop  }
0x90: {  	s2 =	sld [smem:$0x3FD0];
	(tm) =	ssettm $0x1  }
0x91: {  	s18 =	sld [smem:$0x3FFB];
	_ =	sdelay $0x3  }
0x92: {  	_ =	strace s18  }
0x93: {  	s3 =	sld [smem:$0x3FFC];
	_ =	sdelay $0x3  }
0x94: {  	_ =	strace s3  }
0x95: {  	s3 =	sld [smem:$0x3FFD];
	_ =	sdelay $0x3  }
0x96: {  	_ =	strace s3  }
0x97: {  	_ =	strace $0x8FFFFFFF  }
0x98: {  	s19 =	sld [smem:$0x3FDB];
	_ =	sdelay $0x1  }
0x99: {  	s4 =	simm.s32 $_scs_section_size  }
0x9a: {  	s5 =	simm.s32 $_size__tile_overlayer_lowered;
	s6 =	simm.s32 $_tile_overlayer_lowered  }
0x9b: {  	s22 =	simm.s32 $0x1BFF;
	s21 =	sshll.u32 s6, $0x1;
	s3 =	sadd.s32 s4, s19  }
0x9c: {  	s7 =	simm.s32 $0x0;
	s20 =	sshll.u32 s5, $0x1;
	s5 =	sadd.s32 s21, s3  }
0x9d: {  	[timem:s7], [sflag:s22] =	dma.local [hbm:s5], s20  }
0x9e: {  	_ =	swait.ge [sflag:s22], s20  }
0x9f: {  	s4 =	ssub.s32 $0x0, s20;
	[sflag:s22] =	ssyncset.done $0x0  }
0xa0: {  	[sflag:s22] =	ssyncadd.s32 s4;
	_ =	sdelay $0x1  }
0xa1: {  	s23 =	simm.s32 $0x1B8B  }
0xa2: {  	_ =	swait.ge [sflag:s23], $0x1  }
0xa3: {  	[sflag:s23] =	ssyncset.done $0x0  }
0xa4: {  	s25 =	simm.s32 $0x1B8E;
	s24 =	sld [smem:$0x3FFE];
	[sflag:s23] =	ssyncadd.s32 $0xFFFFFFFF  }
0xa5: {  	s26 =	simm.s32 $execute0_lowered;
	[smem:$0x3FD2] =	sst s25  }
0xa6: {  	s5 =	sshll.u32 s26, $0x1;
	_ =	strace $0x80000049;
	[dreg:$0x1] =	wrdreg $0xFFFFFFFF  }
0xa7: {  	s28 =	simm.s32 $_size_execute0_lowered;
	s3 =	sadd.s32 s3, s5;
	[dreg:$0x0] =	wrdreg $0x0  }
0xa8: {  	s5 =	sshll.u32 s28, $0x1;
	[dreg:$0x2] =	wrdreg s3  }
0xa9: {  	[dreg:$0x3] =	wrdreg s5  }
0xaa: {  	[dreg:$0x4] =	wrdreg $0xC0  }
0xab: {  	_ =	task [dreg:s7], $0x5FFFF  }
0xac: {  	[dreg:$0x1] =	wrdreg $0xFFFFFFFF  }
0xad: {  	[dreg:$0x0] =	wrdreg $0x60  }
0xae: {  	[dreg:$0x2] =	wrdreg s24  }
0xaf: {  	[dreg:$0x3] =	wrdreg s2  }
0xb0: {  	[dreg:$0x4] =	wrdreg $0x9  }
0xb1: {  	_ =	task.clear_ibuf [dreg:s7], $0x5FFFF;
	_ =	strace $0x90000049  }
0xb2: {  	s29 =	simm.s32 $0x9;
	_ =	strace $0x8000004B  }
0xb3: {  	_ =	swait.ge [sflag:s29], $0x1  }
0xb4: {  	[sflag:s29] =	ssyncadd.s32 $0xFFFFFFFF  }
0xb5: {  	_ =	strace $0x9000004B  }
0xb6: {  	_ =	sfence  }
0xb7: {  	s30 =	sld [smem:$0x0];
	_ =	sdelay $0x2  }
0xb8: {  	s31 =	sshll.u32 s1, $0xD;
	s1 =	sshrl.u32 s1, $0x2  }
0xb9: {  	s3 =	sand.u32 $0x4000, s31;
	s1 =	sadd.s32 s1, s30  }
0xba: {  	s0 =	sor.u32 s3, s0;
	s1 =	sshll.u32 s1, $0x11  }
0xbb: {  	s0 =	sor.u32 s1, s0  }
0xbc: {  	s0 =	sadd.s32 $0x8F2B, s0  }
0xbd: {  	[sflag:s0] =	ssyncadd.remote.s32 $0x1  }
0xbe: {  	_ =	sfence.sel $0xFFFF  }
0xbf: {  	[dreg:$0x0] =	wrdreg $0xFFFFFFFF;
	(pc) =	sbr.abs _section_cstart, $3  }
0xc0: {  	[dreg:$0x1] =	wrdreg $0xFFFFFFFF  }
0xc1: {  	_ =	task.clear_ibuf [dreg:s7], $0x2FFFF;
	_ =	strace $0x9FFFFFFF  }
0xc2: {  	(tm) =	ssettm $0x7FFFFFFF  }
0xc3: {  	_ =	shalt  }
tec
execute0_lowered:
.L_overlay_start_1:
0x0: {  	(tag) =	ssettag $0x1  }
0x1: {  	s0 =	srdreg.scid  }
0x2: {  	s1 =	rddreg [dreg:$0x0];
	s2 =	stileid.u32  }
0x3: {  	s3 =	simm.s32 $0x0;
	s13 =	simm.s32 $0x80;
	s14 =	simm.s32 $0x400  }
0x4: {  	s16 =	simm.s32 $0x4;
	s17 =	simm.s32 $0x70;
	s18 =	simm.s32 $0xE00  }
0x5: {  	s19 =	simm.s32 $0x4600;
	s22 =	simm.s32 $0x3;
	s0 =	sand.u32 $0x1, s0  }
0x6: {  	s23 =	simm.s32 $0x2;
	s2 =	sshll.u32 s2, $0x6;
	s4 =	sshll.u32 s0, $0x5  }
0x7: {  	s24 =	simm.s32 $0x1;
	s0 =	ssub.s32 $0x2, s0;
	s4 =	sor.u32 s4, s2  }
0x8: {  	[smem:$0x7FF] =	sst s3;
	s8 =	sshrl.u32 s0, $0x1;
	s2 =	sshrl.u32 s4, $0x3  }
0x9: {  	s6 =	sadd.s32 $0x202A00, s1;
	s0 =	ssub.s32 s0, s8;
	s2 =	smul.u32 $0x380, s2  }
0xa: {  	s7 =	sadd.s32 $0x21EA00, s1;
	_ =	strace $0x8000004A;
	s0 =	smax.u32 s0, $0x1  }
.Ltmp0:
0xb: {  	[dreg:$0x7] =	wrdreg s0;
	s30 =	sadd.s32 s6, s2;
	(pc) =	sbr.rel .LBB2_1-.Ltmp0, $4  }
0xc: {  	s29 =	sor.u32 $0x10, s2;
	s2 =	sadd.s32 s7, s2;
	[dreg:$0x3] =	wrdreg s30  }
0xd: {  	s25 =	simm.s32 $0x7E00;
	[dreg:$0x4] =	wrdreg s2;
	s31 =	sadd.s32 s6, s29  }
0xe: {  	s5 =	sadd.s32 $0x262A00, s1;
	s1 =	sadd.s32 s7, s29;
	[dreg:$0x5] =	wrdreg s31  }
0xf: {  	s28 =	simm.s32 $0x6;
	[dreg:$0x6] =	wrdreg s1;
	s1 =	simm.s32 $0x0  }
.LBB2_39:
0x10: {  	s1 =	rddreg [dreg:$0x8]  }
0x11: {  	s0 =	rddreg [dreg:$0x7];
	s1 =	sadd.s32 $0x1, s1  }
0x12: {  	p0 =	sne.s32 s1, s0  }
.Ltmp1:
0x13: {  	_ = 	snop;
	(pc) =	sbr.rel @!p0 .LBB2_40-.Ltmp1, $1  }
0x14: {  	_ =	sdelay $0x3  }
.LBB2_1:
0x15: {  	[dreg:$0x8] =	wrdreg s1  }
0x16: {  	s0 =	rddreg [dreg:$0x3]  }
0x17: {  	[tilespmem:s3], [sflag:$0x4] =	stream.strided.gather [hbm4b:s0+s13], $0x380, s14, s13, $0x38;
	[tilespmem:$0xE700] =	vst v63  }
0x18: {  	s20 =	rddreg [dreg:$0x4];
	s21 =	simm.s32 $0x700  }
0x19: {  	[tilespmem:s21], [sflag:$0x4] =	stream.strided.gather [hbm4b:s20+s13], $0x380, s14, s13, $0x38;
	[tilespmem:$0xE700] =	vst v63  }
0x1a: {  	_ =	swait.ge [sflag:s16], $0x380  }
0x1b: {  	[sflag:s16] =	ssyncset.done $0x0  }
0x1c: {  	[sflag:s16] =	ssyncadd.s32 $0xFFFFFC80  }
0x1d: {  	_ =	swait.ge [sflag:s16], $0x380  }
0x1e: {  	[sflag:s16] =	ssyncset.done $0x0  }
0x1f: {  	[sflag:s16] =	ssyncadd.s32 $0xFFFFFC80  }
0x20: {  	[tilespmem:s18], [sflag:$0x1] =	stream.indirect.gather [hbm4b:s5+s17], $0x80, s3, s17, $0xb8;
	[tilespmem:$0xE700] =	vst v63  }
0x21: {  	_ = 	snop  }
0x22: {  	[tilespmem:s19], [sflag:$0x2] =	stream.indirect.gather [hbm4b:s5+s17], $0x80, s17, s17, $0xb8;
	[tilespmem:$0xE700] =	vst v63  }
.Ltmp2:
0x23: {  	_ = 	snop;
	(pc) =	sbr.rel .LBB2_2-.Ltmp2, $4  }
0x24: {  	s29 =	simm.s32 $0x380;
	s31 =	simm.s32 $0xA80;
	s26 =	rddreg [dreg:$0x5]  }
0x25: {  	[tilespmem:s29], [sflag:$0x5] =	stream.strided.gather [hbm4b:s26+s13], $0x380, s14, s13, $0x38;
	[tilespmem:$0xE700] =	vst v63  }
0x26: {  	s21 =	simm.s32 $0xE40;
	s20 =	simm.s32 $0x0;
	s30 =	rddreg [dreg:$0x6]  }
0x27: {  	[tilespmem:s31], [sflag:$0x5] =	stream.strided.gather [hbm4b:s30+s13], $0x380, s14, s13, $0x38;
	[tilespmem:$0xE700] =	vst v63  }
.LBB2_38:
0x28: {  	s0 =	sshrl.u32 s1, $0x3  }
0x29: {  	s29 =	sshll.u32 s20, $0x7;
	s0 =	smul.u32 $0x18800, s0  }
0x2a: {  	s1 =	sand.u32 $0x380, s29  }
0x2b: {  	s20 =	sadd.s32 $0x1, s20;
	s0 =	sor.u32 s1, s0  }
0x2c: {  	s30 =	rddreg [dreg:$0x1];
	p0 =	sne.s32 s20, $0x20;
	s0 =	sshrl.u32 s0, $0x3  }
.Ltmp3:
0x2d: {  	s31 =	simm.s32 $0xB600;
	s0 =	sadd.s32 s30, s0;
	(pc) =	sbr.rel @!p0 .LBB2_39-.Ltmp3, $4  }
0x2e: {  	[hbm4b:s0+s13] =	stream.strided.scatter [tilespmem:s31], [sflag:$0x6], $0x3100, s14, s13, $0x38;
	[tilespmem:$0xE700] =	vst v63  }
0x2f: {  	_ =	swait.ge [sflag:s28], $0x3100  }
0x30: {  	[sflag:s28] =	ssyncset.done $0x0  }
0x31: {  	s21 =	sadd.s32 $0x3800, s21;
	[sflag:s28] =	ssyncadd.s32 $0xFFFFCF00  }
.LBB2_2:
0x32: {  	s0 =	sand.u32 $0x1, s20  }
0x33: {  	p0 =	seq.s32 s0, $0x1  }
.Ltmp4:
0x34: {  	_ = 	snop;
	(pc) =	sbr.rel @p0 .LBB2_14-.Ltmp4, $3  }
0x35: {  	_ =	sdelay $0x1  }
0x36: {  	s1 =	sor.u32 s4, s20  }
0x37: {  	s15 =	simm.s32 $0x0;
	s31 =	smov.u32 s20;
	s30 =	smov.u32 s21  }
.LBB2_3:
0x38: {  	s2 =	sadd.s32 s20, s15  }
0x39: {  	s8 =	smulhi.u32 $0xAAAAAAAB, s2;
	_ =	sdelay $0x1  }
0x3a: {  	s8 =	sshrl.u32 s8, $0x1  }
0x3b: {  	s8 =	smul.u32 $0x3, s8;
	_ =	sdelay $0x1  }
0x3c: {  	s2 =	ssub.s32 s2, s8  }
0x3d: {  	p0 =	seq.s32 s2, $0x2  }
.Ltmp5:
0x3e: {  	_ = 	snop;
	(pc) =	sbr.rel @p0 .LBB2_7-.Ltmp5, $1  }
0x3f: {  	_ =	sdelay $0x3  }
0x40: {  	p1 =	seq.s32 s2, $0x1  }
.Ltmp6:
0x41: {  	_ = 	snop;
	(pc) =	sbr.rel @!p1 .LBB2_5-.Ltmp6, $2  }
0x42: {  	_ =	sdelay $0x2  }
0x43: {  	p0 =	sgt.u32 s15, $0x4  }
0x44: {  	_ =	swait.ge [sflag:s23], $0x3800  }
0x45: {  	p1 =	seq.s32 @p0 s15, $0x6;
	[sflag:s23] =	ssyncset.done $0x0  }
0x46: {  	p2 =	por !p1, !p0;
	[sflag:s23] =	ssyncadd.s32 $0xFFFFC800  }
0x47: {  	s2 =	simm.s32 @!p2 $0x70;
	s8 =	simm.s32 @!p2 $0x3F0;
	s9 =	simm.s32 @!p2 $0xE00  }
0x48: {  	[tilespmem:s9], [sflag:$0x1] =	stream.indirect.gather @!p2 [hbm4b:s5+s2], $0x80, s8, s2, $0xb8;
	[tilespmem:$0xE700] =	vst v63  }
0x49: {  	p2 =	por p1, !p0  }
0x4a: {  	p2 =	sne.s32 @!p2 s15, $0x5  }
0x4b: {  	p1 =	por @p0 p2, p1  }
0x4c: {  	p1 =	por p1, !p0  }
0x4d: {  	s2 =	simm.s32 @!p1 $0x5  }
0x4e: {  	_ =	swait.ge @!p1 [sflag:s2], $0x380  }
0x4f: {  	[sflag:s2] =	ssyncset.done @!p1 $0x0  }
0x50: {  	[sflag:s2] =	ssyncadd.s32 @!p1 $0xFFFFFC80  }
0x51: {  	s10 =	smul.u32 @!p0 $0x1C0, s15;
	_ =	swait.ge @!p1 [sflag:s2], $0x380  }
0x52: {  	s8 =	simm.s32 @!p1 $0x380;
	s9 =	simm.s32 @!p1 $0xE00;
	[sflag:s2] =	ssyncset.done @!p1 $0x0  }
.Ltmp7:
0x53: {  	[sflag:s2] =	ssyncadd.s32 @!p1 $0xFFFFFC80;
	s2 =	simm.s32 @!p1 $0x70;
	(pc) =	sbr.rel .LBB2_8-.Ltmp7, $4  }
0x54: {  	[tilespmem:s9], [sflag:$0x1] =	stream.indirect.gather @!p1 [hbm4b:s5+s2], $0x80, s8, s2, $0xb8;
	[tilespmem:$0xE700] =	vst v63  }
0x55: {  	s2 =	sshra.s32 @!p0 s10, $0x2  }
0x56: {  	s8 =	simm.s32 @!p0 $0x70;
	s9 =	simm.s32 @!p0 $0xE00;
	s2 =	sadd.s32 @!p0 $0xE0, s2  }
0x57: {  	[tilespmem:s9], [sflag:$0x1] =	stream.indirect.gather @!p0 [hbm4b:s5+s8], $0x80, s2, s8, $0xb8;
	[tilespmem:$0xE700] =	vst v63  }
.LBB2_7:
0x58: {  	p0 =	sgt.u32 s15, $0x4;
	_ =	swait.ge [sflag:s22], $0x3800  }
0x59: {  	[sflag:s22] =	ssyncset.done $0x0;
	p1 =	seq.s32 @p0 s15, $0x6  }
0x5a: {  	[sflag:s22] =	ssyncadd.s32 $0xFFFFC800;
	p2 =	por !p1, !p0  }
0x5b: {  	s2 =	simm.s32 @!p2 $0x70;
	s8 =	simm.s32 @!p2 $0x3F0;
	s9 =	simm.s32 @!p2 $0x4600  }
0x5c: {  	[tilespmem:s9], [sflag:$0x2] =	stream.indirect.gather @!p2 [hbm4b:s5+s2], $0x80, s8, s2, $0xb8;
	[tilespmem:$0xE700] =	vst v63  }
0x5d: {  	p2 =	por p1, !p0  }
0x5e: {  	p2 =	sne.s32 @!p2 s15, $0x5  }
0x5f: {  	p1 =	por @p0 p2, p1  }
0x60: {  	p1 =	por p1, !p0  }
0x61: {  	s2 =	simm.s32 @!p1 $0x5  }
0x62: {  	_ =	swait.ge @!p1 [sflag:s2], $0x380  }
0x63: {  	[sflag:s2] =	ssyncset.done @!p1 $0x0  }
0x64: {  	[sflag:s2] =	ssyncadd.s32 @!p1 $0xFFFFFC80  }
0x65: {  	s10 =	smul.u32 @!p0 $0x1C0, s15;
	_ =	swait.ge @!p1 [sflag:s2], $0x380  }
0x66: {  	s8 =	simm.s32 @!p1 $0x380;
	s9 =	simm.s32 @!p1 $0x4600;
	[sflag:s2] =	ssyncset.done @!p1 $0x0  }
.Ltmp8:
0x67: {  	[sflag:s2] =	ssyncadd.s32 @!p1 $0xFFFFFC80;
	s2 =	simm.s32 @!p1 $0x70;
	(pc) =	sbr.rel .LBB2_8-.Ltmp8, $4  }
0x68: {  	[tilespmem:s9], [sflag:$0x2] =	stream.indirect.gather @!p1 [hbm4b:s5+s2], $0x80, s8, s2, $0xb8;
	[tilespmem:$0xE700] =	vst v63  }
0x69: {  	s2 =	sshra.s32 @!p0 s10, $0x2  }
0x6a: {  	s8 =	simm.s32 @!p0 $0x70;
	s9 =	simm.s32 @!p0 $0x4600;
	s2 =	sadd.s32 @!p0 $0xE0, s2  }
0x6b: {  	[tilespmem:s9], [sflag:$0x2] =	stream.indirect.gather @!p0 [hbm4b:s5+s8], $0x80, s2, s8, $0xb8;
	[tilespmem:$0xE700] =	vst v63  }
.LBB2_5:
0x6c: {  	_ =	swait.ge [sflag:s24], $0x3800  }
0x6d: {  	p1 =	seq.s32 @p0 s15, $0x6;
	[sflag:s24] =	ssyncset.done $0x0  }
0x6e: {  	p2 =	por !p1, !p0;
	[sflag:s24] =	ssyncadd.s32 $0xFFFFC800  }
0x6f: {  	s2 =	simm.s32 @!p2 $0x70;
	s8 =	simm.s32 @!p2 $0x3F0;
	s9 =	simm.s32 @!p2 $0x7E00  }
0x70: {  	[tilespmem:s9], [sflag:$0x3] =	stream.indirect.gather @!p2 [hbm4b:s5+s2], $0x80, s8, s2, $0xb8;
	[tilespmem:$0xE700] =	vst v63  }
0x71: {  	p2 =	por p1, !p0  }
0x72: {  	p2 =	sne.s32 @!p2 s15, $0x5  }
0x73: {  	p1 =	por @p0 p2, p1  }
0x74: {  	p1 =	por p1, !p0  }
0x75: {  	s2 =	simm.s32 @!p1 $0x5  }
0x76: {  	_ =	swait.ge @!p1 [sflag:s2], $0x380  }
0x77: {  	[sflag:s2] =	ssyncset.done @!p1 $0x0  }
0x78: {  	[sflag:s2] =	ssyncadd.s32 @!p1 $0xFFFFFC80  }
0x79: {  	_ =	swait.ge @!p1 [sflag:s2], $0x380  }
0x7a: {  	s10 =	smul.u32 @!p0 $0x1C0, s15;
	s8 =	simm.s32 @!p1 $0x380;
	[sflag:s2] =	ssyncset.done @!p1 $0x0  }
0x7b: {  	s9 =	simm.s32 @!p1 $0x7E00;
	[sflag:s2] =	ssyncadd.s32 @!p1 $0xFFFFFC80;
	s2 =	simm.s32 @!p1 $0x70  }
0x7c: {  	[tilespmem:s9], [sflag:$0x3] =	stream.indirect.gather @!p1 [hbm4b:s5+s2], $0x80, s8, s2, $0xb8;
	[tilespmem:$0xE700] =	vst v63  }
0x7d: {  	s2 =	sshra.s32 @!p0 s10, $0x2  }
0x7e: {  	s8 =	simm.s32 @!p0 $0x70;
	s9 =	simm.s32 @!p0 $0x7E00;
	s2 =	sadd.s32 @!p0 $0xE0, s2  }
0x7f: {  	[tilespmem:s9], [sflag:$0x3] =	stream.indirect.gather @!p0 [hbm4b:s5+s8], $0x80, s2, s8, $0xb8;
	[tilespmem:$0xE700] =	vst v63  }
.LBB2_8:
0x80: {  	s2 =	smulhi.u32 $0xAAAAAAAB, s31;
	_ =	sdelay $0x1  }
0x81: {  	s2 =	sshrl.u32 s2, $0x1  }
0x82: {  	s2 =	smul.u32 $0xFFFD6000, s2;
	_ =	sdelay $0x1  }
0x83: {  	s9 =	smul.u32 $0x7, s15;
	s2 =	sshra.s32 s2, $0x2  }
0x84: {  	s10 =	simm.s32 $0x0;
	s11 =	simm.s32 $0x0;
	s8 =	sadd.s32 s2, s30  }
.LBB2_9:
0x85: {  	v1 =	vld [tilespmem:s8+$0xFFFFFFC0]  }
0x86: {  	s12 =	sadd.s32 s9, s11;
	v2 =	vld [tilespmem:s8+$0x30]  }
0x87: {  	v5 =	vld [tilespmem:s8+$0xFFFFFFD0];
	s2 =	sshll.u32 s12, $0x4  }
0x88: {  	v6 =	vld [tilespmem:s8+$0x10];
	s2 =	sand.u32 $0x3FFFFFF0, s2  }
0x89: {  	v3 =	vld [tilespmem:s2+$0x700]  }
0x8a: {  	v10 =	vld [tilespmem:s8+$0x20]  }
0x8b: {  	v8 =	vld [tilespmem:s8+$0xFFFFFFE0];
	v0 =	vmov s10;
	v4 =	vimm.f32 $0.0e+00;
	v19 =	vimm.f32 $0.0e+00  }
0x8c: {  	v15 =	vimm.f32 $0.0e+00;
	v16 =	vimm.f32 $0.0e+00;
	v20 =	vimm.f32 $0.0e+00  }
0x8d: {  	v7 =	vshll.u32 v1, $0x10;
	v1 =	vand.u32 $0xFFFF0000, v1;
	v9 =	vand.u32 $0xFFFF0000, v5  }
0x8e: {  	v11 =	vand.u32 $0xFFFF0000, v2;
	v18 =	vshll.u32 v6, $0x10;
	v0 =	vperm.xlane v3, v0  }
0x8f: {  	v17 =	vld [tilespmem:s8+$0xFFFFFFF0];
	v6 =	vand.u32 $0xFFFF0000, v6;
	v5 =	vshll.u32 v5, $0x10;
	v22 =	vshll.u32 v10, $0x10  }
0x90: {  	v23 =	vand.u32 $0xFFFF0000, v10;
	v26 =	vand.u32 $0xFFFF0000, v8;
	v14 =	vmul.f32 v1, v0  }
0x91: {  	v10 =	vimm.f32 $0.0e+00;
	v11 =	vmul.f32 v11, v0;
	v6 =	vmul.f32 v6, v0  }
0x92: {  	v12 =	vld [tilespmem:s8+$0x0];
	v1 =	vshll.u32 v8, $0x10;
	v7 =	vmul.f32 v7, v0;
	v25 =	vmul.f32 v5, v0  }
0x93: {  	v8 =	vimm.f32 $0.0e+00;
	v24 =	vmul.f32 v1, v0;
	v1 =	vshll.u32 v2, $0x10  }
0x94: {  	v13 =	vmul.f32 v1, v0;
	v2 =	vadd.f32 v6, v4;
	v6 =	vand.u32 $0xFFFF0000, v17  }
0x95: {  	v1 =	vadd.f32 v11, v4;
	v11 =	vimm.f32 $0.0e+00;
	v21 =	vmul.f32 v6, v0  }
0x96: {  	v5 =	vadd.f32 v13, v4;
	v13 =	vadd.f32 v7, v4;
	v7 =	vmul.f32 v9, v0  }
0x97: {  	v6 =	vadd.f32 v14, v4;
	v14 =	vimm.f32 $0.0e+00;
	v9 =	vshll.u32 v12, $0x10  }
0x98: {  	s29 =	simm.s32 $0x1;
	s2 =	sadd.s32 $0x80, s8;
	v27 =	vmul.f32 v9, v0;
	v9 =	vimm.f32 $0.0e+00;
	v7 =	vadd.f32 v7, v4  }
.LBB2_10:
0x99: {  	v28 =	vld [tilespmem:s2+$0xFFFFFFC0];
	p0 =	sne.s32 s29, $0xF;
	v4 =	vadd.f32 v24, v4;
	v24 =	vmul.f32 v26, v0;
	v12 =	vand.u32 $0xFFFF0000, v12;
	s26 =	smov.u32 s29;
	s29 =	sadd.s32 $0x1, s29  }
0x9a: {  	v19 =	vadd.f32 v25, v19;
	v17 =	vshll.u32 v17, $0x10;
	v26 =	vld [tilespmem:s2+$0x30];
	v15 =	vadd.f32 v27, v15  }
0x9b: {  	v18 =	vmul.f32 v18, v0;
	v22 =	vmul.f32 v22, v0;
	v25 =	vld [tilespmem:s2+$0xFFFFFFD0];
	v10 =	vadd.f32 v24, v10  }
0x9c: {  	v8 =	vadd.f32 v21, v8;
	v23 =	vmul.f32 v23, v0;
	v21 =	vmul.f32 v12, v0;
	v24 =	vld [tilespmem:s2+$0x10]  }
0x9d: {  	v27 =	vmov s26;
	v30 =	vmul.f32 v17, v0;
	v14 =	vadd.f32 v22, v14;
	v29 =	vld [tilespmem:s2+$0xFFFFFFE0]  }
0x9e: {  	v16 =	vadd.f32 v18, v16;
	v22 =	vshll.u32 v28, $0x10;
	v28 =	vand.u32 $0xFFFF0000, v28;
	v12 =	vld [tilespmem:s2+$0x0]  }
0x9f: {  	v0 =	vperm.xlane v3, v27;
	v9 =	vadd.f32 v23, v9;
	v11 =	vadd.f32 v21, v11;
	v17 =	vld [tilespmem:s2+$0xFFFFFFF0]  }
0xa0: {  	v20 =	vadd.f32 v30, v20;
	v27 =	vand.u32 $0xFFFF0000, v26;
	v21 =	vand.u32 $0xFFFF0000, v25;
	v23 =	vld [tilespmem:s2+$0x20]  }
0xa1: {  	v28 =	vmul.f32 v28, v0;
	v18 =	vshll.u32 v24, $0x10  }
0xa2: {  	v27 =	vmul.f32 v27, v0;
	v31 =	vand.u32 $0xFFFF0000, v24;
	v30 =	vshll.u32 v29, $0x10  }
0xa3: {  	v26 =	vshll.u32 v26, $0x10;
	v24 =	vmul.f32 v30, v0;
	v30 =	vmul.f32 v31, v0  }
0xa4: {  	v25 =	vshll.u32 v25, $0x10;
	v26 =	vmul.f32 v26, v0;
	v1 =	vadd.f32 v27, v1  }
.Ltmp9:
0xa5: {  	v27 =	vmul.f32 v22, v0;
	v2 =	vadd.f32 v30, v2;
	v22 =	vshll.u32 v23, $0x10;
	(pc) =	sbr.rel @p0 .LBB2_10-.Ltmp9, $4  }
0xa6: {  	v25 =	vmul.f32 v25, v0;
	v5 =	vadd.f32 v26, v5;
	v30 =	vand.u32 $0xFFFF0000, v17  }
0xa7: {  	v26 =	vmul.f32 v21, v0;
	v13 =	vadd.f32 v27, v13;
	v21 =	vmul.f32 v30, v0  }
0xa8: {  	v6 =	vadd.f32 v28, v6;
	v27 =	vshll.u32 v12, $0x10;
	v23 =	vand.u32 $0xFFFF0000, v23  }
0xa9: {  	s2 =	sadd.s32 $0x80, s2;
	v7 =	vadd.f32 v26, v7;
	v26 =	vand.u32 $0xFFFF0000, v29;
	v27 =	vmul.f32 v27, v0  }
0xaa: {  	s2 =	sshll.u32 s12, $0x8  }
0xab: {  	v55 =	vadd.f32 v25, v19;
	s2 =	sand.u32 $0x3FFFFF00, s2  }
0xac: {  	v4 =	vadd.f32 v24, v4;
	[tilespmem:s2+$0xB600] =	vst v13  }
0xad: {  	[tilespmem:s2+$0xB610] =	vst v55  }
0xae: {  	[tilespmem:s2+$0xB620] =	vst v4  }
0xaf: {  	[tilespmem:s2+$0xB670] =	vst v5  }
0xb0: {  	v62 =	vadd.f32 v21, v8;
	[tilespmem:s2+$0xB680] =	vst v6  }
0xb1: {  	[tilespmem:s2+$0xB690] =	vst v7  }
0xb2: {  	v3 =	vshll.u32 v17, $0x10;
	v56 =	vmul.f32 v18, v0;
	[tilespmem:s2+$0xB6B0] =	vst v62  }
0xb3: {  	v3 =	vmul.f32 v3, v0;
	v15 =	vadd.f32 v27, v15;
	[tilespmem:s2+$0xB6D0] =	vst v2  }
0xb4: {  	v57 =	vmul.f32 v22, v0;
	v58 =	vadd.f32 v56, v16;
	[tilespmem:s2+$0xB6F0] =	vst v1  }
0xb5: {  	v60 =	vmul.f32 v26, v0;
	s11 =	sadd.s32 $0x1, s11;
	v3 =	vadd.f32 v3, v20;
	[tilespmem:s2+$0xB640] =	vst v15  }
0xb6: {  	v61 =	vand.u32 $0xFFFF0000, v12;
	v63 =	vmul.f32 v23, v0;
	p0 =	sne.s32 s11, $0x7;
	v59 =	vadd.f32 v57, v14;
	[tilespmem:s2+$0xB650] =	vst v58  }
.Ltmp10:
0xb7: {  	v4 =	vadd.f32 v60, v10;
	[tilespmem:s2+$0xB630] =	vst v3;
	v3 =	vmul.f32 v61, v0;
	(pc) =	sbr.rel @p0 .LBB2_9-.Ltmp10, $4  }
0xb8: {  	[tilespmem:s2+$0xB660] =	vst v59;
	v0 =	vadd.f32 v63, v9  }
0xb9: {  	[tilespmem:s2+$0xB6A0] =	vst v4;
	v3 =	vadd.f32 v3, v11  }
0xba: {  	[tilespmem:s2+$0xB6E0] =	vst v0  }
0xbb: {  	s8 =	sadd.s32 $0x800, s8;
	[tilespmem:s2+$0xB6C0] =	vst v3  }
0xbc: {  	s15 =	sadd.s32 $0x1, s15  }
0xbd: {  	p0 =	sne.s32 s15, $0x7  }
.Ltmp11:
0xbe: {  	_ = 	snop;
	(pc) =	sbr.rel @p0 .LBB2_3-.Ltmp11, $2  }
0xbf: {  	_ =	sdelay $0x2  }
0xc0: {  	s30 =	sadd.s32 $0x3800, s30;
	s31 =	sadd.s32 $0x1, s31  }
0xc1: {  	p0 =	sgt.u32 s20, $0x1D  }
0xc2: {  	s2 =	sadd.s32 @!p0 $0x2, s1  }
0xc3: {  	s8 =	sshrl.u32 @!p0 s2, $0x3  }
0xc4: {  	s2 =	sshll.u32 @!p0 s2, $0x7;
	s8 =	smul.u32 @!p0 $0x1C00, s8  }
0xc5: {  	s2 =	sand.u32 @!p0 $0x300, s2  }
0xc6: {  	s2 =	sor.u32 @!p0 s2, s8  }
0xc7: {  	s9 =	simm.s32 @!p0 $0x80;
	s2 =	sshrl.u32 @!p0 s2, $0x3  }
0xc8: {  	s10 =	simm.s32 @!p0 $0x400;
	s11 =	simm.s32 @!p0 $0x0;
	s8 =	sadd.s32 @!p0 s6, s2  }
0xc9: {  	[tilespmem:s11], [sflag:$0x4] =	stream.strided.gather @!p0 [hbm4b:s8+s9], $0x380, s10, s9, $0x38;
	[tilespmem:$0xE700] =	vst v63  }
0xca: {  	s2 =	sadd.s32 @!p0 s7, s2;
	s8 =	simm.s32 @!p0 $0x700  }
0xcb: {  	[tilespmem:s8], [sflag:$0x4] =	stream.strided.gather @!p0 [hbm4b:s2+s9], $0x380, s10, s9, $0x38;
	[tilespmem:$0xE700] =	vst v63  }
0xcc: {  	p0 =	seq.s32 s0, $0x0  }
.Ltmp12:
0xcd: {  	_ = 	snop;
	(pc) =	sbr.rel @p0 .LBB2_38-.Ltmp12, $1  }
0xce: {  	_ =	sdelay $0x3  }
.LBB2_14:
0xcf: {  	s0 =	simm.s32 $0x0  }
0xd0: {  	p0 =	seq.s32 s20, $0x1F;
	s15 =	smov.u32 s20;
	s31 =	smov.u32 s21  }
.LBB2_15:
0xd1: {  	s2 =	sadd.s32 s20, s0  }
0xd2: {  	s8 =	smulhi.u32 $0xAAAAAAAB, s2;
	_ =	sdelay $0x1  }
0xd3: {  	s8 =	sshrl.u32 s8, $0x1  }
0xd4: {  	s8 =	smul.u32 $0x3, s8;
	_ =	sdelay $0x1  }
0xd5: {  	s2 =	ssub.s32 s2, s8  }
0xd6: {  	p1 =	seq.s32 s2, $0x2  }
.Ltmp13:
0xd7: {  	_ = 	snop;
	(pc) =	sbr.rel @p1 .LBB2_27-.Ltmp13, $1  }
0xd8: {  	_ =	sdelay $0x3  }
0xd9: {  	p2 =	seq.s32 s2, $0x1  }
.Ltmp14:
0xda: {  	_ = 	snop;
	(pc) =	sbr.rel @!p2 .LBB2_17-.Ltmp14, $2  }
0xdb: {  	_ =	sdelay $0x2  }
0xdc: {  	p1 =	sgt.u32 s0, $0x4  }
.Ltmp15:
0xdd: {  	(pc) =	sbr.rel @p1 .LBB2_24-.Ltmp15, $4  }
0xde: {  	_ = 	snop  }
0xdf: {  	_ =	swait.ge [sflag:s23], $0x3800  }
0xe0: {  	[sflag:s23] =	ssyncset.done $0x0  }
0xe1: {  	[sflag:s23] =	ssyncadd.s32 $0xFFFFC800  }
0xe2: {  	s2 =	smul.u32 $0x1C0, s0  }
.Ltmp16:
0xe3: {  	_ = 	snop;
	(pc) =	sbr.rel .LBB2_32-.Ltmp16, $4  }
0xe4: {  	_ = 	snop  }
0xe5: {  	s2 =	sshra.s32 s2, $0x2  }
0xe6: {  	s2 =	sadd.s32 $0x460, s2  }
0xe7: {  	[tilespmem:s18], [sflag:$0x1] =	stream.indirect.gather [hbm4b:s5+s17], $0x80, s2, s17, $0xb8;
	[tilespmem:$0xE700] =	vst v63  }
.LBB2_27:
0xe8: {  	p1 =	sgt.u32 s0, $0x4  }
.Ltmp17:
0xe9: {  	_ = 	snop;
	(pc) =	sbr.rel @p1 .LBB2_29-.Ltmp17, $4  }
0xea: {  	_ = 	snop  }
0xeb: {  	_ =	swait.ge [sflag:s22], $0x3800  }
0xec: {  	[sflag:s22] =	ssyncset.done $0x0  }
0xed: {  	[sflag:s22] =	ssyncadd.s32 $0xFFFFC800  }
0xee: {  	s2 =	smul.u32 $0x1C0, s0  }
.Ltmp18:
0xef: {  	_ = 	snop;
	(pc) =	sbr.rel .LBB2_32-.Ltmp18, $4  }
0xf0: {  	_ = 	snop  }
0xf1: {  	s2 =	sshra.s32 s2, $0x2  }
0xf2: {  	s2 =	sadd.s32 $0x460, s2  }
0xf3: {  	[tilespmem:s19], [sflag:$0x2] =	stream.indirect.gather [hbm4b:s5+s17], $0x80, s2, s17, $0xb8;
	[tilespmem:$0xE700] =	vst v63  }
.LBB2_17:
.Ltmp19:
0xf4: {  	(pc) =	sbr.rel @p1 .LBB2_19-.Ltmp19, $4  }
0xf5: {  	_ = 	snop  }
0xf6: {  	_ =	swait.ge [sflag:s24], $0x3800  }
0xf7: {  	[sflag:s24] =	ssyncset.done $0x0  }
0xf8: {  	[sflag:s24] =	ssyncadd.s32 $0xFFFFC800  }
0xf9: {  	s2 =	smul.u32 $0x1C0, s0  }
.Ltmp20:
0xfa: {  	_ = 	snop;
	(pc) =	sbr.rel .LBB2_32-.Ltmp20, $4  }
0xfb: {  	_ = 	snop  }
0xfc: {  	s2 =	sshra.s32 s2, $0x2  }
0xfd: {  	s2 =	sadd.s32 $0x460, s2  }
0xfe: {  	[tilespmem:s25], [sflag:$0x3] =	stream.indirect.gather [hbm4b:s5+s17], $0x80, s2, s17, $0xb8;
	[tilespmem:$0xE700] =	vst v63  }
.LBB2_24:
0xff: {  	p1 =	sne.s32 @!p0 s0, $0x5  }
0x100: {  	p1 =	por p0, p1  }
.Ltmp21:
0x101: {  	_ = 	snop;
	(pc) =	sbr.rel @p1 .LBB2_26-.Ltmp21, $1  }
0x102: {  	_ =	sdelay $0x3  }
0x103: {  	_ =	swait.ge [sflag:s16], $0x380  }
0x104: {  	[sflag:s16] =	ssyncset.done $0x0  }
.Ltmp22:
0x105: {  	[sflag:s16] =	ssyncadd.s32 $0xFFFFFC80;
	(pc) =	sbr.rel .LBB2_32-.Ltmp22, $4  }
0x106: {  	_ =	swait.ge [sflag:s16], $0x380  }
0x107: {  	[sflag:s16] =	ssyncset.done $0x0  }
0x108: {  	[sflag:s16] =	ssyncadd.s32 $0xFFFFFC80  }
0x109: {  	[tilespmem:s18], [sflag:$0x1] =	stream.indirect.gather [hbm4b:s5+s17], $0x80, s3, s17, $0xb8;
	[tilespmem:$0xE700] =	vst v63  }
.LBB2_29:
0x10a: {  	p1 =	sne.s32 @!p0 s0, $0x5  }
0x10b: {  	p1 =	por p0, p1  }
.Ltmp23:
0x10c: {  	_ = 	snop;
	(pc) =	sbr.rel @p1 .LBB2_31-.Ltmp23, $1  }
0x10d: {  	_ =	sdelay $0x3  }
0x10e: {  	_ =	swait.ge [sflag:s16], $0x380  }
0x10f: {  	[sflag:s16] =	ssyncset.done $0x0  }
.Ltmp24:
0x110: {  	[sflag:s16] =	ssyncadd.s32 $0xFFFFFC80;
	(pc) =	sbr.rel .LBB2_32-.Ltmp24, $4  }
0x111: {  	_ =	swait.ge [sflag:s16], $0x380  }
0x112: {  	[sflag:s16] =	ssyncset.done $0x0  }
0x113: {  	[sflag:s16] =	ssyncadd.s32 $0xFFFFFC80  }
0x114: {  	[tilespmem:s19], [sflag:$0x2] =	stream.indirect.gather [hbm4b:s5+s17], $0x80, s3, s17, $0xb8;
	[tilespmem:$0xE700] =	vst v63  }
.LBB2_19:
0x115: {  	p1 =	sne.s32 @!p0 s0, $0x5  }
0x116: {  	p1 =	por p0, p1  }
.Ltmp25:
0x117: {  	_ = 	snop;
	(pc) =	sbr.rel @p1 .LBB2_21-.Ltmp25, $1  }
0x118: {  	_ =	sdelay $0x3  }
0x119: {  	_ =	swait.ge [sflag:s16], $0x380  }
0x11a: {  	[sflag:s16] =	ssyncset.done $0x0  }
.Ltmp26:
0x11b: {  	[sflag:s16] =	ssyncadd.s32 $0xFFFFFC80;
	(pc) =	sbr.rel .LBB2_32-.Ltmp26, $4  }
0x11c: {  	_ =	swait.ge [sflag:s16], $0x380  }
0x11d: {  	[sflag:s16] =	ssyncset.done $0x0  }
0x11e: {  	[sflag:s16] =	ssyncadd.s32 $0xFFFFFC80  }
0x11f: {  	[tilespmem:s25], [sflag:$0x3] =	stream.indirect.gather [hbm4b:s5+s17], $0x80, s3, s17, $0xb8;
	[tilespmem:$0xE700] =	vst v63  }
.LBB2_26:
.Ltmp27:
0x120: {  	(pc) =	sbr.rel .LBB2_32-.Ltmp27, $4  }
0x121: {  	p1 =	sne.s32 @!p0 s0, $0x6  }
0x122: {  	p1 =	por p1, p0  }
0x123: {  	s2 =	simm.s32 @!p1 $0x70;
	s8 =	simm.s32 @!p1 $0xE00  }
0x124: {  	[tilespmem:s8], [sflag:$0x1] =	stream.indirect.gather @!p1 [hbm4b:s5+s2], $0x80, s2, s2, $0xb8;
	[tilespmem:$0xE700] =	vst v63  }
.LBB2_31:
.Ltmp28:
0x125: {  	(pc) =	sbr.rel .LBB2_32-.Ltmp28, $4  }
0x126: {  	p1 =	sne.s32 @!p0 s0, $0x6  }
0x127: {  	p1 =	por p1, p0  }
0x128: {  	s2 =	simm.s32 @!p1 $0x70;
	s8 =	simm.s32 @!p1 $0x4600  }
0x129: {  	[tilespmem:s8], [sflag:$0x2] =	stream.indirect.gather @!p1 [hbm4b:s5+s2], $0x80, s2, s2, $0xb8;
	[tilespmem:$0xE700] =	vst v63  }
.LBB2_21:
0x12a: {  	p1 =	sne.s32 @!p0 s0, $0x6  }
0x12b: {  	p1 =	por p1, p0  }
0x12c: {  	s2 =	simm.s32 @!p1 $0x70;
	s8 =	simm.s32 @!p1 $0x7E00  }
0x12d: {  	[tilespmem:s8], [sflag:$0x3] =	stream.indirect.gather @!p1 [hbm4b:s5+s2], $0x80, s2, s2, $0xb8;
	[tilespmem:$0xE700] =	vst v63  }
.LBB2_32:
0x12e: {  	s2 =	smulhi.u32 $0xAAAAAAAB, s15;
	_ =	sdelay $0x1  }
0x12f: {  	s2 =	sshrl.u32 s2, $0x1  }
0x130: {  	s2 =	smul.u32 $0xFFFD6000, s2;
	_ =	sdelay $0x1  }
0x131: {  	s9 =	smul.u32 $0x7, s0;
	s2 =	sshra.s32 s2, $0x2  }
0x132: {  	s10 =	simm.s32 $0x0;
	s11 =	simm.s32 $0x0;
	s8 =	sadd.s32 s2, s31  }
.LBB2_33:
0x133: {  	v1 =	vld [tilespmem:s8+$0xFFFFFFC0]  }
0x134: {  	s12 =	sadd.s32 s9, s11;
	v2 =	vld [tilespmem:s8+$0x30]  }
0x135: {  	v5 =	vld [tilespmem:s8+$0xFFFFFFD0];
	s2 =	sshll.u32 s12, $0x4  }
0x136: {  	v6 =	vld [tilespmem:s8+$0x10];
	s2 =	sand.u32 $0x3FFFFFF0, s2  }
0x137: {  	v3 =	vld [tilespmem:s2+$0xA80]  }
0x138: {  	v10 =	vld [tilespmem:s8+$0x20]  }
0x139: {  	v8 =	vld [tilespmem:s8+$0xFFFFFFE0];
	v0 =	vmov s10;
	v4 =	vimm.f32 $0.0e+00;
	v19 =	vimm.f32 $0.0e+00  }
0x13a: {  	v15 =	vimm.f32 $0.0e+00;
	v16 =	vimm.f32 $0.0e+00;
	v20 =	vimm.f32 $0.0e+00  }
0x13b: {  	v7 =	vshll.u32 v1, $0x10;
	v1 =	vand.u32 $0xFFFF0000, v1;
	v9 =	vand.u32 $0xFFFF0000, v5  }
0x13c: {  	v11 =	vand.u32 $0xFFFF0000, v2;
	v18 =	vshll.u32 v6, $0x10;
	v0 =	vperm.xlane v3, v0  }
0x13d: {  	v17 =	vld [tilespmem:s8+$0xFFFFFFF0];
	v6 =	vand.u32 $0xFFFF0000, v6;
	v5 =	vshll.u32 v5, $0x10;
	v22 =	vshll.u32 v10, $0x10  }
0x13e: {  	v23 =	vand.u32 $0xFFFF0000, v10;
	v26 =	vand.u32 $0xFFFF0000, v8;
	v14 =	vmul.f32 v1, v0  }
0x13f: {  	v10 =	vimm.f32 $0.0e+00;
	v11 =	vmul.f32 v11, v0;
	v6 =	vmul.f32 v6, v0  }
0x140: {  	v12 =	vld [tilespmem:s8+$0x0];
	v1 =	vshll.u32 v8, $0x10;
	v7 =	vmul.f32 v7, v0;
	v25 =	vmul.f32 v5, v0  }
0x141: {  	v8 =	vimm.f32 $0.0e+00;
	v24 =	vmul.f32 v1, v0;
	v1 =	vshll.u32 v2, $0x10  }
0x142: {  	v13 =	vmul.f32 v1, v0;
	v2 =	vadd.f32 v6, v4;
	v6 =	vand.u32 $0xFFFF0000, v17  }
0x143: {  	v1 =	vadd.f32 v11, v4;
	v11 =	vimm.f32 $0.0e+00;
	v21 =	vmul.f32 v6, v0  }
0x144: {  	v5 =	vadd.f32 v13, v4;
	v13 =	vadd.f32 v7, v4;
	v7 =	vmul.f32 v9, v0  }
0x145: {  	v6 =	vadd.f32 v14, v4;
	v14 =	vimm.f32 $0.0e+00;
	v9 =	vshll.u32 v12, $0x10  }
0x146: {  	s29 =	simm.s32 $0x1;
	s2 =	sadd.s32 $0x80, s8;
	v27 =	vmul.f32 v9, v0;
	v9 =	vimm.f32 $0.0e+00;
	v7 =	vadd.f32 v7, v4  }
.LBB2_34:
0x147: {  	v28 =	vld [tilespmem:s2+$0xFFFFFFC0];
	p1 =	sne.s32 s29, $0xF;
	v4 =	vadd.f32 v24, v4;
	v24 =	vmul.f32 v26, v0;
	v12 =	vand.u32 $0xFFFF0000, v12;
	s26 =	smov.u32 s29;
	s29 =	sadd.s32 $0x1, s29  }
0x148: {  	v19 =	vadd.f32 v25, v19;
	v17 =	vshll.u32 v17, $0x10;
	v26 =	vld [tilespmem:s2+$0x30];
	v15 =	vadd.f32 v27, v15  }
0x149: {  	v18 =	vmul.f32 v18, v0;
	v22 =	vmul.f32 v22, v0;
	v25 =	vld [tilespmem:s2+$0xFFFFFFD0];
	v10 =	vadd.f32 v24, v10  }
0x14a: {  	v8 =	vadd.f32 v21, v8;
	v23 =	vmul.f32 v23, v0;
	v21 =	vmul.f32 v12, v0;
	v24 =	vld [tilespmem:s2+$0x10]  }
0x14b: {  	v27 =	vmov s26;
	v30 =	vmul.f32 v17, v0;
	v14 =	vadd.f32 v22, v14;
	v29 =	vld [tilespmem:s2+$0xFFFFFFE0]  }
0x14c: {  	v16 =	vadd.f32 v18, v16;
	v22 =	vshll.u32 v28, $0x10;
	v28 =	vand.u32 $0xFFFF0000, v28;
	v12 =	vld [tilespmem:s2+$0x0]  }
0x14d: {  	v0 =	vperm.xlane v3, v27;
	v9 =	vadd.f32 v23, v9;
	v11 =	vadd.f32 v21, v11;
	v17 =	vld [tilespmem:s2+$0xFFFFFFF0]  }
0x14e: {  	v20 =	vadd.f32 v30, v20;
	v27 =	vand.u32 $0xFFFF0000, v26;
	v21 =	vand.u32 $0xFFFF0000, v25;
	v23 =	vld [tilespmem:s2+$0x20]  }
0x14f: {  	v28 =	vmul.f32 v28, v0;
	v18 =	vshll.u32 v24, $0x10  }
0x150: {  	v27 =	vmul.f32 v27, v0;
	v31 =	vand.u32 $0xFFFF0000, v24;
	v30 =	vshll.u32 v29, $0x10  }
0x151: {  	v26 =	vshll.u32 v26, $0x10;
	v24 =	vmul.f32 v30, v0;
	v30 =	vmul.f32 v31, v0  }
0x152: {  	v25 =	vshll.u32 v25, $0x10;
	v26 =	vmul.f32 v26, v0;
	v1 =	vadd.f32 v27, v1  }
.Ltmp29:
0x153: {  	v27 =	vmul.f32 v22, v0;
	v2 =	vadd.f32 v30, v2;
	v22 =	vshll.u32 v23, $0x10;
	(pc) =	sbr.rel @p1 .LBB2_34-.Ltmp29, $4  }
0x154: {  	v25 =	vmul.f32 v25, v0;
	v5 =	vadd.f32 v26, v5;
	v30 =	vand.u32 $0xFFFF0000, v17  }
0x155: {  	v26 =	vmul.f32 v21, v0;
	v13 =	vadd.f32 v27, v13;
	v21 =	vmul.f32 v30, v0  }
0x156: {  	v6 =	vadd.f32 v28, v6;
	v27 =	vshll.u32 v12, $0x10;
	v23 =	vand.u32 $0xFFFF0000, v23  }
0x157: {  	s2 =	sadd.s32 $0x80, s2;
	v7 =	vadd.f32 v26, v7;
	v26 =	vand.u32 $0xFFFF0000, v29;
	v27 =	vmul.f32 v27, v0  }
0x158: {  	s2 =	sshll.u32 s12, $0x8  }
0x159: {  	v55 =	vadd.f32 v25, v19;
	s2 =	sand.u32 $0x3FFFFF00, s2  }
0x15a: {  	v4 =	vadd.f32 v24, v4;
	[tilespmem:s2+$0xB600] =	vst v13  }
0x15b: {  	[tilespmem:s2+$0xB610] =	vst v55  }
0x15c: {  	[tilespmem:s2+$0xB620] =	vst v4  }
0x15d: {  	[tilespmem:s2+$0xB670] =	vst v5  }
0x15e: {  	v62 =	vadd.f32 v21, v8;
	[tilespmem:s2+$0xB680] =	vst v6  }
0x15f: {  	[tilespmem:s2+$0xB690] =	vst v7  }
0x160: {  	v3 =	vshll.u32 v17, $0x10;
	v56 =	vmul.f32 v18, v0;
	[tilespmem:s2+$0xB6B0] =	vst v62  }
0x161: {  	v3 =	vmul.f32 v3, v0;
	v15 =	vadd.f32 v27, v15;
	[tilespmem:s2+$0xB6D0] =	vst v2  }
0x162: {  	v57 =	vmul.f32 v22, v0;
	v58 =	vadd.f32 v56, v16;
	[tilespmem:s2+$0xB6F0] =	vst v1  }
0x163: {  	v60 =	vmul.f32 v26, v0;
	s11 =	sadd.s32 $0x1, s11;
	v3 =	vadd.f32 v3, v20;
	[tilespmem:s2+$0xB640] =	vst v15  }
0x164: {  	v61 =	vand.u32 $0xFFFF0000, v12;
	v63 =	vmul.f32 v23, v0;
	p1 =	sne.s32 s11, $0x7;
	v59 =	vadd.f32 v57, v14;
	[tilespmem:s2+$0xB650] =	vst v58  }
.Ltmp30:
0x165: {  	v4 =	vadd.f32 v60, v10;
	[tilespmem:s2+$0xB630] =	vst v3;
	v3 =	vmul.f32 v61, v0;
	(pc) =	sbr.rel @p1 .LBB2_33-.Ltmp30, $4  }
0x166: {  	[tilespmem:s2+$0xB660] =	vst v59;
	v0 =	vadd.f32 v63, v9  }
0x167: {  	[tilespmem:s2+$0xB6A0] =	vst v4;
	v3 =	vadd.f32 v3, v11  }
0x168: {  	[tilespmem:s2+$0xB6E0] =	vst v0  }
0x169: {  	s8 =	sadd.s32 $0x800, s8;
	[tilespmem:s2+$0xB6C0] =	vst v3  }
0x16a: {  	s0 =	sadd.s32 $0x1, s0  }
0x16b: {  	p1 =	sne.s32 s0, $0x7  }
.Ltmp31:
0x16c: {  	_ = 	snop;
	(pc) =	sbr.rel @p1 .LBB2_15-.Ltmp31, $2  }
0x16d: {  	_ =	sdelay $0x2  }
0x16e: {  	s31 =	sadd.s32 $0x3800, s31;
	s15 =	sadd.s32 $0x1, s15  }
0x16f: {  	p0 =	sgt.u32 s20, $0x1D  }
0x170: {  	s0 =	sadd.s32 @!p0 $0x2, s1  }
0x171: {  	s2 =	sshrl.u32 @!p0 s0, $0x3  }
0x172: {  	s0 =	sshll.u32 @!p0 s0, $0x7;
	s2 =	smul.u32 @!p0 $0x1C00, s2  }
0x173: {  	s0 =	sand.u32 @!p0 $0x380, s0  }
0x174: {  	s0 =	sor.u32 @!p0 s0, s2  }
.Ltmp32:
0x175: {  	s8 =	simm.s32 @!p0 $0x80;
	s0 =	sshrl.u32 @!p0 s0, $0x3;
	(pc) =	sbr.rel .LBB2_38-.Ltmp32, $4  }
0x176: {  	s9 =	simm.s32 @!p0 $0x400;
	s10 =	simm.s32 @!p0 $0x380;
	s2 =	sadd.s32 @!p0 s6, s0  }
0x177: {  	[tilespmem:s10], [sflag:$0x5] =	stream.strided.gather @!p0 [hbm4b:s2+s8], $0x380, s9, s8, $0x38;
	[tilespmem:$0xE700] =	vst v63  }
0x178: {  	s0 =	sadd.s32 @!p0 s7, s0;
	s2 =	simm.s32 @!p0 $0xA80  }
0x179: {  	[tilespmem:s2], [sflag:$0x5] =	stream.strided.gather @!p0 [hbm4b:s0+s8], $0x380, s9, s8, $0x38;
	[tilespmem:$0xE700] =	vst v63  }
.LBB2_40:
0x17a: {  	_ =	sfence.sel $0x180000  }
0x17b: {  	[bflag:$0x0] =	sbarrier.arrive $0xFFFF  }
0x17c: {  	_ =	strace $0x9000004A  }
0x17d: {  	s0 =	stileid.u32;
	[bflag:$0x2] =	sbarrier.arrive $0xFFFF  }
0x17e: {  	p0 =	sne.s32 s0, $0x0;
	s0 =	rddreg [dreg:$0x2]  }
0x17f: {  	s0 =	sadd.s32 @!p0 $0x100000, s0  }
0x180: {  	[sflag:s0] =	ssyncadd.tile.s32 @!p0 $0x1;
	_ =	shalt  }
.Lfunc_end2:
_tile_overlayer_lowered:
.L_overlay_start_2:
0x181: {  	(tag) =	ssettag $0x2  }
0x182: {  	s0 =	rddreg [dreg:$0x0];
	s2 =	stileid.u32  }
0x183: {  	s1 =	rddreg [dreg:$0x1];
	p0 =	sne.s32 s2, $0x0  }
0x184: {  	s3 =	rddreg [dreg:$0x2];
	[bflag:$0x3] =	sbarrier.arrive $0xFFFF;
	s2 =	simm.s32 @!p0 $0x1C06  }
0x185: {  	[timem:s3], [sflag:s2] =	dma.local @!p0 [hbm:s0], s1  }
0x186: {  	s0 =	simm.s32 @!p0 $0x6  }
0x187: {  	_ =	swait.ge @!p0 [sflag:s0], s1  }
0x188: {  	s1 =	ssub.s32 @!p0 $0x0, s1;
	[sflag:s0] =	ssyncset.done @!p0 $0x0  }
0x189: {  	[sflag:s0] =	ssyncadd.s32 @!p0 s1  }
0x18a: {  	[bflag:$0x3] =	sbarrier.arrive $0xFFFF  }
0x18b: {  	_ =	shalt  }

// kernel: sparse-core-data-format-call.1.cloned.1.call-start
scs
called_computation.1_lowered:
.L_overlay_start_0:
0x0: {  	s1 =	sld [smem:$0x3FD9]  }
0x1: {  	s2 =	sld [smem:$0x3FFE];
	_ =	sdelay $0x1  }
0x2: {  	s3 =	srdreg.scid  }
0x3: {  	s0 =	sand.u32 $0x1, s3  }
0x4: {  	s17 =	sshll.u32 s0, $0xA;
	s1 =	sadd.s32 s2, s1  }
0x5: {  	s1 =	sadd.s32 s1, s17  }
0x6: {  	[smem:$0x3FC2] =	sst s1  }
0x7: {  	_ = 	snop  }
0x8: {  	(tm) =	ssettm $0x1  }
0x9: {  	s18 =	sld [smem:$0x3FFB];
	_ =	sdelay $0x3  }
0xa: {  	_ =	strace s18  }
0xb: {  	s1 =	sld [smem:$0x3FFC];
	_ =	sdelay $0x3  }
0xc: {  	_ =	strace s1  }
0xd: {  	s1 =	sld [smem:$0x3FFD];
	_ =	sdelay $0x3  }
0xe: {  	_ =	strace s1  }
0xf: {  	_ =	strace $0x8FFFFFFF  }
0x10: {  	s19 =	sld [smem:$0x3FDB];
	_ =	sdelay $0x1  }
0x11: {  	s20 =	simm.s32 $_scs_section_size  }
0x12: {  	s4 =	simm.s32 $_size__tile_overlayer_lowered;
	s5 =	simm.s32 $_tile_overlayer_lowered  }
0x13: {  	s23 =	simm.s32 $0x1BFF;
	s22 =	sshll.u32 s5, $0x1;
	s1 =	sadd.s32 s20, s19  }
0x14: {  	s6 =	simm.s32 $0x0;
	s21 =	sshll.u32 s4, $0x1;
	s4 =	sadd.s32 s22, s1  }
0x15: {  	[timem:s6], [sflag:s23] =	dma.local [hbm:s4], s21  }
0x16: {  	_ =	swait.ge [sflag:s23], s21  }
0x17: {  	s2 =	ssub.s32 $0x0, s21;
	[sflag:s23] =	ssyncset.done $0x0  }
0x18: {  	[sflag:s23] =	ssyncadd.s32 s2;
	_ =	sdelay $0x1  }
0x19: {  	s24 =	simm.s32 $0x1B8B  }
0x1a: {  	_ =	swait.ge [sflag:s24], $0x1  }
0x1b: {  	[sflag:s24] =	ssyncset.done $0x0  }
0x1c: {  	s26 =	simm.s32 $0x1B8E;
	s25 =	sld [smem:$0x3FFE];
	[sflag:s24] =	ssyncadd.s32 $0xFFFFFFFF  }
0x1d: {  	s27 =	simm.s32 $execute0_lowered;
	[smem:$0x3FD2] =	sst s26  }
0x1e: {  	s4 =	sshll.u32 s27, $0x1;
	_ =	strace $0x80000046;
	[dreg:$0x1] =	wrdreg $0xFFFFFFFF  }
0x1f: {  	s28 =	simm.s32 $_size_execute0_lowered;
	s1 =	sadd.s32 s1, s4;
	[dreg:$0x0] =	wrdreg $0x0  }
0x20: {  	s4 =	sshll.u32 s28, $0x1;
	[dreg:$0x2] =	wrdreg s1  }
0x21: {  	[dreg:$0x3] =	wrdreg s4  }
0x22: {  	[dreg:$0x4] =	wrdreg $0xC0  }
0x23: {  	_ =	task [dreg:s6], $0x5FFFF  }
0x24: {  	[dreg:$0x1] =	wrdreg $0xFFFFFFFF  }
0x25: {  	[dreg:$0x0] =	wrdreg $0x60  }
0x26: {  	[dreg:$0x2] =	wrdreg s25  }
0x27: {  	[dreg:$0x3] =	wrdreg $0x9  }
0x28: {  	_ =	task.clear_ibuf [dreg:s6], $0x4FFFF;
	_ =	strace $0x90000046  }
0x29: {  	s29 =	simm.s32 $0x9;
	_ =	strace $0x80000048  }
0x2a: {  	_ =	swait.ge [sflag:s29], $0x1  }
0x2b: {  	[sflag:s29] =	ssyncadd.s32 $0xFFFFFFFF  }
0x2c: {  	_ =	strace $0x90000048  }
0x2d: {  	_ =	sfence  }
0x2e: {  	s30 =	sld [smem:$0x0];
	_ =	sdelay $0x2  }
0x2f: {  	s31 =	sshll.u32 s3, $0xD;
	s3 =	sshrl.u32 s3, $0x2  }
0x30: {  	s2 =	sand.u32 $0x4000, s31;
	s1 =	sadd.s32 s3, s30  }
0x31: {  	s0 =	sor.u32 s2, s0;
	s1 =	sshll.u32 s1, $0x11  }
0x32: {  	s0 =	sor.u32 s1, s0  }
0x33: {  	s0 =	sadd.s32 $0x8F2B, s0  }
0x34: {  	[sflag:s0] =	ssyncadd.remote.s32 $0x1  }
0x35: {  	_ =	sfence.sel $0xFFFF  }
0x36: {  	[dreg:$0x0] =	wrdreg $0xFFFFFFFF;
	(pc) =	sbr.abs _section_cstart, $3  }
0x37: {  	[dreg:$0x1] =	wrdreg $0xFFFFFFFF  }
0x38: {  	_ =	task.clear_ibuf [dreg:s6], $0x2FFFF;
	_ =	strace $0x9FFFFFFF  }
0x39: {  	(tm) =	ssettm $0x7FFFFFFF  }
tec
execute0_lowered:
.L_overlay_start_1:
0x0: {  	(tag) =	ssettag $0x1  }
0x1: {  	s4 =	rddreg [dreg:$0x0]  }
0x2: {  	s0 =	rddreg [dreg:$0x1];
	s2 =	srdreg.scid  }
0x3: {  	_ =	strace $0x80000047;
	s1 =	stileid.u32;
	s9 =	simm.s32 $0x2  }
0x4: {  	s17 =	simm.s32 $0x0;
	p0 =	por $0x0, $0x0;
	s15 =	simm.s32 $0x0  }
0x5: {  	s14 =	simm.s32 $0x0;
	s16 =	simm.s32 $0x0;
	s11 =	simm.s32 $0x0  }
0x6: {  	s13 =	simm.s32 $0x0;
	s3 =	sshll.u32 s2, $0x4;
	s2 =	sadd.s32 $0x402A00, s4  }
0x7: {  	s4 =	sadd.s32 $0x2A00, s4;
	s5 =	sand.u32 $0x10, s3;
	s3 =	sand.u32 $0x1, s1  }
.Ltmp0:
0x8: {  	s6 =	sor.u32 s1, s5;
	s7 =	ssub.s32 $0x2, s3;
	(pc) =	sbr.rel .LBB1_1-.Ltmp0, $4  }
0x9: {  	s5 =	simm.s32 $0x1;
	s8 =	sshrl.u32 s7, $0x1;
	s7 =	sand.u32 $0x1, s7  }
0xa: {  	s12 =	smov.u32 s3;
	[sflag:s5] =	ssyncpa.u1 $0x0;
	s7 =	sadd.s32 s7, s8  }
0xb: {  	s6 =	sshrl.u32 s6, $0x1;
	[sflag:s9] =	ssyncpa.u1 $0x0;
	s7 =	sshll.u32 s7, $0x5  }
0xc: {  	s9 =	simm.s32 $0x0;
	s10 =	smov.u32 s6;
	s8 =	sor.u32 $0x1, s7  }
.LBB1_4:
0xd: {  	v5 =	vld [tilespmem:s20+$0xFFFFFFD0];
	[tilespmem:s21+$0x2040 ss:$0x81] =	vst.msk $0xffff, v1  }
0xe: {  	v58 =	vld [tilespmem:s20+$0xFFFFFFE0];
	[tilespmem:s21+$0x2850 ss:$0x81] =	vst.msk $0xffff, v2  }
0xf: {  	s22 =	sshra.s32 s22, $0x2;
	v59 =	vld [tilespmem:s20+$0xFFFFFFF0];
	[tilespmem:s21+$0x3060 ss:$0x81] =	vst.msk $0xffff, v3  }
0x10: {  	v60 =	vld [tilespmem:s20+$0x0];
	[tilespmem:s21+$0x0 ss:$0x81] =	vst.msk $0xffff, v0;
	s19 =	sadd.s32 s22, s19  }
0x11: {  	v61 =	vld [tilespmem:s20+$0x10];
	[tilespmem:s19+$0x3870 ss:$0x81] =	vst.msk $0xffff, v4  }
0x12: {  	s17 =	sshll.u32 s17, $0x7;
	s26 =	sshll.u32 s14, $0x3;
	v62 =	vld [tilespmem:s20+$0x20];
	[tilespmem:s19+$0x810 ss:$0x81] =	vst.msk $0xffff, v5  }
0x13: {  	v63 =	vld [tilespmem:s20+$0xFFFFFFC0];
	s16 =	sshll.u32 s16, $0x14;
	s27 =	sand.u32 $0x7C00, s17;
	s21 =	sand.u32 $0x7C00, s26;
	[tilespmem:s19+$0x1020 ss:$0x81] =	vst.msk $0xffff, v58  }
0x14: {  	s15 =	sshll.u32 s15, $0xC;
	s17 =	sand.u32 $0x380, s17;
	s28 =	sadd.s32 s21, s27;
	[tilespmem:s19+$0x1830 ss:$0x81] =	vst.msk $0xffff, v59  }
0x15: {  	s29 =	sshrl.u32 s14, $0x3;
	s16 =	sadd.s32 s4, s16;
	s17 =	sor.u32 s17, s28;
	[tilespmem:s19+$0x2040 ss:$0x81] =	vst.msk $0xffff, v60  }
0x16: {  	s20 =	sand.u32 $0xF, s29;
	s15 =	sadd.s32 s15, s16;
	s17 =	sshrl.u32 s17, $0x3;
	[tilespmem:s19+$0x2850 ss:$0x81] =	vst.msk $0xffff, v61  }
0x17: {  	s15 =	sadd.s32 s20, s15;
	[tilespmem:s19+$0x3060 ss:$0x81] =	vst.msk $0xffff, v62;
	s30 =	sand.u32 $0xFF0, s17  }
0x18: {  	s31 =	sand.u32 $0x7, s14;
	[tilespmem:s19+$0x0 ss:$0x81] =	vst.msk $0xffff, v63;
	s15 =	sadd.s32 s30, s15  }
0x19: {  	[hbm4b:s15+s31] =	stream.linear.scatter [tilespmem:s18], [sflag:$0x2], $0x4000, $0x20;
	[tilespmem:$0x10100] =	vst v63  }
.LBB1_5:
0x1a: {  	s18 =	sadd.s32 $0x80, s9  }
0x1b: {  	s14 =	sadd.s32 $0x10, s10;
	s19 =	smov.u32 s10;
	p2 =	sgt.s32 s18, $0xFF  }
0x1c: {  	s19 =	smov.u32 @p2 s14  }
0x1d: {  	s20 =	smov.u32 s11;
	s14 =	sadd.s32 $0x80, s11;
	p3 =	sgt.s32 s19, $0xFF  }
0x1e: {  	s20 =	smov.u32 @p3 s14  }
0x1f: {  	s21 =	smov.u32 s12;
	s14 =	sadd.s32 $0x2, s12;
	p4 =	sgt.s32 s20, $0x7F  }
0x20: {  	p1 =	slt.u32 s13, $0x2;
	s21 =	smov.u32 @p4 s14  }
0x21: {  	s17 =	smov.u32 s9;
	s18 =	simm.s32 @p2 $0x0;
	p2 =	sgt.s32 s21, $0x1  }
0x22: {  	s22 =	simm.s32 @!p1 $0x2;
	s21 =	smov.u32 @p2 s3;
	p2 =	sne.s32 s13, s8  }
.Ltmp1:
0x23: {  	s15 =	smov.u32 s10;
	_ =	swait.ge @!p1 [sflag:s22], $0x4000;
	(pc) =	sbr.rel @!p2 .LBB1_6-.Ltmp1, $4  }
0x24: {  	s16 =	smov.u32 s12;
	p0 =	por !p0, !p0;
	[sflag:s22] =	ssyncset.done @!p1 $0x0  }
0x25: {  	s9 =	smov.u32 s18;
	s19 =	smov.u32 @p3 s6;
	[sflag:s22] =	ssyncadd.s32 @!p1 $0xFFFFC000  }
0x26: {  	s10 =	smov.u32 s19;
	s20 =	simm.s32 @p4 $0x0;
	s14 =	smov.u32 s11  }
0x27: {  	s11 =	smov.u32 s20;
	s13 =	sadd.s32 $0x1, s13;
	s12 =	smov.u32 s21  }
.LBB1_1:
0x28: {  	p1 =	sge.u32 s13, s7;
	s31 =	sadd.s32 $0xFFFFFFFF, s13  }
0x29: {  	s18 =	sxor.u32 @!p1 $0xFFFFFFFF, s13;
	s19 =	sand.u32 @!p1 $0x78, s9;
	s20 =	sshll.u32 @!p1 s10, $0x8  }
0x2a: {  	s21 =	sshll.u32 @!p1 s9, $0x3;
	s22 =	sshll.u32 @!p1 s10, $0x7;
	s18 =	sshll.u32 @!p1 s18, $0xE  }
0x2b: {  	s20 =	sand.u32 @!p1 $0xF800, s20;
	s21 =	sand.u32 @!p1 $0xFC00, s21;
	s18 =	sand.u32 @!p1 $0x4000, s18  }
0x2c: {  	s20 =	sadd.s32 @!p1 s20, s21;
	s21 =	sand.u32 @!p1 $0x300, s22;
	s22 =	sand.u32 @!p1 $0x80, s22  }
0x2d: {  	s20 =	sor.u32 @!p1 s21, s20;
	s19 =	sor.u32 @!p1 s19, s22;
	s21 =	sshll.u32 @!p1 s12, $0x14  }
0x2e: {  	s22 =	sshll.u32 @!p1 s11, $0xD;
	s20 =	sshrl.u32 @!p1 s20, $0x3;
	s21 =	sadd.s32 @!p1 s2, s21  }
0x2f: {  	s19 =	sshrl.u32 @!p1 s19, $0x3;
	s21 =	sadd.s32 @!p1 s22, s21;
	s22 =	sand.u32 @!p1 $0x7, s9  }
0x30: {  	s20 =	sand.u32 @!p1 $0x1FE0, s20;
	s19 =	sadd.s32 @!p1 s19, s21;
	s21 =	sshll.u32 @!p1 s22, $0x12  }
0x31: {  	s19 =	sadd.s32 @!p1 s20, s19;
	s20 =	sor.u32 @!p1 $0x80, s21;
	s21 =	simm.s32 @!p1 $0x10000  }
0x32: {  	[tilespmem:s18], [sflag:$0x1] =	stream.strided.gather @!p1 [hbm4b:s19+s20], $0x4000, s21, s20, $0x38;
	[tilespmem:$0x10100] =	vst v63  }
0x33: {  	p1 =	sge.u32 s31, s7  }
.Ltmp2:
0x34: {  	_ = 	snop;
	(pc) =	sbr.rel @p1 .LBB1_5-.Ltmp2, $1  }
0x35: {  	_ =	sdelay $0x3  }
0x36: {  	s18 =	simm.s32 $0x1  }
0x37: {  	_ =	swait.ge [sflag:s5], $0x4000;
	s18 =	simm.s32 @!p0 $0x0  }
0x38: {  	[sflag:s5] =	ssyncset.done $0x0;
	s19 =	sshll.u32 s18, $0xE  }
0x39: {  	[sflag:s5] =	ssyncadd.s32 $0xFFFFC000;
	s20 =	sor.u32 $0x40, s19  }
0x3a: {  	s18 =	smul.u32 $0x10200, s18;
	v0 =	vld [tilespmem:s20+$0x30]  }
0x3b: {  	v3 =	vld [tilespmem:s20+$0xFFFFFFD0]  }
0x3c: {  	s18 =	sshrl.u32 s18, $0x2;
	v4 =	vld [tilespmem:s20+$0xFFFFFFE0]  }
0x3d: {  	v5 =	vld [tilespmem:s20+$0xFFFFFFF0];
	s19 =	sor.u32 $0x8000, s18  }
0x3e: {  	s31 =	sand.u32 $0x1, s13;
	v1 =	vld [tilespmem:s20+$0x0];
	s21 =	sadd.s32 $0x0, s19  }
0x3f: {  	v2 =	vld [tilespmem:s20+$0x10];
	s18 =	smul.u32 $0x10200, s31;
	[tilespmem:s21+$0x3870 ss:$0x81] =	vst.msk $0xffff, v0  }
0x40: {  	[tilespmem:s21+$0x810 ss:$0x81] =	vst.msk $0xffff, v3;
	v3 =	vld [tilespmem:s20+$0x20]  }
0x41: {  	s18 =	sshrl.u32 s18, $0x2;
	v0 =	vld [tilespmem:s20+$0xFFFFFFC0];
	[tilespmem:s21+$0x1020 ss:$0x81] =	vst.msk $0xffff, v4;
	s20 =	sadd.s32 $0x80, s20  }
0x42: {  	s22 =	simm.s32 $0x4;
	s23 =	simm.s32 $0x8;
	s18 =	sor.u32 $0x8000, s18;
	[tilespmem:s21+$0x1830 ss:$0x81] =	vst.msk $0xffff, v5;
	v4 =	vld [tilespmem:s20+$0x30]  }
.LBB1_3:
0x43: {  	p1 =	sne.s32 s23, $0x1FC;
	v5 =	vld [tilespmem:s20+$0xFFFFFFD0];
	[tilespmem:s21+$0x2040 ss:$0x81] =	vst.msk $0xffff, v1  }
0x44: {  	v6 =	vld [tilespmem:s20+$0xFFFFFFE0];
	[tilespmem:s21+$0x2850 ss:$0x81] =	vst.msk $0xffff, v2  }
0x45: {  	s24 =	sshra.s32 s22, $0x2;
	s22 =	smov.u32 s23;
	v7 =	vld [tilespmem:s20+$0xFFFFFFF0];
	[tilespmem:s21+$0x3060 ss:$0x81] =	vst.msk $0xffff, v3  }
.Ltmp3:
0x46: {  	v1 =	vld [tilespmem:s20+$0x0];
	[tilespmem:s21+$0x0 ss:$0x81] =	vst.msk $0xffff, v0;
	s21 =	sadd.s32 s24, s19;
	(pc) =	sbr.rel @p1 .LBB1_3-.Ltmp3, $4  }
0x47: {  	v2 =	vld [tilespmem:s20+$0x10];
	[tilespmem:s21+$0x3870 ss:$0x81] =	vst.msk $0xffff, v4  }
0x48: {  	[tilespmem:s21+$0x810 ss:$0x81] =	vst.msk $0xffff, v5;
	v3 =	vld [tilespmem:s20+$0x20]  }
0x49: {  	v0 =	vld [tilespmem:s20+$0xFFFFFFC0];
	[tilespmem:s21+$0x1020 ss:$0x81] =	vst.msk $0xffff, v6;
	s20 =	sadd.s32 $0x80, s20  }
0x4a: {  	s23 =	sadd.s32 $0x4, s23;
	v4 =	vld [tilespmem:s20+$0x30];
	[tilespmem:s21+$0x1830 ss:$0x81] =	vst.msk $0xffff, v7  }
.Ltmp4:
0x4b: {  	_ = 	snop;
	(pc) =	sbr.rel .LBB1_4-.Ltmp4, $1  }
0x4c: {  	_ =	sdelay $0x3  }
.LBB1_6:
0x4d: {  	_ =	sfence.sel $0x180000  }
0x4e: {  	s2 =	simm.s32 $0x1;
	[bflag:$0x0] =	sbarrier.arrive $0xFFFF  }
0x4f: {  	s31 =	simm.s32 $0x2;
	[sflag:s2] =	ssyncpa.u1 $0x1  }
0x50: {  	[sflag:s31] =	ssyncpa.u1 $0x1  }
0x51: {  	p0 =	sne.s32 s1, $0x0;
	_ =	strace $0x90000047  }
0x52: {  	s0 =	sadd.s32 @!p0 $0x100000, s0;
	[bflag:$0x2] =	sbarrier.arrive $0xFFFF  }
0x53: {  	[sflag:s0] =	ssyncadd.tile.s32 @!p0 $0x1;
	_ =	shalt  }
.Lfunc_end1:
_tile_overlayer_lowered:
.L_overlay_start_2:
0x54: {  	(tag) =	ssettag $0x2  }
0x55: {  	s0 =	rddreg [dreg:$0x0];
	s2 =	stileid.u32  }
0x56: {  	s1 =	rddreg [dreg:$0x1];
	p0 =	sne.s32 s2, $0x0  }
0x57: {  	s3 =	rddreg [dreg:$0x2];
	[bflag:$0x3] =	sbarrier.arrive $0xFFFF;
	s2 =	simm.s32 @!p0 $0x1C01  }
0x58: {  	[timem:s3], [sflag:s2] =	dma.local @!p0 [hbm:s0], s1  }
0x59: {  	s0 =	simm.s32 @!p0 $0x1  }
0x5a: {  	_ =	swait.ge @!p0 [sflag:s0], s1  }
0x5b: {  	s1 =	ssub.s32 @!p0 $0x0, s1;
	[sflag:s0] =	ssyncset.done @!p0 $0x0  }
0x5c: {  	[sflag:s0] =	ssyncadd.s32 @!p0 s1  }
0x5d: {  	[bflag:$0x3] =	sbarrier.arrive $0xFFFF  }
0x5e: {  	_ =	shalt  }

// kernel: sparse-core-data-format-call.cloned.1.call-start
scs
called_computation_lowered:
.L_overlay_start_0:
0x0: {  	s2 =	sld [smem:$0x3FD9]  }
0x1: {  	s3 =	sld [smem:$0x3FFE];
	_ =	sdelay $0x1  }
0x2: {  	s1 =	srdreg.scid  }
0x3: {  	s0 =	sand.u32 $0x1, s1  }
0x4: {  	s18 =	sshll.u32 s0, $0xA;
	s2 =	sadd.s32 s3, s2  }
0x5: {  	s2 =	sadd.s32 s2, s18  }
0x6: {  	[smem:$0x3FC2] =	sst s2  }
0x7: {  	_ = 	snop  }
0x8: {  	s2 =	sld [smem:$0x3FD0];
	(tm) =	ssettm $0x1  }
0x9: {  	s19 =	sld [smem:$0x3FFB];
	_ =	sdelay $0x3  }
0xa: {  	_ =	strace s19  }
0xb: {  	s3 =	sld [smem:$0x3FFC];
	_ =	sdelay $0x3  }
0xc: {  	_ =	strace s3  }
0xd: {  	s3 =	sld [smem:$0x3FFD];
	_ =	sdelay $0x3  }
0xe: {  	_ =	strace s3  }
0xf: {  	_ =	strace $0x8FFFFFFF  }
0x10: {  	s20 =	sld [smem:$0x3FDB];
	_ =	sdelay $0x1  }
0x11: {  	s4 =	simm.s32 $_scs_section_size  }
0x12: {  	s5 =	simm.s32 $_size__tile_overlayer_lowered;
	s6 =	simm.s32 $_tile_overlayer_lowered  }
0x13: {  	s23 =	simm.s32 $0x1BFF;
	s22 =	sshll.u32 s6, $0x1;
	s3 =	sadd.s32 s4, s20  }
0x14: {  	s7 =	simm.s32 $0x0;
	s21 =	sshll.u32 s5, $0x1;
	s5 =	sadd.s32 s22, s3  }
0x15: {  	[timem:s7], [sflag:s23] =	dma.local [hbm:s5], s21  }
0x16: {  	_ =	swait.ge [sflag:s23], s21  }
0x17: {  	s4 =	ssub.s32 $0x0, s21;
	[sflag:s23] =	ssyncset.done $0x0  }
0x18: {  	[sflag:s23] =	ssyncadd.s32 s4;
	_ =	sdelay $0x1  }
0x19: {  	s24 =	simm.s32 $0x1B8B  }
0x1a: {  	_ =	swait.ge [sflag:s24], $0x1  }
0x1b: {  	[sflag:s24] =	ssyncset.done $0x0  }
0x1c: {  	s26 =	simm.s32 $0x1B8E;
	s25 =	sld [smem:$0x3FFE];
	[sflag:s24] =	ssyncadd.s32 $0xFFFFFFFF  }
0x1d: {  	s27 =	simm.s32 $execute0_lowered;
	[smem:$0x3FD2] =	sst s26  }
0x1e: {  	s5 =	sshll.u32 s27, $0x1;
	_ =	strace $0x8000004C;
	[dreg:$0x1] =	wrdreg $0xFFFFFFFF  }
0x1f: {  	s28 =	simm.s32 $_size_execute0_lowered;
	s3 =	sadd.s32 s3, s5;
	[dreg:$0x0] =	wrdreg $0x0  }
0x20: {  	s5 =	sshll.u32 s28, $0x1;
	[dreg:$0x2] =	wrdreg s3  }
0x21: {  	[dreg:$0x3] =	wrdreg s5  }
0x22: {  	[dreg:$0x4] =	wrdreg $0xC0  }
0x23: {  	_ =	task [dreg:s7], $0x5FFFF  }
0x24: {  	[dreg:$0x1] =	wrdreg $0xFFFFFFFF  }
0x25: {  	[dreg:$0x0] =	wrdreg $0x60  }
0x26: {  	[dreg:$0x2] =	wrdreg s25  }
0x27: {  	[dreg:$0x3] =	wrdreg s2  }
0x28: {  	[dreg:$0x4] =	wrdreg $0x9  }
0x29: {  	_ =	task.clear_ibuf [dreg:s7], $0x5FFFF;
	_ =	strace $0x9000004C  }
0x2a: {  	s29 =	simm.s32 $0x9;
	_ =	strace $0x8000004E  }
0x2b: {  	_ =	swait.ge [sflag:s29], $0x1  }
0x2c: {  	[sflag:s29] =	ssyncadd.s32 $0xFFFFFFFF  }
0x2d: {  	_ =	strace $0x9000004E  }
0x2e: {  	_ =	sfence  }
0x2f: {  	s30 =	sld [smem:$0x0];
	_ =	sdelay $0x2  }
0x30: {  	s31 =	sshll.u32 s1, $0xD;
	s1 =	sshrl.u32 s1, $0x2  }
0x31: {  	s3 =	sand.u32 $0x4000, s31;
	s1 =	sadd.s32 s1, s30  }
0x32: {  	s0 =	sor.u32 s3, s0;
	s1 =	sshll.u32 s1, $0x11  }
0x33: {  	s0 =	sor.u32 s1, s0  }
0x34: {  	s0 =	sadd.s32 $0x8F2B, s0  }
0x35: {  	[sflag:s0] =	ssyncadd.remote.s32 $0x1  }
0x36: {  	_ =	sfence.sel $0xFFFF  }
0x37: {  	[dreg:$0x0] =	wrdreg $0xFFFFFFFF;
	(pc) =	sbr.abs _section_cstart, $3  }
0x38: {  	[dreg:$0x1] =	wrdreg $0xFFFFFFFF  }
0x39: {  	_ =	task.clear_ibuf [dreg:s7], $0x2FFFF;
	_ =	strace $0x9FFFFFFF  }
0x3a: {  	(tm) =	ssettm $0x7FFFFFFF  }
0x3b: {  	_ =	shalt  }
tec
execute0_lowered:
.L_overlay_start_1:
0x0: {  	(tag) =	ssettag $0x1  }
0x1: {  	s0 =	srdreg.scid;
	s8 =	rddreg [dreg:$0x0];
	s31 =	simm.s32 $0x2  }
0x2: {  	s15 =	simm.s32 $0x0;
	s11 =	simm.s32 $0x800;
	s1 =	sshll.u32 s0, $0x4  }
0x3: {  	s17 =	simm.s32 $0x0;
	s0 =	stileid.u32;
	s1 =	sand.u32 $0x10, s1  }
0x4: {  	s16 =	simm.s32 $0x0;
	s2 =	sshll.u32 s0, $0x6;
	s1 =	sor.u32 s0, s1  }
0x5: {  	s18 =	simm.s32 $0x0;
	s6 =	sshll.u32 s1, $0x5;
	s1 =	sand.u32 $0x80, s2  }
0x6: {  	s2 =	sand.u32 $0x1, s0;
	s3 =	sand.u32 $0x380, s6;
	s4 =	ssub.s32 $0x100, s1  }
0x7: {  	s5 =	ssub.s32 $0x4, s2;
	s7 =	sshrl.u32 s4, $0x7;
	s9 =	ssub.s32 $0x400, s3  }
0x8: {  	s4 =	sshrl.u32 s4, $0x8;
	s7 =	sand.u32 $0x1, s7;
	s10 =	sand.u32 $0x380, s9  }
0x9: {  	s4 =	sadd.s32 s4, s7;
	p0 =	sne.s32 s10, $0x0;
	s7 =	simm.s32 $0x1  }
0xa: {  	s9 =	sshrl.u32 s9, $0xA;
	s7 =	simm.s32 @!p0 $0x0;
	s29 =	smul.u32 s4, s5  }
0xb: {  	s12 =	simm.s32 $0x0;
	s30 =	sshll.u32 s0, $0xD;
	s7 =	sadd.s32 s7, s9  }
0xc: {  	s14 =	simm.s32 $0x0;
	s6 =	sor.u32 s30, s6;
	s7 =	smul.u32 s7, s29  }
.Ltmp0:
0xd: {  	s13 =	smov.u32 s2;
	s5 =	rddreg [dreg:$0x1];
	(pc) =	sbr.rel .LBB1_1-.Ltmp0, $4  }
0xe: {  	s10 =	simm.s32 $0x400;
	s4 =	rddreg [dreg:$0x2];
	_ =	strace $0x8000004D  }
0xf: {  	s9 =	sand.u32 $0x4380, s6;
	s6 =	simm.s32 $0x1;
	s7 =	smul.u32 $0x7, s7  }
0x10: {  	p0 =	por $0x0, $0x0;
	s8 =	sadd.s32 s9, s8;
	[sflag:s6] =	ssyncpa.u1 $0x0  }
0x11: {  	[sflag:s31] =	ssyncpa.u1 $0x0;
	s8 =	sadd.s32 $0x2A00, s8;
	s9 =	sadd.s32 $0x1, s7  }
.LBB1_4:
0x12: {  	v5 =	vld [tilespmem:s22+$0xFFFFFFD0];
	[tilespmem:s21+$0x2040 ss:$0x81] =	vst.msk $0xffff, v1  }
0x13: {  	v58 =	vld [tilespmem:s22+$0xFFFFFFE0];
	[tilespmem:s21+$0x2850 ss:$0x81] =	vst.msk $0xffff, v2  }
0x14: {  	s23 =	sshra.s32 s23, $0x2;
	v59 =	vld [tilespmem:s22+$0xFFFFFFF0];
	[tilespmem:s21+$0x3060 ss:$0x81] =	vst.msk $0xffff, v3  }
0x15: {  	v60 =	vld [tilespmem:s22+$0x0];
	[tilespmem:s21+$0x0 ss:$0x81] =	vst.msk $0xffff, v0;
	s20 =	sadd.s32 s23, s20  }
0x16: {  	v61 =	vld [tilespmem:s22+$0x10];
	[tilespmem:s20+$0x3870 ss:$0x81] =	vst.msk $0xffff, v4  }
0x17: {  	v62 =	vld [tilespmem:s22+$0x20];
	[tilespmem:s20+$0x810 ss:$0x81] =	vst.msk $0xffff, v5  }
0x18: {  	v63 =	vld [tilespmem:s22+$0xFFFFFFC0];
	s18 =	smul.u32 $0x38000, s18;
	[tilespmem:s20+$0x1020 ss:$0x81] =	vst.msk $0xffff, v58  }
0x19: {  	[tilespmem:s20+$0x1830 ss:$0x81] =	vst.msk $0xffff, v59  }
0x1a: {  	s18 =	sadd.s32 s5, s18;
	[tilespmem:s20+$0x2040 ss:$0x81] =	vst.msk $0xffff, v60  }
0x1b: {  	s16 =	sshll.u32 s16, $0xF;
	s17 =	sadd.s32 s17, s18;
	[tilespmem:s20+$0x2850 ss:$0x81] =	vst.msk $0xffff, v61  }
0x1c: {  	s15 =	sshll.u32 s15, $0x5;
	s16 =	sadd.s32 s16, s17;
	[tilespmem:s20+$0x3060 ss:$0x81] =	vst.msk $0xffff, v62  }
0x1d: {  	[tilespmem:s20+$0x0 ss:$0x81] =	vst.msk $0xffff, v63;
	s15 =	sadd.s32 s15, s16  }
0x1e: {  	[hbm4b:s15+s10] =	stream.strided.scatter [tilespmem:s19], [sflag:$0x2], $0x4000, s11, s10, $0x20;
	[tilespmem:$0x10100] =	vst v63  }
.LBB1_5:
0x1f: {  	s19 =	sadd.s32 $0x1, s12  }
0x20: {  	s16 =	sadd.s32 $0x2, s13;
	s20 =	smov.u32 s13;
	p2 =	sgt.s32 s19, $0x6  }
0x21: {  	s20 =	smov.u32 @p2 s16  }
0x22: {  	s19 =	simm.s32 @p2 $0x0;
	p2 =	sgt.s32 s20, $0x6  }
0x23: {  	p1 =	slt.u32 s14, $0x2;
	s20 =	smov.u32 @p2 s2;
	p2 =	sne.s32 s14, s9  }
.Ltmp1:
0x24: {  	s15 =	simm.s32 @!p1 $0x2;
	(pc) =	sbr.rel @!p2 .LBB1_6-.Ltmp1, $4  }
0x25: {  	s21 =	sadd.s32 $0x1, s14;
	s18 =	smov.u32 s13;
	_ =	swait.ge @!p1 [sflag:s15], $0x4000  }
0x26: {  	p0 =	por !p0, !p0;
	s17 =	smov.u32 s1;
	[sflag:s15] =	ssyncset.done @!p1 $0x0  }
0x27: {  	s16 =	smov.u32 s12;
	s12 =	smov.u32 s19;
	[sflag:s15] =	ssyncadd.s32 @!p1 $0xFFFFC000  }
0x28: {  	s15 =	smov.u32 s3;
	s14 =	smov.u32 s21;
	s13 =	smov.u32 s20  }
.LBB1_1:
0x29: {  	p1 =	sge.u32 s14, s7  }
0x2a: {  	s20 =	smul.u32 @!p1 $0x38000, s13  }
0x2b: {  	s31 =	sadd.s32 $0xFFFFFFFF, s14;
	s19 =	sxor.u32 @!p1 $0xFFFFFFFF, s14;
	s21 =	sshll.u32 @!p1 s12, $0xF  }
0x2c: {  	s22 =	simm.s32 @!p1 $0x2000;
	s19 =	sshll.u32 @!p1 s19, $0xE;
	s20 =	sadd.s32 @!p1 s20, s8  }
0x2d: {  	s19 =	sand.u32 @!p1 $0x4000, s19;
	s20 =	sadd.s32 @!p1 s21, s20;
	s21 =	simm.s32 @!p1 $0x400  }
0x2e: {  	[tilespmem:s19], [sflag:$0x1] =	stream.strided.gather @!p1 [hbm4b:s20+s21], $0x4000, s22, s21, $0x38;
	[tilespmem:$0x10100] =	vst v63  }
0x2f: {  	p1 =	sge.u32 s31, s7  }
.Ltmp2:
0x30: {  	_ = 	snop;
	(pc) =	sbr.rel @p1 .LBB1_5-.Ltmp2, $1  }
0x31: {  	_ =	sdelay $0x3  }
0x32: {  	s19 =	simm.s32 $0x1  }
0x33: {  	_ =	swait.ge [sflag:s6], $0x4000;
	s19 =	simm.s32 @!p0 $0x0  }
0x34: {  	[sflag:s6] =	ssyncset.done $0x0;
	s20 =	sshll.u32 s19, $0xE  }
0x35: {  	[sflag:s6] =	ssyncadd.s32 $0xFFFFC000;
	s22 =	sor.u32 $0x40, s20  }
0x36: {  	s19 =	smul.u32 $0x10200, s19;
	v0 =	vld [tilespmem:s22+$0x30]  }
0x37: {  	v3 =	vld [tilespmem:s22+$0xFFFFFFD0]  }
0x38: {  	s19 =	sshrl.u32 s19, $0x2;
	v4 =	vld [tilespmem:s22+$0xFFFFFFE0]  }
0x39: {  	v5 =	vld [tilespmem:s22+$0xFFFFFFF0];
	s20 =	sor.u32 $0x8000, s19  }
0x3a: {  	s31 =	sand.u32 $0x1, s14;
	v1 =	vld [tilespmem:s22+$0x0];
	s21 =	sadd.s32 $0x0, s20  }
0x3b: {  	v2 =	vld [tilespmem:s22+$0x10];
	s19 =	smul.u32 $0x10200, s31;
	[tilespmem:s21+$0x3870 ss:$0x81] =	vst.msk $0xffff, v0  }
0x3c: {  	[tilespmem:s21+$0x810 ss:$0x81] =	vst.msk $0xffff, v3;
	v3 =	vld [tilespmem:s22+$0x20]  }
0x3d: {  	s19 =	sshrl.u32 s19, $0x2;
	v0 =	vld [tilespmem:s22+$0xFFFFFFC0];
	[tilespmem:s21+$0x1020 ss:$0x81] =	vst.msk $0xffff, v4;
	s22 =	sadd.s32 $0x80, s22  }
0x3e: {  	s23 =	simm.s32 $0x4;
	s24 =	simm.s32 $0x8;
	s19 =	sor.u32 $0x8000, s19;
	[tilespmem:s21+$0x1830 ss:$0x81] =	vst.msk $0xffff, v5;
	v4 =	vld [tilespmem:s22+$0x30]  }
.LBB1_3:
0x3f: {  	p1 =	sne.s32 s24, $0x1FC;
	v5 =	vld [tilespmem:s22+$0xFFFFFFD0];
	[tilespmem:s21+$0x2040 ss:$0x81] =	vst.msk $0xffff, v1  }
0x40: {  	v6 =	vld [tilespmem:s22+$0xFFFFFFE0];
	[tilespmem:s21+$0x2850 ss:$0x81] =	vst.msk $0xffff, v2  }
0x41: {  	s25 =	sshra.s32 s23, $0x2;
	s23 =	smov.u32 s24;
	v7 =	vld [tilespmem:s22+$0xFFFFFFF0];
	[tilespmem:s21+$0x3060 ss:$0x81] =	vst.msk $0xffff, v3  }
.Ltmp3:
0x42: {  	v1 =	vld [tilespmem:s22+$0x0];
	[tilespmem:s21+$0x0 ss:$0x81] =	vst.msk $0xffff, v0;
	s21 =	sadd.s32 s25, s20;
	(pc) =	sbr.rel @p1 .LBB1_3-.Ltmp3, $4  }
0x43: {  	v2 =	vld [tilespmem:s22+$0x10];
	[tilespmem:s21+$0x3870 ss:$0x81] =	vst.msk $0xffff, v4  }
0x44: {  	[tilespmem:s21+$0x810 ss:$0x81] =	vst.msk $0xffff, v5;
	v3 =	vld [tilespmem:s22+$0x20]  }
0x45: {  	v0 =	vld [tilespmem:s22+$0xFFFFFFC0];
	[tilespmem:s21+$0x1020 ss:$0x81] =	vst.msk $0xffff, v6;
	s22 =	sadd.s32 $0x80, s22  }
0x46: {  	s24 =	sadd.s32 $0x4, s24;
	v4 =	vld [tilespmem:s22+$0x30];
	[tilespmem:s21+$0x1830 ss:$0x81] =	vst.msk $0xffff, v7  }
.Ltmp4:
0x47: {  	_ = 	snop;
	(pc) =	sbr.rel .LBB1_4-.Ltmp4, $1  }
0x48: {  	_ =	sdelay $0x3  }
.LBB1_6:
0x49: {  	_ =	sfence.sel $0x180000  }
0x4a: {  	s1 =	simm.s32 $0x1;
	[bflag:$0x0] =	sbarrier.arrive $0xFFFF  }
0x4b: {  	s31 =	simm.s32 $0x2;
	[sflag:s1] =	ssyncpa.u1 $0x1  }
0x4c: {  	[sflag:s31] =	ssyncpa.u1 $0x1  }
0x4d: {  	p0 =	sne.s32 s0, $0x0;
	_ =	strace $0x9000004D  }
0x4e: {  	s0 =	sadd.s32 @!p0 $0x100000, s4;
	[bflag:$0x2] =	sbarrier.arrive $0xFFFF  }
0x4f: {  	[sflag:s0] =	ssyncadd.tile.s32 @!p0 $0x1;
	_ =	shalt  }
.Lfunc_end1:
_tile_overlayer_lowered:
.L_overlay_start_2:
0x50: {  	(tag) =	ssettag $0x2  }
0x51: {  	s0 =	rddreg [dreg:$0x0];
	s2 =	stileid.u32  }
0x52: {  	s1 =	rddreg [dreg:$0x1];
	p0 =	sne.s32 s2, $0x0  }
0x53: {  	s3 =	rddreg [dreg:$0x2];
	[bflag:$0x3] =	sbarrier.arrive $0xFFFF;
	s2 =	simm.s32 @!p0 $0x1C01  }
0x54: {  	[timem:s3], [sflag:s2] =	dma.local @!p0 [hbm:s0], s1  }
0x55: {  	s0 =	simm.s32 @!p0 $0x1  }
0x56: {  	_ =	swait.ge @!p0 [sflag:s0], s1  }
0x57: {  	s1 =	ssub.s32 @!p0 $0x0, s1;
	[sflag:s0] =	ssyncset.done @!p0 $0x0  }
0x58: {  	[sflag:s0] =	ssyncadd.s32 @!p0 s1  }
0x59: {  	[bflag:$0x3] =	sbarrier.arrive $0xFFFF  }
0x5a: {  	_ =	shalt  }

</sc_bundles>
